<compile_context>
chip_gen: v7x
topology: tpu7x:2x2x1
jax: 0.10.2.dev20260603
libtpu: 0.0.44.dev20260713+nightly
codegen_flags: <defaults>
</compile_context>

<pallas_src>
import jax
import jax.numpy as jnp
from jax.experimental import pallas as pl
from jax.experimental.pallas import tpu as pltpu
from jax.experimental.pallas import tpu_sc as plsc

_N = 2048
_NBIN = 64
_MPB = 256
_CUT = 0.2
_TILE = 256
_NT = _N // _TILE
_NCLS = 12
_D1 = 512
_D2 = 520

_SELU_SCALE = 1.0507009873554805
_SELU_ALPHA = 1.6732632423543772


def _selu(x):
    return _SELU_SCALE * jnp.where(x > 0, x, _SELU_ALPHA * (jnp.exp(x) - 1.0))


def _mm(a, b):
    return jnp.dot(a, b, preferred_element_type=jnp.float32)


def _dotT(a, b):
    return jax.lax.dot_general(
        a, b, (((1,), (1,)), ((), ())), preferred_element_type=jnp.float32)


def _encode(x):
    ids = x[:, 0:1].astype(jnp.int32)
    ioh = jax.lax.broadcasted_iota(jnp.int32, (_N, _NCLS), 1)
    oh = (ids == ioh).astype(jnp.float32)
    return jnp.concatenate([oh, x[:, 1:]], axis=1)


def _prep_body(x_ref, wd_ref, bd_ref, pts_ref, lsh_ref):
    enc = _encode(x_ref[0])
    xd = _selu(_mm(enc, wd_ref[...]) + bd_ref[...])
    lsh_ref[0] = xd[:, :_NBIN]
    pts_ref[0] = xd[:, _NBIN:]


def _mlp1_body(x_ref, W1, b1, W2, b2, W3, b3,
               c1Wt, c1bt, c1Wh, c1th,
               fh_ref, gate_ref, base_ref):
    enc = _encode(x_ref[0])
    x = _selu(_mm(enc, W1[...]) + b1[...])
    x = _selu(_mm(x, W2[...]) + b2[...])
    x = _selu(_mm(x, W3[...]) + b3[...])
    gate = jax.nn.sigmoid(_mm(x, c1Wt[...]) + c1bt[...])
    fh_ref[0] = _mm(x, c1th[...]).astype(jnp.bfloat16)
    gate_ref[0] = gate.astype(jnp.bfloat16)
    base_ref[0] = ((1.0 - gate) * _mm(x, c1Wh[...])).astype(jnp.bfloat16)


_CHUNK = 128
_NGRP = _CHUNK // 16


def _route_body(lsh_hbm, m_hbm, lsh_v, cnt_v, offs_v, m_v, csh, acf):
    sample = jax.lax.axis_index("c")
    s = jax.lax.axis_index("s")
    base = sample * _N + s * _CHUNK
    pltpu.sync_copy(lsh_hbm.at[pl.ds(base * _NBIN, _CHUNK * _NBIN)], lsh_v)
    zeros16f = jnp.zeros((16,), jnp.float32)
    for q in range(_NBIN // 16):
        cnt_v[q * 16:(q + 1) * 16] = zeros16f
    iota16 = jax.lax.broadcasted_iota(jnp.int32, (16,), 0)
    lane0 = iota16 == 0
    bins_all = []
    ranks_all = []
    for g in range(_NGRP):
        rowoff = (iota16 + g * 16) * _NBIN
        v0 = plsc.load_gather(lsh_v, [rowoff])

        def cbody(c, carry, rowoff=rowoff):
            cur_max, cur_bin = carry
            cvec = jnp.zeros((16,), jnp.int32) + c
            v = plsc.load_gather(lsh_v, [rowoff + cvec])
            upd = v > cur_max
            return (jnp.where(upd, v, cur_max), jnp.where(upd, cvec, cur_bin))

        _, bins = jax.lax.fori_loop(
            1, _NBIN, cbody, (v0, jnp.zeros((16,), jnp.int32)))

        def bbody(b, prev, bins=bins):
            bvec = jnp.zeros((16,), jnp.int32) + b
            mask = bins == bvec
            mi = mask.astype(jnp.int32)
            pc = plsc.cumsum(mi)
            cntb = plsc.load_gather(cnt_v, [bvec])
            prev = jnp.where(
                mask, cntb + (pc - mi).astype(jnp.float32), prev)
            tot = plsc.all_reduce_population_count(mask)
            plsc.store_scatter(
                cnt_v, [bvec], cntb + tot.astype(jnp.float32), mask=lane0)
            return prev

        rank = jax.lax.fori_loop(0, _NBIN, bbody, zeros16f)
        bins_all.append(bins)
        ranks_all.append(rank)
    pltpu.sync_copy(cnt_v, csh.at[pl.ds(s * _NBIN, _NBIN)])
    plsc.subcore_barrier()
    pltpu.sync_copy(csh, acf)
    for q in range(_NBIN // 16):
        acc = zeros16f
        for j in range(16):
            f = jnp.where(j < s, 1.0, 0.0)
            acc = acc + f * acf[j * _NBIN + q * 16:j * _NBIN + (q + 1) * 16]
        offs_v[q * 16:(q + 1) * 16] = acc
    for g in range(_NGRP):
        off = plsc.load_gather(offs_v, [bins_all[g]])
        grank = ranks_all[g] + off
        mval = jnp.where(
            grank < float(_MPB), bins_all[g].astype(jnp.float32), -1.0)
        m_v[g * 16:(g + 1) * 16] = mval
    pltpu.sync_copy(m_v, m_hbm.at[pl.ds(base, _CHUNK)])


def _make_route(nb):
    return pl.kernel(
        _route_body,
        out_type=jax.ShapeDtypeStruct((nb * _N,), jnp.float32),
        mesh=plsc.VectorSubcoreMesh(
            core_axis_name="c", subcore_axis_name="s", num_cores=nb),
        scratch_types=[
            pltpu.VMEM((_CHUNK * _NBIN,), jnp.float32),
            pltpu.VMEM((_NBIN,), jnp.float32),
            pltpu.VMEM((_NBIN,), jnp.float32),
            pltpu.VMEM((_CHUNK,), jnp.float32),
            pltpu.VMEM_SHARED((16 * _NBIN,), jnp.float32),
            pltpu.VMEM((16 * _NBIN,), jnp.float32),
        ],
        compiler_params=pltpu.CompilerParams(needs_layout_passes=False),
    )


def _adj_body(ptsr_ref, mr_ref, pts_ref, mf_ref, adj_ref, deg_ref):
    rows = ptsr_ref[0]
    ptsf = pts_ref[0]
    mr = mr_ref[0]
    mf = mf_ref[0]
    ior = jax.lax.broadcasted_iota(
        jnp.int32, (_TILE, _NBIN), 1).astype(jnp.float32)
    iof = jax.lax.broadcasted_iota(
        jnp.int32, (_N, _NBIN), 1).astype(jnp.float32)
    bvr = (mr == ior).astype(jnp.float32)
    bvf = (mf == iof).astype(jnp.float32)
    vm = _dotT(bvr, bvf) > 0.5
    sim = _dotT(rows, ptsf)
    sim = jnp.where(vm, sim, -1e9)
    m = jnp.max(sim, axis=1, keepdims=True)
    e = jnp.exp(sim - m)
    d = e / jnp.sum(e, axis=1, keepdims=True)
    d = jnp.where(vm, d, 0.0)
    a = jnp.where(d > _CUT, jnp.exp(-d), 0.0)
    adj_ref[0] = a.astype(jnp.bfloat16)
    deg_ref[0] = jnp.sum(a, axis=1, keepdims=True)


def _gh_body(adj_ref, fh_ref, gate_ref, base_ref, degf_ref, degr_ref,
             out_ref):
    nf = jax.lax.rsqrt(degf_ref[0] + 1e-6)
    nr = jax.lax.rsqrt(degr_ref[0] + 1e-6)
    fhn = (fh_ref[0].astype(jnp.float32) * nf).astype(jnp.bfloat16)
    agg = _mm(adj_ref[0], fhn)
    gate = gate_ref[0].astype(jnp.float32)
    base = base_ref[0].astype(jnp.float32)
    out_ref[0] = (gate * nr * agg + base).astype(jnp.bfloat16)


def _head_body(xg_ref,
               id1W, id1b, id2W, id2b, id3W, id3b,
               idW, idb, chW, chb,
               c2Wt, c2bt, c2Wh, c2th,
               lc_ref, fh_ref, gate_ref, base_ref):
    xg = xg_ref[0].astype(jnp.float32)
    a = _selu(_mm(xg, id1W[...]) + id1b[...])
    a = _selu(_mm(a, id2W[...]) + id2b[...])
    a = _selu(_mm(a, id3W[...]) + id3b[...])
    logits = _mm(a, idW[...]) + idb[...]
    charge = _mm(a, chW[...]) + chb[...]
    lm = jnp.max(logits, axis=1, keepdims=True)
    le = jnp.exp(logits - lm)
    sm = le / jnp.sum(le, axis=1, keepdims=True)
    x2 = jnp.concatenate([xg, sm], axis=1)
    gate = jax.nn.sigmoid(_mm(x2, c2Wt[...]) + c2bt[...])
    lc_ref[0] = jnp.concatenate([logits, charge], axis=1)
    fh_ref[0] = _mm(x2, c2th[...]).astype(jnp.bfloat16)
    gate_ref[0] = gate.astype(jnp.bfloat16)
    base_ref[0] = ((1.0 - gate) * _mm(x2, c2Wh[...])).astype(jnp.bfloat16)


def _tail_body(x_ref, x2g_ref, lc_ref,
               m1W, m1b, m2W, m2b, m3W, m3b,
               mo1W, mo1b, mo2W, mo2b, mo3W, mo3b, moW, mob,
               out_ref):
    enc = _encode(x_ref[0])
    xm = _selu(_mm(enc, m1W[...]) + m1b[...])
    xm = _selu(_mm(xm, m2W[...]) + m2b[...])
    xm = _selu(_mm(xm, m3W[...]) + m3b[...])
    d = jnp.concatenate([x2g_ref[0].astype(jnp.float32), xm], axis=1)
    d = _selu(_mm(d, mo1W[...]) + mo1b[...])
    d = _selu(_mm(d, mo2W[...]) + mo2b[...])
    d = _selu(_mm(d, mo3W[...]) + mo3b[...])
    mom = _mm(d, moW[...]) + mob[...]
    out_ref[0] = jnp.concatenate([lc_ref[0], mom], axis=1)


def _wspec(arr):
    return pl.BlockSpec(arr.shape, lambda *_: (0,) * arr.ndim)


def _full(d):
    return pl.BlockSpec((1, _N, d), lambda b: (b, 0, 0))


def kernel(X, params):
    p = params
    B = X.shape[0]
    f32 = jnp.float32

    def rb(v):
        return v.reshape(1, -1)

    def shp(d):
        return jax.ShapeDtypeStruct((B, _N, d), f32)

    def shpb(d):
        return jax.ShapeDtypeStruct((B, _N, d), jnp.bfloat16)

    pts, lsh = pl.pallas_call(
        _prep_body,
        grid=(B,),
        in_specs=[_full(15), _wspec(p['Wd']),
                  pl.BlockSpec((1, 256), lambda b: (0, 0))],
        out_specs=[_full(192), _full(_NBIN)],
        out_shape=[shp(192), shp(_NBIN)],
    )(X, p['Wd'], rb(p['bd']))

    m = _make_route(B)(lsh.reshape(B * _N * _NBIN))
    m3 = m.reshape(B, _N, 1)

    w1 = [p['W1'], rb(p['b1']), p['W2'], rb(p['b2']), p['W3'], rb(p['b3']),
          p['c1_Wt'], rb(p['c1_bt']), p['c1_Wh'], p['c1_theta']]
    fh1, gate1, base1 = pl.pallas_call(
        _mlp1_body,
        grid=(B,),
        in_specs=[_full(15)] + [_wspec(w) for w in w1],
        out_specs=[_full(_D1), _full(_D1), _full(_D1)],
        out_shape=[shpb(_D1), shpb(_D1), shpb(_D1)],
    )(X, *w1)

    adj, deg = pl.pallas_call(
        _adj_body,
        grid=(B, _NT),
        in_specs=[
            pl.BlockSpec((1, _TILE, 192), lambda b, t: (b, t, 0)),
            pl.BlockSpec((1, _TILE, 1), lambda b, t: (b, t, 0)),
            pl.BlockSpec((1, _N, 192), lambda b, t: (b, 0, 0)),
            pl.BlockSpec((1, _N, 1), lambda b, t: (b, 0, 0)),
        ],
        out_specs=[
            pl.BlockSpec((1, _TILE, _N), lambda b, t: (b, t, 0)),
            pl.BlockSpec((1, _TILE, 1), lambda b, t: (b, t, 0)),
        ],
        out_shape=[jax.ShapeDtypeStruct((B, _N, _N), jnp.bfloat16), shp(1)],
        compiler_params=pltpu.CompilerParams(
            dimension_semantics=("parallel", "parallel")),
    )(pts, m3, pts, m3)

    def gh(adj, fh, gate, base, deg, d):
        return pl.pallas_call(
            _gh_body,
            grid=(B, _NT),
            in_specs=[
                pl.BlockSpec((1, _TILE, _N), lambda b, t: (b, t, 0)),
                pl.BlockSpec((1, _N, d), lambda b, t: (b, 0, 0)),
                pl.BlockSpec((1, _TILE, d), lambda b, t: (b, t, 0)),
                pl.BlockSpec((1, _TILE, d), lambda b, t: (b, t, 0)),
                pl.BlockSpec((1, _N, 1), lambda b, t: (b, 0, 0)),
                pl.BlockSpec((1, _TILE, 1), lambda b, t: (b, t, 0)),
            ],
            out_specs=pl.BlockSpec((1, _TILE, d), lambda b, t: (b, t, 0)),
            out_shape=shpb(d),
            compiler_params=pltpu.CompilerParams(
                dimension_semantics=("parallel", "parallel")),
        )(adj, fh, gate, base, deg, deg)

    xg = gh(adj, fh1, gate1, base1, deg, _D1)

    w2 = [p['id1_W'], rb(p['id1_b']), p['id2_W'], rb(p['id2_b']),
          p['id3_W'], rb(p['id3_b']), p['idW'], rb(p['idb']),
          p['chW'], rb(p['chb']),
          p['c2_Wt'], rb(p['c2_bt']), p['c2_Wh'], p['c2_theta']]
    lc, fh2, gate2, base2 = pl.pallas_call(
        _head_body,
        grid=(B,),
        in_specs=[_full(_D1)] + [_wspec(w) for w in w2],
        out_specs=[_full(9), _full(_D2), _full(_D2), _full(_D2)],
        out_shape=[shp(9), shpb(_D2), shpb(_D2), shpb(_D2)],
    )(xg, *w2)

    x2g = gh(adj, fh2, gate2, base2, deg, _D2)

    w3 = [p['m1_W'], rb(p['m1_b']), p['m2_W'], rb(p['m2_b']),
          p['m3_W'], rb(p['m3_b']),
          p['mo1_W'], rb(p['mo1_b']), p['mo2_W'], rb(p['mo2_b']),
          p['mo3_W'], rb(p['mo3_b']), p['moW'], rb(p['mob'])]
    out = pl.pallas_call(
        _tail_body,
        grid=(B,),
        in_specs=[_full(15), _full(_D2), _full(9)] + [_wspec(w) for w in w3],
        out_specs=_full(12),
        out_shape=shp(12),
    )(X, x2g, lc, *w3)
    return out

# --- scband reference (transcript-rebuilt; emitter-appended) ---
"""Pipeline reference for scband-pfnet-27238682591749 (READ-ONLY COPY).

The authoritative reference and input builder live on the scoring server;
editing this copy changes nothing except your own understanding.
"""

import jax, jax.numpy as jnp
import numpy as np

NUM_INPUT_CLASSES = 12
NUM_CLASS_LABELS = 8
HIDDEN = 256
NBINS = 8
TOP_N_BINS = NBINS * NBINS
MAX_PER_BIN = 256
CUTOFF = 0.2
B = 2
N = 2048
NFEAT = 15


def make_params(key):
    ks = jax.random.split(key, 40)
    idx = [0]
    def w(shape):
        out = jax.random.normal(ks[idx[0]], shape, dtype=jnp.float32) * 0.05
        idx[0] += 1
        return out
    enc_dim = NUM_INPUT_CLASSES + (NFEAT - 1)
    d1 = 2 * HIDDEN
    d2 = 2 * HIDDEN + NUM_CLASS_LABELS
    p = {}
    p['Wd'] = w((enc_dim, HIDDEN)); p['bd'] = jnp.zeros((HIDDEN,), jnp.float32)
    p['W1'] = w((enc_dim, HIDDEN)); p['b1'] = jnp.zeros((HIDDEN,), jnp.float32)
    p['W2'] = w((HIDDEN, HIDDEN)); p['b2'] = jnp.zeros((HIDDEN,), jnp.float32)
    p['W3'] = w((HIDDEN, d1)); p['b3'] = jnp.zeros((d1,), jnp.float32)
    p['c1_Wt'] = w((d1, d1)); p['c1_bt'] = jnp.zeros((d1,), jnp.float32)
    p['c1_Wh'] = w((d1, d1)); p['c1_theta'] = w((d1, d1))
    p['id1_W'] = w((d1, d1)); p['id1_b'] = jnp.zeros((d1,), jnp.float32)
    p['id2_W'] = w((d1, HIDDEN)); p['id2_b'] = jnp.zeros((HIDDEN,), jnp.float32)
    p['id3_W'] = w((HIDDEN, HIDDEN)); p['id3_b'] = jnp.zeros((HIDDEN,), jnp.float32)
    p['idW'] = w((HIDDEN, NUM_CLASS_LABELS)); p['idb'] = jnp.zeros((NUM_CLASS_LABELS,), jnp.float32)
    p['chW'] = w((HIDDEN, 1)); p['chb'] = jnp.zeros((1,), jnp.float32)
    p['c2_Wt'] = w((d2, d2)); p['c2_bt'] = jnp.zeros((d2,), jnp.float32)
    p['c2_Wh'] = w((d2, d2)); p['c2_theta'] = w((d2, d2))
    p['m1_W'] = w((enc_dim, HIDDEN)); p['m1_b'] = jnp.zeros((HIDDEN,), jnp.float32)
    p['m2_W'] = w((HIDDEN, HIDDEN)); p['m2_b'] = jnp.zeros((HIDDEN,), jnp.float32)
    p['m3_W'] = w((HIDDEN, d1)); p['m3_b'] = jnp.zeros((d1,), jnp.float32)
    p['mo1_W'] = w((d2 + d1, d1)); p['mo1_b'] = jnp.zeros((d1,), jnp.float32)
    p['mo2_W'] = w((d1, HIDDEN)); p['mo2_b'] = jnp.zeros((HIDDEN,), jnp.float32)
    p['mo3_W'] = w((HIDDEN, HIDDEN)); p['mo3_b'] = jnp.zeros((HIDDEN,), jnp.float32)
    p['moW'] = w((HIDDEN, 3)); p['mob'] = jnp.zeros((3,), jnp.float32)
    return p


def setup_inputs(seed: int = 0) -> dict:
    key = jax.random.key(seed)
    k1, k2, k3 = jax.random.split(key, 3)
    ids = jax.random.randint(k1, (B, N, 1), 0, NUM_INPUT_CLASSES).astype(jnp.float32)
    props = jax.random.normal(k2, (B, N, NFEAT - 1), dtype=jnp.float32)
    X = jnp.concatenate([ids, props], axis=-1)
    params = make_params(k3)
    return {"X": X, "params": params}


def construct_dm(points, points_lsh):
    # LSH binning: assign each point to a bin, build block-sparse attention
    n = points.shape[0]
    bin_idx = jnp.argmax(jax.nn.softmax(points_lsh, axis=-1), axis=-1)
    counts = jnp.bincount(bin_idx, length=TOP_N_BINS)
    good_bins = jnp.argsort(-counts)[:TOP_N_BINS]
    adj = jnp.zeros((n, n), dtype=jnp.float32)
    for i in range(TOP_N_BINS):
        mask = bin_idx == good_bins[i]
        order = jnp.argsort(jnp.where(mask, 0, 1))
        sinds = order[:MAX_PER_BIN]
        valid = mask[sinds]
        sp = points[sinds]
        sim = sp @ sp.T
        vm = valid[:, None] & valid[None, :]
        sim = jnp.where(vm, sim, -1e9)
        dmat = jax.nn.softmax(sim, axis=-1)
        dmat = jnp.where(vm, dmat, 0.0)
        A = jnp.where(dmat > CUTOFF, jnp.exp(-dmat), 0.0)
        A = jnp.where(vm, A, 0.0)
        adj = adj.at[sinds[:, None], sinds[None, :]].add(A)
    return adj


def ghconv(x, adj, Wt, bt, Wh, theta):
    in_deg = jnp.sum(adj, axis=-1)
    norm = jnp.power(in_deg + 1e-6, -0.5)[..., None]
    f_hom = x @ theta
    f_hom = jnp.einsum('bij,bjk->bik', adj, f_hom * norm) * norm
    f_het = x @ Wh
    gate = jax.nn.sigmoid(x @ Wt + bt)
    return gate * f_hom + (1.0 - gate) * f_het


def pfnet_forward(X, p):
    selu = jax.nn.selu
    ids = X[..., 0].astype(jnp.int32)
    enc = jnp.concatenate([jax.nn.one_hot(ids, NUM_INPUT_CLASSES, dtype=jnp.float32), X[..., 1:]], axis=-1)
    x_dist = selu(enc @ p['Wd'] + p['bd'])
    adj = jnp.stack([construct_dm(x_dist[b, :, TOP_N_BINS:], x_dist[b, :, :TOP_N_BINS]) for b in range(X.shape[0])], axis=0)
    x = selu(enc @ p['W1'] + p['b1'])
    x = selu(x @ p['W2'] + p['b2'])
    x = selu(x @ p['W3'] + p['b3'])
    x = ghconv(x, adj, p['c1_Wt'], p['c1_bt'], p['c1_Wh'], p['c1_theta'])
    a = selu(x @ p['id1_W'] + p['id1_b'])
    a = selu(a @ p['id2_W'] + p['id2_b'])
    a = selu(a @ p['id3_W'] + p['id3_b'])
    out_id_logits = a @ p['idW'] + p['idb']
    out_charge = a @ p['chW'] + p['chb']
    x2 = jnp.concatenate([x, jax.nn.softmax(out_id_logits, axis=-1)], axis=-1)
    x2 = ghconv(x2, adj, p['c2_Wt'], p['c2_bt'], p['c2_Wh'], p['c2_theta'])
    xm = selu(enc @ p['m1_W'] + p['m1_b'])
    xm = selu(xm @ p['m2_W'] + p['m2_b'])
    xm = selu(xm @ p['m3_W'] + p['m3_b'])
    d = jnp.concatenate([x2, xm], axis=-1)
    d = selu(d @ p['mo1_W'] + p['mo1_b'])
    d = selu(d @ p['mo2_W'] + p['mo2_b'])
    d = selu(d @ p['mo3_W'] + p['mo3_b'])
    out_momentum = d @ p['moW'] + p['mob']
    return jnp.concatenate([out_id_logits, out_charge, out_momentum], axis=-1)


def reference(X, params):
    return pfnet_forward(X, params)

if __name__ == "__main__":
    import jax
    _d = setup_inputs()
    print(jax.jit(kernel)(*tuple(_d.values())))

</pallas_src>

<mosaic_0001>
#map = affine_map<(d0, d1) -> (0)>
module attributes {stable_mosaic.version = 14 : i64} {
  func.func @_route_body(%arg0: i32, %arg1: i32, %arg2: memref<262144xf32, #tpu.memory_space<hbm>>, %arg3: memref<4096xf32, #tpu.memory_space<hbm>>, %arg4: memref<8192xf32, #tpu.memory_space<vmem>>, %arg5: memref<64xf32, #tpu.memory_space<vmem>>, %arg6: memref<64xf32, #tpu.memory_space<vmem>>, %arg7: memref<128xf32, #tpu.memory_space<vmem>>, %arg8: memref<1024xf32, #tpu.memory_space<vmem_shared>>, %arg9: memref<1024xf32, #tpu.memory_space<vmem>>) attributes {dimension_semantics = [#tpu.dimension_semantics<core_parallel>, #tpu.dimension_semantics<subcore_parallel>], iteration_bounds = array<i64: 2, 16>, scalar_prefetch = 0 : i64, scratch_operands = 6 : i64, tpu.core_type = #tpu.core_type<sc_vector_subcore>, window_params = [{transform_indices = #map}, {transform_indices = #map}]} {
    %mul3A = arith.constant 2048 : i32
    %mul3A_0 = arith.muli %arg0, %mul3A : i32
    %mul3A_1 = arith.constant 128 : i32
    %mul3A_2 = arith.muli %arg1, %mul3A_1 : i32
    %add3A = arith.addi %mul3A_0, %mul3A_2 : i32
    %mul3A_3 = arith.constant 64 : i32
    %mul3A_4 = arith.muli %add3A, %mul3A_3 : i32
    "tpu.region"() ({
      %run_scoped3A = tpu.sem_alloc : memref<!tpu.dma_semaphore, #tpu.memory_space<semaphore_mem>>
      %dma_start3A = tpu.memref_slice %arg2[%mul3A_4] : memref<262144xf32, #tpu.memory_space<hbm>> -> memref<8192xf32, #tpu.memory_space<hbm>>
      %dma_start3A_913 = tpu.memref_slice %arg2[%mul3A_4] : memref<262144xf32, #tpu.memory_space<hbm>> -> memref<8192xf32, #tpu.memory_space<hbm>>
      tpu.enqueue_dma source(%dma_start3A_913 : memref<8192xf32, #tpu.memory_space<hbm>>) target(%arg4 : memref<8192xf32, #tpu.memory_space<vmem>>) target_semaphore(%run_scoped3A : memref<!tpu.dma_semaphore, #tpu.memory_space<semaphore_mem>>)
      %dma_wait3A = tpu.memref_slice %arg2[%mul3A_4] : memref<262144xf32, #tpu.memory_space<hbm>> -> memref<8192xf32, #tpu.memory_space<hbm>>
      %dma_wait3A_914 = tpu.memref_slice %arg2[%mul3A_4] : memref<262144xf32, #tpu.memory_space<hbm>> -> memref<8192xf32, #tpu.memory_space<hbm>>
      tpu.wait_dma2 semaphore(%run_scoped3A : memref<!tpu.dma_semaphore, #tpu.memory_space<semaphore_mem>>) src(%dma_wait3A_914 : memref<8192xf32, #tpu.memory_space<hbm>>) dst(%arg4 : memref<8192xf32, #tpu.memory_space<vmem>>)
      tpu.yield
    }) : () -> ()
    %broadcast_in_dim3A = arith.constant 0.000000e+00 : f32
    %broadcast_in_dim3A_5 = vector.broadcast %broadcast_in_dim3A : f32 to vector<16xf32>
    %swap3A = arith.constant 0 : index
    %swap3A_6 = tpu.vector_load %arg5[%swap3A] {strides = array<i32>} : memref<64xf32, #tpu.memory_space<vmem>>, vector<16xf32>,
    tpu.vector_store %arg5[%swap3A], %broadcast_in_dim3A_5 {strides = array<i32>} : memref<64xf32, #tpu.memory_space<vmem>>, vector<16xf32>,
    %swap3A_7 = arith.constant 16 : index
    %swap3A_8 = tpu.vector_load %arg5[%swap3A_7] {strides = array<i32>} : memref<64xf32, #tpu.memory_space<vmem>>, vector<16xf32>,
    tpu.vector_store %arg5[%swap3A_7], %broadcast_in_dim3A_5 {strides = array<i32>} : memref<64xf32, #tpu.memory_space<vmem>>, vector<16xf32>,
    %swap3A_9 = arith.constant 32 : index
    %swap3A_10 = tpu.vector_load %arg5[%swap3A_9] {strides = array<i32>} : memref<64xf32, #tpu.memory_space<vmem>>, vector<16xf32>,
    tpu.vector_store %arg5[%swap3A_9], %broadcast_in_dim3A_5 {strides = array<i32>} : memref<64xf32, #tpu.memory_space<vmem>>, vector<16xf32>,
    %swap3A_11 = arith.constant 48 : index
    %swap3A_12 = tpu.vector_load %arg5[%swap3A_11] {strides = array<i32>} : memref<64xf32, #tpu.memory_space<vmem>>, vector<16xf32>,
    tpu.vector_store %arg5[%swap3A_11], %broadcast_in_dim3A_5 {strides = array<i32>} : memref<64xf32, #tpu.memory_space<vmem>>, vector<16xf32>,
    %iota3A = tpu.iota {dimensions = array<i32: 0>} : vector<16xi32>
    %eq3A = arith.constant 0 : i32
    %eq3A_13 = vector.broadcast %eq3A : i32 to vector<16xi32>
    %eq3A_14 = arith.cmpi eq, %iota3A, %eq3A_13 : vector<16xi32>
    %add3A_15 = arith.constant 0 : i32
    %add3A_16 = vector.broadcast %add3A_15 : i32 to vector<16xi32>
    %add3A_17 = arith.addi %iota3A, %add3A_16 : vector<16xi32>
    %mul3A_18 = arith.constant 64 : i32
    %mul3A_19 = vector.broadcast %mul3A_18 : i32 to vector<16xi32>
    %mul3A_20 = arith.muli %add3A_17, %mul3A_19 : vector<16xi32>
    %gather3A = tpu.vector_load_idx %arg4[%mul3A_20] : memref<8192xf32, #tpu.memory_space<vmem>>[vector<16xi32>], vector<16xf32>,
    %broadcast_in_dim3A_21 = arith.constant 0 : i32
    %broadcast_in_dim3A_22 = vector.broadcast %broadcast_in_dim3A_21 : i32 to vector<16xi32>
    %scan3A = arith.constant 1 : i32
    %scan3A_23 = arith.constant 63 : i32
    %scan3A_24 = arith.addi %scan3A, %scan3A_23 : i32
    %scan3A_25 = arith.constant 1 : i32
    %scan3A_26:2 = scf.for %scan3A_913 = %scan3A to %scan3A_24 step %scan3A_25 iter_args(%scan3A_914 = %gather3A, %scan3A_915 = %broadcast_in_dim3A_22) -> (vector<16xf32>, vector<16xi32>)  : i32 {
      %broadcast_in_dim3A_916 = arith.constant 0 : i32
      %broadcast_in_dim3A_917 = vector.broadcast %broadcast_in_dim3A_916 : i32 to vector<16xi32>
      %add3A_918 = vector.broadcast %scan3A_913 : i32 to vector<16xi32>
      %add3A_919 = arith.addi %broadcast_in_dim3A_917, %add3A_918 : vector<16xi32>
      %add3A_920 = arith.addi %mul3A_20, %add3A_919 : vector<16xi32>
      %gather3A_921 = tpu.vector_load_idx %arg4[%add3A_920] : memref<8192xf32, #tpu.memory_space<vmem>>[vector<16xi32>], vector<16xf32>,
      %gt3A_922 = arith.cmpf ogt, %gather3A_921, %scan3A_914 : vector<16xf32>
      %select_n3A_923 = arith.select %gt3A_922, %gather3A_921, %scan3A_914 : vector<16xi1>, vector<16xf32>
      %select_n3A_924 = arith.select %gt3A_922, %add3A_919, %scan3A_915 : vector<16xi1>, vector<16xi32>
      scf.yield %select_n3A_923, %select_n3A_924 : vector<16xf32>, vector<16xi32>
    }
    %scan3A_27 = arith.constant 63 : i32
    %scan3A_28 = arith.constant 0 : i32
    %scan3A_29 = arith.constant 64 : i32
    %scan3A_30 = arith.addi %scan3A_28, %scan3A_29 : i32
    %scan3A_31 = arith.constant 1 : i32
    %scan3A_32 = scf.for %scan3A_913 = %scan3A_28 to %scan3A_30 step %scan3A_31 iter_args(%scan3A_914 = %broadcast_in_dim3A_5) -> (vector<16xf32>)  : i32 {
      %broadcast_in_dim3A_915 = arith.constant 0 : i32
      %broadcast_in_dim3A_916 = vector.broadcast %broadcast_in_dim3A_915 : i32 to vector<16xi32>
      %add3A_917 = vector.broadcast %scan3A_913 : i32 to vector<16xi32>
      %add3A_918 = arith.addi %broadcast_in_dim3A_916, %add3A_917 : vector<16xi32>
      %eq3A_919 = arith.cmpi eq, %scan3A_26#1, %add3A_918 : vector<16xi32>
      %convert_element_type3A_920 = arith.extui %eq3A_919 : vector<16xi1> to vector<16xi32>
      %broadcast_in_dim3A_921 = arith.constant true
      %broadcast_in_dim3A_922 = vector.broadcast %broadcast_in_dim3A_921 : i1 to vector<16xi1>
      %masked_cumsum3A = tpu.scan <sum>, %convert_element_type3A_920 masked %broadcast_in_dim3A_922 : vector<16xi32>, vector<16xi1> -> vector<16xi32>
      %gather3A_923 = tpu.vector_load_idx %arg5[%add3A_918] : memref<64xf32, #tpu.memory_space<vmem>>[vector<16xi32>], vector<16xf32>,
      %sub3A = arith.subi %masked_cumsum3A, %convert_element_type3A_920 : vector<16xi32>
      %convert_element_type3A_924 = arith.sitofp %sub3A : vector<16xi32> to vector<16xf32>
      %add3A_925 = arith.addf %gather3A_923, %convert_element_type3A_924 : vector<16xf32>
      %select_n3A_926 = arith.select %eq3A_919, %add3A_925, %scan3A_914 : vector<16xi1>, vector<16xf32>
      %all_reduce_population_count3A = tpu.all_reduce %eq3A_919 {dim = 0 : i64, kind = #tpu.reduction_kind<sum>} : vector<16xi1> -> vector<16xi32>
      %convert_element_type3A_927 = arith.sitofp %all_reduce_population_count3A : vector<16xi32> to vector<16xf32>
      %add3A_928 = arith.addf %gather3A_923, %convert_element_type3A_927 : vector<16xf32>
      tpu.vector_store_idx %arg5[%add3A_918], %add3A_928 masked %eq3A_14 : memref<64xf32, #tpu.memory_space<vmem>>[vector<16xi32>], vector<16xf32>, vector<16xi1>
      scf.yield %select_n3A_926 : vector<16xf32>
    }
    %scan3A_33 = arith.constant 64 : i32
    %add3A_34 = arith.constant 16 : i32
    %add3A_35 = vector.broadcast %add3A_34 : i32 to vector<16xi32>
    %add3A_36 = arith.addi %iota3A, %add3A_35 : vector<16xi32>
    %mul3A_37 = arith.constant 64 : i32
    %mul3A_38 = vector.broadcast %mul3A_37 : i32 to vector<16xi32>
    %mul3A_39 = arith.muli %add3A_36, %mul3A_38 : vector<16xi32>
    %gather3A_40 = tpu.vector_load_idx %arg4[%mul3A_39] : memref<8192xf32, #tpu.memory_space<vmem>>[vector<16xi32>], vector<16xf32>,
    %broadcast_in_dim3A_41 = arith.constant 0 : i32
    %broadcast_in_dim3A_42 = vector.broadcast %broadcast_in_dim3A_41 : i32 to vector<16xi32>
    %scan3A_43 = arith.constant 1 : i32
    %scan3A_44 = arith.constant 63 : i32
    %scan3A_45 = arith.addi %scan3A_43, %scan3A_44 : i32
    %scan3A_46 = arith.constant 1 : i32
    %scan3A_47:2 = scf.for %scan3A_913 = %scan3A_43 to %scan3A_45 step %scan3A_46 iter_args(%scan3A_914 = %gather3A_40, %scan3A_915 = %broadcast_in_dim3A_42) -> (vector<16xf32>, vector<16xi32>)  : i32 {
      %broadcast_in_dim3A_916 = arith.constant 0 : i32
      %broadcast_in_dim3A_917 = vector.broadcast %broadcast_in_dim3A_916 : i32 to vector<16xi32>
      %add3A_918 = vector.broadcast %scan3A_913 : i32 to vector<16xi32>
      %add3A_919 = arith.addi %broadcast_in_dim3A_917, %add3A_918 : vector<16xi32>
      %add3A_920 = arith.addi %mul3A_39, %add3A_919 : vector<16xi32>
      %gather3A_921 = tpu.vector_load_idx %arg4[%add3A_920] : memref<8192xf32, #tpu.memory_space<vmem>>[vector<16xi32>], vector<16xf32>,
      %gt3A_922 = arith.cmpf ogt, %gather3A_921, %scan3A_914 : vector<16xf32>
      %select_n3A_923 = arith.select %gt3A_922, %gather3A_921, %scan3A_914 : vector<16xi1>, vector<16xf32>
      %select_n3A_924 = arith.select %gt3A_922, %add3A_919, %scan3A_915 : vector<16xi1>, vector<16xi32>
      scf.yield %select_n3A_923, %select_n3A_924 : vector<16xf32>, vector<16xi32>
    }
    %scan3A_48 = arith.constant 63 : i32
    %scan3A_49 = arith.constant 0 : i32
    %scan3A_50 = arith.constant 64 : i32
    %scan3A_51 = arith.addi %scan3A_49, %scan3A_50 : i32
    %scan3A_52 = arith.constant 1 : i32
    %scan3A_53 = scf.for %scan3A_913 = %scan3A_49 to %scan3A_51 step %scan3A_52 iter_args(%scan3A_914 = %broadcast_in_dim3A_5) -> (vector<16xf32>)  : i32 {
      %broadcast_in_dim3A_915 = arith.constant 0 : i32
      %broadcast_in_dim3A_916 = vector.broadcast %broadcast_in_dim3A_915 : i32 to vector<16xi32>
      %add3A_917 = vector.broadcast %scan3A_913 : i32 to vector<16xi32>
      %add3A_918 = arith.addi %broadcast_in_dim3A_916, %add3A_917 : vector<16xi32>
      %eq3A_919 = arith.cmpi eq, %scan3A_47#1, %add3A_918 : vector<16xi32>
      %convert_element_type3A_920 = arith.extui %eq3A_919 : vector<16xi1> to vector<16xi32>
      %broadcast_in_dim3A_921 = arith.constant true
      %broadcast_in_dim3A_922 = vector.broadcast %broadcast_in_dim3A_921 : i1 to vector<16xi1>
      %masked_cumsum3A = tpu.scan <sum>, %convert_element_type3A_920 masked %broadcast_in_dim3A_922 : vector<16xi32>, vector<16xi1> -> vector<16xi32>
      %gather3A_923 = tpu.vector_load_idx %arg5[%add3A_918] : memref<64xf32, #tpu.memory_space<vmem>>[vector<16xi32>], vector<16xf32>,
      %sub3A = arith.subi %masked_cumsum3A, %convert_element_type3A_920 : vector<16xi32>
      %convert_element_type3A_924 = arith.sitofp %sub3A : vector<16xi32> to vector<16xf32>
      %add3A_925 = arith.addf %gather3A_923, %convert_element_type3A_924 : vector<16xf32>
      %select_n3A_926 = arith.select %eq3A_919, %add3A_925, %scan3A_914 : vector<16xi1>, vector<16xf32>
      %all_reduce_population_count3A = tpu.all_reduce %eq3A_919 {dim = 0 : i64, kind = #tpu.reduction_kind<sum>} : vector<16xi1> -> vector<16xi32>
      %convert_element_type3A_927 = arith.sitofp %all_reduce_population_count3A : vector<16xi32> to vector<16xf32>
      %add3A_928 = arith.addf %gather3A_923, %convert_element_type3A_927 : vector<16xf32>
      tpu.vector_store_idx %arg5[%add3A_918], %add3A_928 masked %eq3A_14 : memref<64xf32, #tpu.memory_space<vmem>>[vector<16xi32>], vector<16xf32>, vector<16xi1>
      scf.yield %select_n3A_926 : vector<16xf32>
    }
    %scan3A_54 = arith.constant 64 : i32
    %add3A_55 = arith.constant 32 : i32
    %add3A_56 = vector.broadcast %add3A_55 : i32 to vector<16xi32>
    %add3A_57 = arith.addi %iota3A, %add3A_56 : vector<16xi32>
    %mul3A_58 = arith.constant 64 : i32
    %mul3A_59 = vector.broadcast %mul3A_58 : i32 to vector<16xi32>
    %mul3A_60 = arith.muli %add3A_57, %mul3A_59 : vector<16xi32>
    %gather3A_61 = tpu.vector_load_idx %arg4[%mul3A_60] : memref<8192xf32, #tpu.memory_space<vmem>>[vector<16xi32>], vector<16xf32>,
    %broadcast_in_dim3A_62 = arith.constant 0 : i32
    %broadcast_in_dim3A_63 = vector.broadcast %broadcast_in_dim3A_62 : i32 to vector<16xi32>
    %scan3A_64 = arith.constant 1 : i32
    %scan3A_65 = arith.constant 63 : i32
    %scan3A_66 = arith.addi %scan3A_64, %scan3A_65 : i32
    %scan3A_67 = arith.constant 1 : i32
    %scan3A_68:2 = scf.for %scan3A_913 = %scan3A_64 to %scan3A_66 step %scan3A_67 iter_args(%scan3A_914 = %gather3A_61, %scan3A_915 = %broadcast_in_dim3A_63) -> (vector<16xf32>, vector<16xi32>)  : i32 {
      %broadcast_in_dim3A_916 = arith.constant 0 : i32
      %broadcast_in_dim3A_917 = vector.broadcast %broadcast_in_dim3A_916 : i32 to vector<16xi32>
      %add3A_918 = vector.broadcast %scan3A_913 : i32 to vector<16xi32>
      %add3A_919 = arith.addi %broadcast_in_dim3A_917, %add3A_918 : vector<16xi32>
      %add3A_920 = arith.addi %mul3A_60, %add3A_919 : vector<16xi32>
      %gather3A_921 = tpu.vector_load_idx %arg4[%add3A_920] : memref<8192xf32, #tpu.memory_space<vmem>>[vector<16xi32>], vector<16xf32>,
      %gt3A_922 = arith.cmpf ogt, %gather3A_921, %scan3A_914 : vector<16xf32>
      %select_n3A_923 = arith.select %gt3A_922, %gather3A_921, %scan3A_914 : vector<16xi1>, vector<16xf32>
      %select_n3A_924 = arith.select %gt3A_922, %add3A_919, %scan3A_915 : vector<16xi1>, vector<16xi32>
      scf.yield %select_n3A_923, %select_n3A_924 : vector<16xf32>, vector<16xi32>
    }
    %scan3A_69 = arith.constant 63 : i32
    %scan3A_70 = arith.constant 0 : i32
    %scan3A_71 = arith.constant 64 : i32
    %scan3A_72 = arith.addi %scan3A_70, %scan3A_71 : i32
    %scan3A_73 = arith.constant 1 : i32
    %scan3A_74 = scf.for %scan3A_913 = %scan3A_70 to %scan3A_72 step %scan3A_73 iter_args(%scan3A_914 = %broadcast_in_dim3A_5) -> (vector<16xf32>)  : i32 {
      %broadcast_in_dim3A_915 = arith.constant 0 : i32
      %broadcast_in_dim3A_916 = vector.broadcast %broadcast_in_dim3A_915 : i32 to vector<16xi32>
      %add3A_917 = vector.broadcast %scan3A_913 : i32 to vector<16xi32>
      %add3A_918 = arith.addi %broadcast_in_dim3A_916, %add3A_917 : vector<16xi32>
      %eq3A_919 = arith.cmpi eq, %scan3A_68#1, %add3A_918 : vector<16xi32>
      %convert_element_type3A_920 = arith.extui %eq3A_919 : vector<16xi1> to vector<16xi32>
      %broadcast_in_dim3A_921 = arith.constant true
      %broadcast_in_dim3A_922 = vector.broadcast %broadcast_in_dim3A_921 : i1 to vector<16xi1>
      %masked_cumsum3A = tpu.scan <sum>, %convert_element_type3A_920 masked %broadcast_in_dim3A_922 : vector<16xi32>, vector<16xi1> -> vector<16xi32>
      %gather3A_923 = tpu.vector_load_idx %arg5[%add3A_918] : memref<64xf32, #tpu.memory_space<vmem>>[vector<16xi32>], vector<16xf32>,
      %sub3A = arith.subi %masked_cumsum3A, %convert_element_type3A_920 : vector<16xi32>
      %convert_element_type3A_924 = arith.sitofp %sub3A : vector<16xi32> to vector<16xf32>
      %add3A_925 = arith.addf %gather3A_923, %convert_element_type3A_924 : vector<16xf32>
      %select_n3A_926 = arith.select %eq3A_919, %add3A_925, %scan3A_914 : vector<16xi1>, vector<16xf32>
      %all_reduce_population_count3A = tpu.all_reduce %eq3A_919 {dim = 0 : i64, kind = #tpu.reduction_kind<sum>} : vector<16xi1> -> vector<16xi32>
      %convert_element_type3A_927 = arith.sitofp %all_reduce_population_count3A : vector<16xi32> to vector<16xf32>
      %add3A_928 = arith.addf %gather3A_923, %convert_element_type3A_927 : vector<16xf32>
      tpu.vector_store_idx %arg5[%add3A_918], %add3A_928 masked %eq3A_14 : memref<64xf32, #tpu.memory_space<vmem>>[vector<16xi32>], vector<16xf32>, vector<16xi1>
      scf.yield %select_n3A_926 : vector<16xf32>
    }
    %scan3A_75 = arith.constant 64 : i32
    %add3A_76 = arith.constant 48 : i32
    %add3A_77 = vector.broadcast %add3A_76 : i32 to vector<16xi32>
    %add3A_78 = arith.addi %iota3A, %add3A_77 : vector<16xi32>
    %mul3A_79 = arith.constant 64 : i32
    %mul3A_80 = vector.broadcast %mul3A_79 : i32 to vector<16xi32>
    %mul3A_81 = arith.muli %add3A_78, %mul3A_80 : vector<16xi32>
    %gather3A_82 = tpu.vector_load_idx %arg4[%mul3A_81] : memref<8192xf32, #tpu.memory_space<vmem>>[vector<16xi32>], vector<16xf32>,
    %broadcast_in_dim3A_83 = arith.constant 0 : i32
    %broadcast_in_dim3A_84 = vector.broadcast %broadcast_in_dim3A_83 : i32 to vector<16xi32>
    %scan3A_85 = arith.constant 1 : i32
    %scan3A_86 = arith.constant 63 : i32
    %scan3A_87 = arith.addi %scan3A_85, %scan3A_86 : i32
    %scan3A_88 = arith.constant 1 : i32
    %scan3A_89:2 = scf.for %scan3A_913 = %scan3A_85 to %scan3A_87 step %scan3A_88 iter_args(%scan3A_914 = %gather3A_82, %scan3A_915 = %broadcast_in_dim3A_84) -> (vector<16xf32>, vector<16xi32>)  : i32 {
      %broadcast_in_dim3A_916 = arith.constant 0 : i32
      %broadcast_in_dim3A_917 = vector.broadcast %broadcast_in_dim3A_916 : i32 to vector<16xi32>
      %add3A_918 = vector.broadcast %scan3A_913 : i32 to vector<16xi32>
      %add3A_919 = arith.addi %broadcast_in_dim3A_917, %add3A_918 : vector<16xi32>
      %add3A_920 = arith.addi %mul3A_81, %add3A_919 : vector<16xi32>
      %gather3A_921 = tpu.vector_load_idx %arg4[%add3A_920] : memref<8192xf32, #tpu.memory_space<vmem>>[vector<16xi32>], vector<16xf32>,
      %gt3A_922 = arith.cmpf ogt, %gather3A_921, %scan3A_914 : vector<16xf32>
      %select_n3A_923 = arith.select %gt3A_922, %gather3A_921, %scan3A_914 : vector<16xi1>, vector<16xf32>
      %select_n3A_924 = arith.select %gt3A_922, %add3A_919, %scan3A_915 : vector<16xi1>, vector<16xi32>
      scf.yield %select_n3A_923, %select_n3A_924 : vector<16xf32>, vector<16xi32>
    }
    %scan3A_90 = arith.constant 63 : i32
    %scan3A_91 = arith.constant 0 : i32
    %scan3A_92 = arith.constant 64 : i32
    %scan3A_93 = arith.addi %scan3A_91, %scan3A_92 : i32
    %scan3A_94 = arith.constant 1 : i32
    %scan3A_95 = scf.for %scan3A_913 = %scan3A_91 to %scan3A_93 step %scan3A_94 iter_args(%scan3A_914 = %broadcast_in_dim3A_5) -> (vector<16xf32>)  : i32 {
      %broadcast_in_dim3A_915 = arith.constant 0 : i32
      %broadcast_in_dim3A_916 = vector.broadcast %broadcast_in_dim3A_915 : i32 to vector<16xi32>
      %add3A_917 = vector.broadcast %scan3A_913 : i32 to vector<16xi32>
      %add3A_918 = arith.addi %broadcast_in_dim3A_916, %add3A_917 : vector<16xi32>
      %eq3A_919 = arith.cmpi eq, %scan3A_89#1, %add3A_918 : vector<16xi32>
      %convert_element_type3A_920 = arith.extui %eq3A_919 : vector<16xi1> to vector<16xi32>
      %broadcast_in_dim3A_921 = arith.constant true
      %broadcast_in_dim3A_922 = vector.broadcast %broadcast_in_dim3A_921 : i1 to vector<16xi1>
      %masked_cumsum3A = tpu.scan <sum>, %convert_element_type3A_920 masked %broadcast_in_dim3A_922 : vector<16xi32>, vector<16xi1> -> vector<16xi32>
      %gather3A_923 = tpu.vector_load_idx %arg5[%add3A_918] : memref<64xf32, #tpu.memory_space<vmem>>[vector<16xi32>], vector<16xf32>,
      %sub3A = arith.subi %masked_cumsum3A, %convert_element_type3A_920 : vector<16xi32>
      %convert_element_type3A_924 = arith.sitofp %sub3A : vector<16xi32> to vector<16xf32>
      %add3A_925 = arith.addf %gather3A_923, %convert_element_type3A_924 : vector<16xf32>
      %select_n3A_926 = arith.select %eq3A_919, %add3A_925, %scan3A_914 : vector<16xi1>, vector<16xf32>
      %all_reduce_population_count3A = tpu.all_reduce %eq3A_919 {dim = 0 : i64, kind = #tpu.reduction_kind<sum>} : vector<16xi1> -> vector<16xi32>
      %convert_element_type3A_927 = arith.sitofp %all_reduce_population_count3A : vector<16xi32> to vector<16xf32>
      %add3A_928 = arith.addf %gather3A_923, %convert_element_type3A_927 : vector<16xf32>
      tpu.vector_store_idx %arg5[%add3A_918], %add3A_928 masked %eq3A_14 : memref<64xf32, #tpu.memory_space<vmem>>[vector<16xi32>], vector<16xf32>, vector<16xi1>
      scf.yield %select_n3A_926 : vector<16xf32>
    }
    %scan3A_96 = arith.constant 64 : i32
    %add3A_97 = arith.constant 64 : i32
    %add3A_98 = vector.broadcast %add3A_97 : i32 to vector<16xi32>
    %add3A_99 = arith.addi %iota3A, %add3A_98 : vector<16xi32>
    %mul3A_100 = arith.constant 64 : i32
    %mul3A_101 = vector.broadcast %mul3A_100 : i32 to vector<16xi32>
    %mul3A_102 = arith.muli %add3A_99, %mul3A_101 : vector<16xi32>
    %gather3A_103 = tpu.vector_load_idx %arg4[%mul3A_102] : memref<8192xf32, #tpu.memory_space<vmem>>[vector<16xi32>], vector<16xf32>,
    %broadcast_in_dim3A_104 = arith.constant 0 : i32
    %broadcast_in_dim3A_105 = vector.broadcast %broadcast_in_dim3A_104 : i32 to vector<16xi32>
    %scan3A_106 = arith.constant 1 : i32
    %scan3A_107 = arith.constant 63 : i32
    %scan3A_108 = arith.addi %scan3A_106, %scan3A_107 : i32
    %scan3A_109 = arith.constant 1 : i32
    %scan3A_110:2 = scf.for %scan3A_913 = %scan3A_106 to %scan3A_108 step %scan3A_109 iter_args(%scan3A_914 = %gather3A_103, %scan3A_915 = %broadcast_in_dim3A_105) -> (vector<16xf32>, vector<16xi32>)  : i32 {
      %broadcast_in_dim3A_916 = arith.constant 0 : i32
      %broadcast_in_dim3A_917 = vector.broadcast %broadcast_in_dim3A_916 : i32 to vector<16xi32>
      %add3A_918 = vector.broadcast %scan3A_913 : i32 to vector<16xi32>
      %add3A_919 = arith.addi %broadcast_in_dim3A_917, %add3A_918 : vector<16xi32>
      %add3A_920 = arith.addi %mul3A_102, %add3A_919 : vector<16xi32>
      %gather3A_921 = tpu.vector_load_idx %arg4[%add3A_920] : memref<8192xf32, #tpu.memory_space<vmem>>[vector<16xi32>], vector<16xf32>,
      %gt3A_922 = arith.cmpf ogt, %gather3A_921, %scan3A_914 : vector<16xf32>
      %select_n3A_923 = arith.select %gt3A_922, %gather3A_921, %scan3A_914 : vector<16xi1>, vector<16xf32>
      %select_n3A_924 = arith.select %gt3A_922, %add3A_919, %scan3A_915 : vector<16xi1>, vector<16xi32>
      scf.yield %select_n3A_923, %select_n3A_924 : vector<16xf32>, vector<16xi32>
    }
    %scan3A_111 = arith.constant 63 : i32
    %scan3A_112 = arith.constant 0 : i32
    %scan3A_113 = arith.constant 64 : i32
    %scan3A_114 = arith.addi %scan3A_112, %scan3A_113 : i32
    %scan3A_115 = arith.constant 1 : i32
    %scan3A_116 = scf.for %scan3A_913 = %scan3A_112 to %scan3A_114 step %scan3A_115 iter_args(%scan3A_914 = %broadcast_in_dim3A_5) -> (vector<16xf32>)  : i32 {
      %broadcast_in_dim3A_915 = arith.constant 0 : i32
      %broadcast_in_dim3A_916 = vector.broadcast %broadcast_in_dim3A_915 : i32 to vector<16xi32>
      %add3A_917 = vector.broadcast %scan3A_913 : i32 to vector<16xi32>
      %add3A_918 = arith.addi %broadcast_in_dim3A_916, %add3A_917 : vector<16xi32>
      %eq3A_919 = arith.cmpi eq, %scan3A_110#1, %add3A_918 : vector<16xi32>
      %convert_element_type3A_920 = arith.extui %eq3A_919 : vector<16xi1> to vector<16xi32>
      %broadcast_in_dim3A_921 = arith.constant true
      %broadcast_in_dim3A_922 = vector.broadcast %broadcast_in_dim3A_921 : i1 to vector<16xi1>
      %masked_cumsum3A = tpu.scan <sum>, %convert_element_type3A_920 masked %broadcast_in_dim3A_922 : vector<16xi32>, vector<16xi1> -> vector<16xi32>
      %gather3A_923 = tpu.vector_load_idx %arg5[%add3A_918] : memref<64xf32, #tpu.memory_space<vmem>>[vector<16xi32>], vector<16xf32>,
      %sub3A = arith.subi %masked_cumsum3A, %convert_element_type3A_920 : vector<16xi32>
      %convert_element_type3A_924 = arith.sitofp %sub3A : vector<16xi32> to vector<16xf32>
      %add3A_925 = arith.addf %gather3A_923, %convert_element_type3A_924 : vector<16xf32>
      %select_n3A_926 = arith.select %eq3A_919, %add3A_925, %scan3A_914 : vector<16xi1>, vector<16xf32>
      %all_reduce_population_count3A = tpu.all_reduce %eq3A_919 {dim = 0 : i64, kind = #tpu.reduction_kind<sum>} : vector<16xi1> -> vector<16xi32>
      %convert_element_type3A_927 = arith.sitofp %all_reduce_population_count3A : vector<16xi32> to vector<16xf32>
      %add3A_928 = arith.addf %gather3A_923, %convert_element_type3A_927 : vector<16xf32>
      tpu.vector_store_idx %arg5[%add3A_918], %add3A_928 masked %eq3A_14 : memref<64xf32, #tpu.memory_space<vmem>>[vector<16xi32>], vector<16xf32>, vector<16xi1>
      scf.yield %select_n3A_926 : vector<16xf32>
    }
    %scan3A_117 = arith.constant 64 : i32
    %add3A_118 = arith.constant 80 : i32
    %add3A_119 = vector.broadcast %add3A_118 : i32 to vector<16xi32>
    %add3A_120 = arith.addi %iota3A, %add3A_119 : vector<16xi32>
    %mul3A_121 = arith.constant 64 : i32
    %mul3A_122 = vector.broadcast %mul3A_121 : i32 to vector<16xi32>
    %mul3A_123 = arith.muli %add3A_120, %mul3A_122 : vector<16xi32>
    %gather3A_124 = tpu.vector_load_idx %arg4[%mul3A_123] : memref<8192xf32, #tpu.memory_space<vmem>>[vector<16xi32>], vector<16xf32>,
    %broadcast_in_dim3A_125 = arith.constant 0 : i32
    %broadcast_in_dim3A_126 = vector.broadcast %broadcast_in_dim3A_125 : i32 to vector<16xi32>
    %scan3A_127 = arith.constant 1 : i32
    %scan3A_128 = arith.constant 63 : i32
    %scan3A_129 = arith.addi %scan3A_127, %scan3A_128 : i32
    %scan3A_130 = arith.constant 1 : i32
    %scan3A_131:2 = scf.for %scan3A_913 = %scan3A_127 to %scan3A_129 step %scan3A_130 iter_args(%scan3A_914 = %gather3A_124, %scan3A_915 = %broadcast_in_dim3A_126) -> (vector<16xf32>, vector<16xi32>)  : i32 {
      %broadcast_in_dim3A_916 = arith.constant 0 : i32
      %broadcast_in_dim3A_917 = vector.broadcast %broadcast_in_dim3A_916 : i32 to vector<16xi32>
      %add3A_918 = vector.broadcast %scan3A_913 : i32 to vector<16xi32>
      %add3A_919 = arith.addi %broadcast_in_dim3A_917, %add3A_918 : vector<16xi32>
      %add3A_920 = arith.addi %mul3A_123, %add3A_919 : vector<16xi32>
      %gather3A_921 = tpu.vector_load_idx %arg4[%add3A_920] : memref<8192xf32, #tpu.memory_space<vmem>>[vector<16xi32>], vector<16xf32>,
      %gt3A_922 = arith.cmpf ogt, %gather3A_921, %scan3A_914 : vector<16xf32>
      %select_n3A_923 = arith.select %gt3A_922, %gather3A_921, %scan3A_914 : vector<16xi1>, vector<16xf32>
      %select_n3A_924 = arith.select %gt3A_922, %add3A_919, %scan3A_915 : vector<16xi1>, vector<16xi32>
      scf.yield %select_n3A_923, %select_n3A_924 : vector<16xf32>, vector<16xi32>
    }
    %scan3A_132 = arith.constant 63 : i32
    %scan3A_133 = arith.constant 0 : i32
    %scan3A_134 = arith.constant 64 : i32
    %scan3A_135 = arith.addi %scan3A_133, %scan3A_134 : i32
    %scan3A_136 = arith.constant 1 : i32
    %scan3A_137 = scf.for %scan3A_913 = %scan3A_133 to %scan3A_135 step %scan3A_136 iter_args(%scan3A_914 = %broadcast_in_dim3A_5) -> (vector<16xf32>)  : i32 {
      %broadcast_in_dim3A_915 = arith.constant 0 : i32
      %broadcast_in_dim3A_916 = vector.broadcast %broadcast_in_dim3A_915 : i32 to vector<16xi32>
      %add3A_917 = vector.broadcast %scan3A_913 : i32 to vector<16xi32>
      %add3A_918 = arith.addi %broadcast_in_dim3A_916, %add3A_917 : vector<16xi32>
      %eq3A_919 = arith.cmpi eq, %scan3A_131#1, %add3A_918 : vector<16xi32>
      %convert_element_type3A_920 = arith.extui %eq3A_919 : vector<16xi1> to vector<16xi32>
      %broadcast_in_dim3A_921 = arith.constant true
      %broadcast_in_dim3A_922 = vector.broadcast %broadcast_in_dim3A_921 : i1 to vector<16xi1>
      %masked_cumsum3A = tpu.scan <sum>, %convert_element_type3A_920 masked %broadcast_in_dim3A_922 : vector<16xi32>, vector<16xi1> -> vector<16xi32>
      %gather3A_923 = tpu.vector_load_idx %arg5[%add3A_918] : memref<64xf32, #tpu.memory_space<vmem>>[vector<16xi32>], vector<16xf32>,
      %sub3A = arith.subi %masked_cumsum3A, %convert_element_type3A_920 : vector<16xi32>
      %convert_element_type3A_924 = arith.sitofp %sub3A : vector<16xi32> to vector<16xf32>
      %add3A_925 = arith.addf %gather3A_923, %convert_element_type3A_924 : vector<16xf32>
      %select_n3A_926 = arith.select %eq3A_919, %add3A_925, %scan3A_914 : vector<16xi1>, vector<16xf32>
      %all_reduce_population_count3A = tpu.all_reduce %eq3A_919 {dim = 0 : i64, kind = #tpu.reduction_kind<sum>} : vector<16xi1> -> vector<16xi32>
      %convert_element_type3A_927 = arith.sitofp %all_reduce_population_count3A : vector<16xi32> to vector<16xf32>
      %add3A_928 = arith.addf %gather3A_923, %convert_element_type3A_927 : vector<16xf32>
      tpu.vector_store_idx %arg5[%add3A_918], %add3A_928 masked %eq3A_14 : memref<64xf32, #tpu.memory_space<vmem>>[vector<16xi32>], vector<16xf32>, vector<16xi1>
      scf.yield %select_n3A_926 : vector<16xf32>
    }
    %scan3A_138 = arith.constant 64 : i32
    %add3A_139 = arith.constant 96 : i32
    %add3A_140 = vector.broadcast %add3A_139 : i32 to vector<16xi32>
    %add3A_141 = arith.addi %iota3A, %add3A_140 : vector<16xi32>
    %mul3A_142 = arith.constant 64 : i32
    %mul3A_143 = vector.broadcast %mul3A_142 : i32 to vector<16xi32>
    %mul3A_144 = arith.muli %add3A_141, %mul3A_143 : vector<16xi32>
    %gather3A_145 = tpu.vector_load_idx %arg4[%mul3A_144] : memref<8192xf32, #tpu.memory_space<vmem>>[vector<16xi32>], vector<16xf32>,
    %broadcast_in_dim3A_146 = arith.constant 0 : i32
    %broadcast_in_dim3A_147 = vector.broadcast %broadcast_in_dim3A_146 : i32 to vector<16xi32>
    %scan3A_148 = arith.constant 1 : i32
    %scan3A_149 = arith.constant 63 : i32
    %scan3A_150 = arith.addi %scan3A_148, %scan3A_149 : i32
    %scan3A_151 = arith.constant 1 : i32
    %scan3A_152:2 = scf.for %scan3A_913 = %scan3A_148 to %scan3A_150 step %scan3A_151 iter_args(%scan3A_914 = %gather3A_145, %scan3A_915 = %broadcast_in_dim3A_147) -> (vector<16xf32>, vector<16xi32>)  : i32 {
      %broadcast_in_dim3A_916 = arith.constant 0 : i32
      %broadcast_in_dim3A_917 = vector.broadcast %broadcast_in_dim3A_916 : i32 to vector<16xi32>
      %add3A_918 = vector.broadcast %scan3A_913 : i32 to vector<16xi32>
      %add3A_919 = arith.addi %broadcast_in_dim3A_917, %add3A_918 : vector<16xi32>
      %add3A_920 = arith.addi %mul3A_144, %add3A_919 : vector<16xi32>
      %gather3A_921 = tpu.vector_load_idx %arg4[%add3A_920] : memref<8192xf32, #tpu.memory_space<vmem>>[vector<16xi32>], vector<16xf32>,
      %gt3A_922 = arith.cmpf ogt, %gather3A_921, %scan3A_914 : vector<16xf32>
      %select_n3A_923 = arith.select %gt3A_922, %gather3A_921, %scan3A_914 : vector<16xi1>, vector<16xf32>
      %select_n3A_924 = arith.select %gt3A_922, %add3A_919, %scan3A_915 : vector<16xi1>, vector<16xi32>
      scf.yield %select_n3A_923, %select_n3A_924 : vector<16xf32>, vector<16xi32>
    }
    %scan3A_153 = arith.constant 63 : i32
    %scan3A_154 = arith.constant 0 : i32
    %scan3A_155 = arith.constant 64 : i32
    %scan3A_156 = arith.addi %scan3A_154, %scan3A_155 : i32
    %scan3A_157 = arith.constant 1 : i32
    %scan3A_158 = scf.for %scan3A_913 = %scan3A_154 to %scan3A_156 step %scan3A_157 iter_args(%scan3A_914 = %broadcast_in_dim3A_5) -> (vector<16xf32>)  : i32 {
      %broadcast_in_dim3A_915 = arith.constant 0 : i32
      %broadcast_in_dim3A_916 = vector.broadcast %broadcast_in_dim3A_915 : i32 to vector<16xi32>
      %add3A_917 = vector.broadcast %scan3A_913 : i32 to vector<16xi32>
      %add3A_918 = arith.addi %broadcast_in_dim3A_916, %add3A_917 : vector<16xi32>
      %eq3A_919 = arith.cmpi eq, %scan3A_152#1, %add3A_918 : vector<16xi32>
      %convert_element_type3A_920 = arith.extui %eq3A_919 : vector<16xi1> to vector<16xi32>
      %broadcast_in_dim3A_921 = arith.constant true
      %broadcast_in_dim3A_922 = vector.broadcast %broadcast_in_dim3A_921 : i1 to vector<16xi1>
      %masked_cumsum3A = tpu.scan <sum>, %convert_element_type3A_920 masked %broadcast_in_dim3A_922 : vector<16xi32>, vector<16xi1> -> vector<16xi32>
      %gather3A_923 = tpu.vector_load_idx %arg5[%add3A_918] : memref<64xf32, #tpu.memory_space<vmem>>[vector<16xi32>], vector<16xf32>,
      %sub3A = arith.subi %masked_cumsum3A, %convert_element_type3A_920 : vector<16xi32>
      %convert_element_type3A_924 = arith.sitofp %sub3A : vector<16xi32> to vector<16xf32>
      %add3A_925 = arith.addf %gather3A_923, %convert_element_type3A_924 : vector<16xf32>
      %select_n3A_926 = arith.select %eq3A_919, %add3A_925, %scan3A_914 : vector<16xi1>, vector<16xf32>
      %all_reduce_population_count3A = tpu.all_reduce %eq3A_919 {dim = 0 : i64, kind = #tpu.reduction_kind<sum>} : vector<16xi1> -> vector<16xi32>
      %convert_element_type3A_927 = arith.sitofp %all_reduce_population_count3A : vector<16xi32> to vector<16xf32>
      %add3A_928 = arith.addf %gather3A_923, %convert_element_type3A_927 : vector<16xf32>
      tpu.vector_store_idx %arg5[%add3A_918], %add3A_928 masked %eq3A_14 : memref<64xf32, #tpu.memory_space<vmem>>[vector<16xi32>], vector<16xf32>, vector<16xi1>
      scf.yield %select_n3A_926 : vector<16xf32>
    }
    %scan3A_159 = arith.constant 64 : i32
    %add3A_160 = arith.constant 112 : i32
    %add3A_161 = vector.broadcast %add3A_160 : i32 to vector<16xi32>
    %add3A_162 = arith.addi %iota3A, %add3A_161 : vector<16xi32>
    %mul3A_163 = arith.constant 64 : i32
    %mul3A_164 = vector.broadcast %mul3A_163 : i32 to vector<16xi32>
    %mul3A_165 = arith.muli %add3A_162, %mul3A_164 : vector<16xi32>
    %gather3A_166 = tpu.vector_load_idx %arg4[%mul3A_165] : memref<8192xf32, #tpu.memory_space<vmem>>[vector<16xi32>], vector<16xf32>,
    %broadcast_in_dim3A_167 = arith.constant 0 : i32
    %broadcast_in_dim3A_168 = vector.broadcast %broadcast_in_dim3A_167 : i32 to vector<16xi32>
    %scan3A_169 = arith.constant 1 : i32
    %scan3A_170 = arith.constant 63 : i32
    %scan3A_171 = arith.addi %scan3A_169, %scan3A_170 : i32
    %scan3A_172 = arith.constant 1 : i32
    %scan3A_173:2 = scf.for %scan3A_913 = %scan3A_169 to %scan3A_171 step %scan3A_172 iter_args(%scan3A_914 = %gather3A_166, %scan3A_915 = %broadcast_in_dim3A_168) -> (vector<16xf32>, vector<16xi32>)  : i32 {
      %broadcast_in_dim3A_916 = arith.constant 0 : i32
      %broadcast_in_dim3A_917 = vector.broadcast %broadcast_in_dim3A_916 : i32 to vector<16xi32>
      %add3A_918 = vector.broadcast %scan3A_913 : i32 to vector<16xi32>
      %add3A_919 = arith.addi %broadcast_in_dim3A_917, %add3A_918 : vector<16xi32>
      %add3A_920 = arith.addi %mul3A_165, %add3A_919 : vector<16xi32>
      %gather3A_921 = tpu.vector_load_idx %arg4[%add3A_920] : memref<8192xf32, #tpu.memory_space<vmem>>[vector<16xi32>], vector<16xf32>,
      %gt3A_922 = arith.cmpf ogt, %gather3A_921, %scan3A_914 : vector<16xf32>
      %select_n3A_923 = arith.select %gt3A_922, %gather3A_921, %scan3A_914 : vector<16xi1>, vector<16xf32>
      %select_n3A_924 = arith.select %gt3A_922, %add3A_919, %scan3A_915 : vector<16xi1>, vector<16xi32>
      scf.yield %select_n3A_923, %select_n3A_924 : vector<16xf32>, vector<16xi32>
    }
    %scan3A_174 = arith.constant 63 : i32
    %scan3A_175 = arith.constant 0 : i32
    %scan3A_176 = arith.constant 64 : i32
    %scan3A_177 = arith.addi %scan3A_175, %scan3A_176 : i32
    %scan3A_178 = arith.constant 1 : i32
    %scan3A_179 = scf.for %scan3A_913 = %scan3A_175 to %scan3A_177 step %scan3A_178 iter_args(%scan3A_914 = %broadcast_in_dim3A_5) -> (vector<16xf32>)  : i32 {
      %broadcast_in_dim3A_915 = arith.constant 0 : i32
      %broadcast_in_dim3A_916 = vector.broadcast %broadcast_in_dim3A_915 : i32 to vector<16xi32>
      %add3A_917 = vector.broadcast %scan3A_913 : i32 to vector<16xi32>
      %add3A_918 = arith.addi %broadcast_in_dim3A_916, %add3A_917 : vector<16xi32>
      %eq3A_919 = arith.cmpi eq, %scan3A_173#1, %add3A_918 : vector<16xi32>
      %convert_element_type3A_920 = arith.extui %eq3A_919 : vector<16xi1> to vector<16xi32>
      %broadcast_in_dim3A_921 = arith.constant true
      %broadcast_in_dim3A_922 = vector.broadcast %broadcast_in_dim3A_921 : i1 to vector<16xi1>
      %masked_cumsum3A = tpu.scan <sum>, %convert_element_type3A_920 masked %broadcast_in_dim3A_922 : vector<16xi32>, vector<16xi1> -> vector<16xi32>
      %gather3A_923 = tpu.vector_load_idx %arg5[%add3A_918] : memref<64xf32, #tpu.memory_space<vmem>>[vector<16xi32>], vector<16xf32>,
      %sub3A = arith.subi %masked_cumsum3A, %convert_element_type3A_920 : vector<16xi32>
      %convert_element_type3A_924 = arith.sitofp %sub3A : vector<16xi32> to vector<16xf32>
      %add3A_925 = arith.addf %gather3A_923, %convert_element_type3A_924 : vector<16xf32>
      %select_n3A_926 = arith.select %eq3A_919, %add3A_925, %scan3A_914 : vector<16xi1>, vector<16xf32>
      %all_reduce_population_count3A = tpu.all_reduce %eq3A_919 {dim = 0 : i64, kind = #tpu.reduction_kind<sum>} : vector<16xi1> -> vector<16xi32>
      %convert_element_type3A_927 = arith.sitofp %all_reduce_population_count3A : vector<16xi32> to vector<16xf32>
      %add3A_928 = arith.addf %gather3A_923, %convert_element_type3A_927 : vector<16xf32>
      tpu.vector_store_idx %arg5[%add3A_918], %add3A_928 masked %eq3A_14 : memref<64xf32, #tpu.memory_space<vmem>>[vector<16xi32>], vector<16xf32>, vector<16xi1>
      scf.yield %select_n3A_926 : vector<16xf32>
    }
    %scan3A_180 = arith.constant 64 : i32
    %mul3A_181 = arith.constant 64 : i32
    %mul3A_182 = arith.muli %arg1, %mul3A_181 : i32
    "tpu.region"() ({
      %run_scoped3A = tpu.sem_alloc : memref<!tpu.dma_semaphore, #tpu.memory_space<semaphore_mem>>
      %dma_start3A = tpu.memref_slice %arg8[%mul3A_182] : memref<1024xf32, #tpu.memory_space<vmem_shared>> -> memref<64xf32, #tpu.memory_space<vmem_shared>>
      %dma_start3A_913 = tpu.memref_slice %arg8[%mul3A_182] : memref<1024xf32, #tpu.memory_space<vmem_shared>> -> memref<64xf32, #tpu.memory_space<vmem_shared>>
      tpu.enqueue_dma source(%arg5 : memref<64xf32, #tpu.memory_space<vmem>>) target(%dma_start3A_913 : memref<64xf32, #tpu.memory_space<vmem_shared>>) target_semaphore(%run_scoped3A : memref<!tpu.dma_semaphore, #tpu.memory_space<semaphore_mem>>)
      %dma_wait3A = tpu.memref_slice %arg8[%mul3A_182] : memref<1024xf32, #tpu.memory_space<vmem_shared>> -> memref<64xf32, #tpu.memory_space<vmem_shared>>
      %dma_wait3A_914 = tpu.memref_slice %arg8[%mul3A_182] : memref<1024xf32, #tpu.memory_space<vmem_shared>> -> memref<64xf32, #tpu.memory_space<vmem_shared>>
      tpu.wait_dma2 semaphore(%run_scoped3A : memref<!tpu.dma_semaphore, #tpu.memory_space<semaphore_mem>>) src(%arg5 : memref<64xf32, #tpu.memory_space<vmem>>) dst(%dma_wait3A_914 : memref<64xf32, #tpu.memory_space<vmem_shared>>)
      tpu.yield
    }) : () -> ()
    %barrier3A = arith.constant 0 : index
    tpu.barrier barrier_id(%barrier3A)
    "tpu.region"() ({
      %run_scoped3A = tpu.sem_alloc : memref<!tpu.dma_semaphore, #tpu.memory_space<semaphore_mem>>
      tpu.enqueue_dma source(%arg8 : memref<1024xf32, #tpu.memory_space<vmem_shared>>) target(%arg9 : memref<1024xf32, #tpu.memory_space<vmem>>) target_semaphore(%run_scoped3A : memref<!tpu.dma_semaphore, #tpu.memory_space<semaphore_mem>>)
      tpu.wait_dma2 semaphore(%run_scoped3A : memref<!tpu.dma_semaphore, #tpu.memory_space<semaphore_mem>>) src(%arg8 : memref<1024xf32, #tpu.memory_space<vmem_shared>>) dst(%arg9 : memref<1024xf32, #tpu.memory_space<vmem>>)
      tpu.yield
    }) : () -> ()
    %gt3A = arith.constant 0 : i32
    %gt3A_183 = arith.cmpi sgt, %arg1, %gt3A : i32
    %jit3A = arith.constant 1.000000e+00 : f32
    %jit3A_184 = arith.constant 0.000000e+00 : f32
    %select_n3A = arith.select %gt3A_183, %jit3A, %jit3A_184 : f32
    %get3A = arith.constant 0 : index
    %get3A_185 = tpu.vector_load %arg9[%get3A] {strides = array<i32>} : memref<1024xf32, #tpu.memory_space<vmem>>, vector<16xf32>,
    %mul3A_186 = vector.broadcast %select_n3A : f32 to vector<16xf32>
    %mul3A_187 = arith.mulf %mul3A_186, %get3A_185 : vector<16xf32>
    %add3A_188 = arith.addf %broadcast_in_dim3A_5, %mul3A_187 : vector<16xf32>
    %gt3A_189 = arith.constant 1 : i32
    %gt3A_190 = arith.cmpi sgt, %arg1, %gt3A_189 : i32
    %jit3A_191 = arith.constant 1.000000e+00 : f32
    %jit3A_192 = arith.constant 0.000000e+00 : f32
    %select_n3A_193 = arith.select %gt3A_190, %jit3A_191, %jit3A_192 : f32
    %get3A_194 = arith.constant 64 : index
    %get3A_195 = tpu.vector_load %arg9[%get3A_194] {strides = array<i32>} : memref<1024xf32, #tpu.memory_space<vmem>>, vector<16xf32>,
    %mul3A_196 = vector.broadcast %select_n3A_193 : f32 to vector<16xf32>
    %mul3A_197 = arith.mulf %mul3A_196, %get3A_195 : vector<16xf32>
    %add3A_198 = arith.addf %add3A_188, %mul3A_197 : vector<16xf32>
    %gt3A_199 = arith.constant 2 : i32
    %gt3A_200 = arith.cmpi sgt, %arg1, %gt3A_199 : i32
    %jit3A_201 = arith.constant 1.000000e+00 : f32
    %jit3A_202 = arith.constant 0.000000e+00 : f32
    %select_n3A_203 = arith.select %gt3A_200, %jit3A_201, %jit3A_202 : f32
    %get3A_204 = arith.constant 128 : index
    %get3A_205 = tpu.vector_load %arg9[%get3A_204] {strides = array<i32>} : memref<1024xf32, #tpu.memory_space<vmem>>, vector<16xf32>,
    %mul3A_206 = vector.broadcast %select_n3A_203 : f32 to vector<16xf32>
    %mul3A_207 = arith.mulf %mul3A_206, %get3A_205 : vector<16xf32>
    %add3A_208 = arith.addf %add3A_198, %mul3A_207 : vector<16xf32>
    %gt3A_209 = arith.constant 3 : i32
    %gt3A_210 = arith.cmpi sgt, %arg1, %gt3A_209 : i32
    %jit3A_211 = arith.constant 1.000000e+00 : f32
    %jit3A_212 = arith.constant 0.000000e+00 : f32
    %select_n3A_213 = arith.select %gt3A_210, %jit3A_211, %jit3A_212 : f32
    %get3A_214 = arith.constant 192 : index
    %get3A_215 = tpu.vector_load %arg9[%get3A_214] {strides = array<i32>} : memref<1024xf32, #tpu.memory_space<vmem>>, vector<16xf32>,
    %mul3A_216 = vector.broadcast %select_n3A_213 : f32 to vector<16xf32>
    %mul3A_217 = arith.mulf %mul3A_216, %get3A_215 : vector<16xf32>
    %add3A_218 = arith.addf %add3A_208, %mul3A_217 : vector<16xf32>
    %gt3A_219 = arith.constant 4 : i32
    %gt3A_220 = arith.cmpi sgt, %arg1, %gt3A_219 : i32
    %jit3A_221 = arith.constant 1.000000e+00 : f32
    %jit3A_222 = arith.constant 0.000000e+00 : f32
    %select_n3A_223 = arith.select %gt3A_220, %jit3A_221, %jit3A_222 : f32
    %get3A_224 = arith.constant 256 : index
    %get3A_225 = tpu.vector_load %arg9[%get3A_224] {strides = array<i32>} : memref<1024xf32, #tpu.memory_space<vmem>>, vector<16xf32>,
    %mul3A_226 = vector.broadcast %select_n3A_223 : f32 to vector<16xf32>
    %mul3A_227 = arith.mulf %mul3A_226, %get3A_225 : vector<16xf32>
    %add3A_228 = arith.addf %add3A_218, %mul3A_227 : vector<16xf32>
    %gt3A_229 = arith.constant 5 : i32
    %gt3A_230 = arith.cmpi sgt, %arg1, %gt3A_229 : i32
    %jit3A_231 = arith.constant 1.000000e+00 : f32
    %jit3A_232 = arith.constant 0.000000e+00 : f32
    %select_n3A_233 = arith.select %gt3A_230, %jit3A_231, %jit3A_232 : f32
    %get3A_234 = arith.constant 320 : index
    %get3A_235 = tpu.vector_load %arg9[%get3A_234] {strides = array<i32>} : memref<1024xf32, #tpu.memory_space<vmem>>, vector<16xf32>,
    %mul3A_236 = vector.broadcast %select_n3A_233 : f32 to vector<16xf32>
    %mul3A_237 = arith.mulf %mul3A_236, %get3A_235 : vector<16xf32>
    %add3A_238 = arith.addf %add3A_228, %mul3A_237 : vector<16xf32>
    %gt3A_239 = arith.constant 6 : i32
    %gt3A_240 = arith.cmpi sgt, %arg1, %gt3A_239 : i32
    %jit3A_241 = arith.constant 1.000000e+00 : f32
    %jit3A_242 = arith.constant 0.000000e+00 : f32
    %select_n3A_243 = arith.select %gt3A_240, %jit3A_241, %jit3A_242 : f32
    %get3A_244 = arith.constant 384 : index
    %get3A_245 = tpu.vector_load %arg9[%get3A_244] {strides = array<i32>} : memref<1024xf32, #tpu.memory_space<vmem>>, vector<16xf32>,
    %mul3A_246 = vector.broadcast %select_n3A_243 : f32 to vector<16xf32>
    %mul3A_247 = arith.mulf %mul3A_246, %get3A_245 : vector<16xf32>
    %add3A_248 = arith.addf %add3A_238, %mul3A_247 : vector<16xf32>
    %gt3A_249 = arith.constant 7 : i32
    %gt3A_250 = arith.cmpi sgt, %arg1, %gt3A_249 : i32
    %jit3A_251 = arith.constant 1.000000e+00 : f32
    %jit3A_252 = arith.constant 0.000000e+00 : f32
    %select_n3A_253 = arith.select %gt3A_250, %jit3A_251, %jit3A_252 : f32
    %get3A_254 = arith.constant 448 : index
    %get3A_255 = tpu.vector_load %arg9[%get3A_254] {strides = array<i32>} : memref<1024xf32, #tpu.memory_space<vmem>>, vector<16xf32>,
    %mul3A_256 = vector.broadcast %select_n3A_253 : f32 to vector<16xf32>
    %mul3A_257 = arith.mulf %mul3A_256, %get3A_255 : vector<16xf32>
    %add3A_258 = arith.addf %add3A_248, %mul3A_257 : vector<16xf32>
    %gt3A_259 = arith.constant 8 : i32
    %gt3A_260 = arith.cmpi sgt, %arg1, %gt3A_259 : i32
    %jit3A_261 = arith.constant 1.000000e+00 : f32
    %jit3A_262 = arith.constant 0.000000e+00 : f32
    %select_n3A_263 = arith.select %gt3A_260, %jit3A_261, %jit3A_262 : f32
    %get3A_264 = arith.constant 512 : index
    %get3A_265 = tpu.vector_load %arg9[%get3A_264] {strides = array<i32>} : memref<1024xf32, #tpu.memory_space<vmem>>, vector<16xf32>,
    %mul3A_266 = vector.broadcast %select_n3A_263 : f32 to vector<16xf32>
    %mul3A_267 = arith.mulf %mul3A_266, %get3A_265 : vector<16xf32>
    %add3A_268 = arith.addf %add3A_258, %mul3A_267 : vector<16xf32>
    %gt3A_269 = arith.constant 9 : i32
    %gt3A_270 = arith.cmpi sgt, %arg1, %gt3A_269 : i32
    %jit3A_271 = arith.constant 1.000000e+00 : f32
    %jit3A_272 = arith.constant 0.000000e+00 : f32
    %select_n3A_273 = arith.select %gt3A_270, %jit3A_271, %jit3A_272 : f32
    %get3A_274 = arith.constant 576 : index
    %get3A_275 = tpu.vector_load %arg9[%get3A_274] {strides = array<i32>} : memref<1024xf32, #tpu.memory_space<vmem>>, vector<16xf32>,
    %mul3A_276 = vector.broadcast %select_n3A_273 : f32 to vector<16xf32>
    %mul3A_277 = arith.mulf %mul3A_276, %get3A_275 : vector<16xf32>
    %add3A_278 = arith.addf %add3A_268, %mul3A_277 : vector<16xf32>
    %gt3A_279 = arith.constant 10 : i32
    %gt3A_280 = arith.cmpi sgt, %arg1, %gt3A_279 : i32
    %jit3A_281 = arith.constant 1.000000e+00 : f32
    %jit3A_282 = arith.constant 0.000000e+00 : f32
    %select_n3A_283 = arith.select %gt3A_280, %jit3A_281, %jit3A_282 : f32
    %get3A_284 = arith.constant 640 : index
    %get3A_285 = tpu.vector_load %arg9[%get3A_284] {strides = array<i32>} : memref<1024xf32, #tpu.memory_space<vmem>>, vector<16xf32>,
    %mul3A_286 = vector.broadcast %select_n3A_283 : f32 to vector<16xf32>
    %mul3A_287 = arith.mulf %mul3A_286, %get3A_285 : vector<16xf32>
    %add3A_288 = arith.addf %add3A_278, %mul3A_287 : vector<16xf32>
    %gt3A_289 = arith.constant 11 : i32
    %gt3A_290 = arith.cmpi sgt, %arg1, %gt3A_289 : i32
    %jit3A_291 = arith.constant 1.000000e+00 : f32
    %jit3A_292 = arith.constant 0.000000e+00 : f32
    %select_n3A_293 = arith.select %gt3A_290, %jit3A_291, %jit3A_292 : f32
    %get3A_294 = arith.constant 704 : index
    %get3A_295 = tpu.vector_load %arg9[%get3A_294] {strides = array<i32>} : memref<1024xf32, #tpu.memory_space<vmem>>, vector<16xf32>,
    %mul3A_296 = vector.broadcast %select_n3A_293 : f32 to vector<16xf32>
    %mul3A_297 = arith.mulf %mul3A_296, %get3A_295 : vector<16xf32>
    %add3A_298 = arith.addf %add3A_288, %mul3A_297 : vector<16xf32>
    %gt3A_299 = arith.constant 12 : i32
    %gt3A_300 = arith.cmpi sgt, %arg1, %gt3A_299 : i32
    %jit3A_301 = arith.constant 1.000000e+00 : f32
    %jit3A_302 = arith.constant 0.000000e+00 : f32
    %select_n3A_303 = arith.select %gt3A_300, %jit3A_301, %jit3A_302 : f32
    %get3A_304 = arith.constant 768 : index
    %get3A_305 = tpu.vector_load %arg9[%get3A_304] {strides = array<i32>} : memref<1024xf32, #tpu.memory_space<vmem>>, vector<16xf32>,
    %mul3A_306 = vector.broadcast %select_n3A_303 : f32 to vector<16xf32>
    %mul3A_307 = arith.mulf %mul3A_306, %get3A_305 : vector<16xf32>
    %add3A_308 = arith.addf %add3A_298, %mul3A_307 : vector<16xf32>
    %gt3A_309 = arith.constant 13 : i32
    %gt3A_310 = arith.cmpi sgt, %arg1, %gt3A_309 : i32
    %jit3A_311 = arith.constant 1.000000e+00 : f32
    %jit3A_312 = arith.constant 0.000000e+00 : f32
    %select_n3A_313 = arith.select %gt3A_310, %jit3A_311, %jit3A_312 : f32
    %get3A_314 = arith.constant 832 : index
    %get3A_315 = tpu.vector_load %arg9[%get3A_314] {strides = array<i32>} : memref<1024xf32, #tpu.memory_space<vmem>>, vector<16xf32>,
    %mul3A_316 = vector.broadcast %select_n3A_313 : f32 to vector<16xf32>
    %mul3A_317 = arith.mulf %mul3A_316, %get3A_315 : vector<16xf32>
    %add3A_318 = arith.addf %add3A_308, %mul3A_317 : vector<16xf32>
    %gt3A_319 = arith.constant 14 : i32
    %gt3A_320 = arith.cmpi sgt, %arg1, %gt3A_319 : i32
    %jit3A_321 = arith.constant 1.000000e+00 : f32
    %jit3A_322 = arith.constant 0.000000e+00 : f32
    %select_n3A_323 = arith.select %gt3A_320, %jit3A_321, %jit3A_322 : f32
    %get3A_324 = arith.constant 896 : index
    %get3A_325 = tpu.vector_load %arg9[%get3A_324] {strides = array<i32>} : memref<1024xf32, #tpu.memory_space<vmem>>, vector<16xf32>,
    %mul3A_326 = vector.broadcast %select_n3A_323 : f32 to vector<16xf32>
    %mul3A_327 = arith.mulf %mul3A_326, %get3A_325 : vector<16xf32>
    %add3A_328 = arith.addf %add3A_318, %mul3A_327 : vector<16xf32>
    %gt3A_329 = arith.constant 15 : i32
    %gt3A_330 = arith.cmpi sgt, %arg1, %gt3A_329 : i32
    %jit3A_331 = arith.constant 1.000000e+00 : f32
    %jit3A_332 = arith.constant 0.000000e+00 : f32
    %select_n3A_333 = arith.select %gt3A_330, %jit3A_331, %jit3A_332 : f32
    %get3A_334 = arith.constant 960 : index
    %get3A_335 = tpu.vector_load %arg9[%get3A_334] {strides = array<i32>} : memref<1024xf32, #tpu.memory_space<vmem>>, vector<16xf32>,
    %mul3A_336 = vector.broadcast %select_n3A_333 : f32 to vector<16xf32>
    %mul3A_337 = arith.mulf %mul3A_336, %get3A_335 : vector<16xf32>
    %add3A_338 = arith.addf %add3A_328, %mul3A_337 : vector<16xf32>
    %swap3A_339 = arith.constant 0 : index
    %swap3A_340 = tpu.vector_load %arg6[%swap3A_339] {strides = array<i32>} : memref<64xf32, #tpu.memory_space<vmem>>, vector<16xf32>,
    tpu.vector_store %arg6[%swap3A_339], %add3A_338 {strides = array<i32>} : memref<64xf32, #tpu.memory_space<vmem>>, vector<16xf32>,
    %gt3A_341 = arith.constant 0 : i32
    %gt3A_342 = arith.cmpi sgt, %arg1, %gt3A_341 : i32
    %jit3A_343 = arith.constant 1.000000e+00 : f32
    %jit3A_344 = arith.constant 0.000000e+00 : f32
    %select_n3A_345 = arith.select %gt3A_342, %jit3A_343, %jit3A_344 : f32
    %get3A_346 = arith.constant 16 : index
    %get3A_347 = tpu.vector_load %arg9[%get3A_346] {strides = array<i32>} : memref<1024xf32, #tpu.memory_space<vmem>>, vector<16xf32>,
    %mul3A_348 = vector.broadcast %select_n3A_345 : f32 to vector<16xf32>
    %mul3A_349 = arith.mulf %mul3A_348, %get3A_347 : vector<16xf32>
    %add3A_350 = arith.addf %broadcast_in_dim3A_5, %mul3A_349 : vector<16xf32>
    %gt3A_351 = arith.constant 1 : i32
    %gt3A_352 = arith.cmpi sgt, %arg1, %gt3A_351 : i32
    %jit3A_353 = arith.constant 1.000000e+00 : f32
    %jit3A_354 = arith.constant 0.000000e+00 : f32
    %select_n3A_355 = arith.select %gt3A_352, %jit3A_353, %jit3A_354 : f32
    %get3A_356 = arith.constant 80 : index
    %get3A_357 = tpu.vector_load %arg9[%get3A_356] {strides = array<i32>} : memref<1024xf32, #tpu.memory_space<vmem>>, vector<16xf32>,
    %mul3A_358 = vector.broadcast %select_n3A_355 : f32 to vector<16xf32>
    %mul3A_359 = arith.mulf %mul3A_358, %get3A_357 : vector<16xf32>
    %add3A_360 = arith.addf %add3A_350, %mul3A_359 : vector<16xf32>
    %gt3A_361 = arith.constant 2 : i32
    %gt3A_362 = arith.cmpi sgt, %arg1, %gt3A_361 : i32
    %jit3A_363 = arith.constant 1.000000e+00 : f32
    %jit3A_364 = arith.constant 0.000000e+00 : f32
    %select_n3A_365 = arith.select %gt3A_362, %jit3A_363, %jit3A_364 : f32
    %get3A_366 = arith.constant 144 : index
    %get3A_367 = tpu.vector_load %arg9[%get3A_366] {strides = array<i32>} : memref<1024xf32, #tpu.memory_space<vmem>>, vector<16xf32>,
    %mul3A_368 = vector.broadcast %select_n3A_365 : f32 to vector<16xf32>
    %mul3A_369 = arith.mulf %mul3A_368, %get3A_367 : vector<16xf32>
    %add3A_370 = arith.addf %add3A_360, %mul3A_369 : vector<16xf32>
    %gt3A_371 = arith.constant 3 : i32
    %gt3A_372 = arith.cmpi sgt, %arg1, %gt3A_371 : i32
    %jit3A_373 = arith.constant 1.000000e+00 : f32
    %jit3A_374 = arith.constant 0.000000e+00 : f32
    %select_n3A_375 = arith.select %gt3A_372, %jit3A_373, %jit3A_374 : f32
    %get3A_376 = arith.constant 208 : index
    %get3A_377 = tpu.vector_load %arg9[%get3A_376] {strides = array<i32>} : memref<1024xf32, #tpu.memory_space<vmem>>, vector<16xf32>,
    %mul3A_378 = vector.broadcast %select_n3A_375 : f32 to vector<16xf32>
    %mul3A_379 = arith.mulf %mul3A_378, %get3A_377 : vector<16xf32>
    %add3A_380 = arith.addf %add3A_370, %mul3A_379 : vector<16xf32>
    %gt3A_381 = arith.constant 4 : i32
    %gt3A_382 = arith.cmpi sgt, %arg1, %gt3A_381 : i32
    %jit3A_383 = arith.constant 1.000000e+00 : f32
    %jit3A_384 = arith.constant 0.000000e+00 : f32
    %select_n3A_385 = arith.select %gt3A_382, %jit3A_383, %jit3A_384 : f32
    %get3A_386 = arith.constant 272 : index
    %get3A_387 = tpu.vector_load %arg9[%get3A_386] {strides = array<i32>} : memref<1024xf32, #tpu.memory_space<vmem>>, vector<16xf32>,
    %mul3A_388 = vector.broadcast %select_n3A_385 : f32 to vector<16xf32>
    %mul3A_389 = arith.mulf %mul3A_388, %get3A_387 : vector<16xf32>
    %add3A_390 = arith.addf %add3A_380, %mul3A_389 : vector<16xf32>
    %gt3A_391 = arith.constant 5 : i32
    %gt3A_392 = arith.cmpi sgt, %arg1, %gt3A_391 : i32
    %jit3A_393 = arith.constant 1.000000e+00 : f32
    %jit3A_394 = arith.constant 0.000000e+00 : f32
    %select_n3A_395 = arith.select %gt3A_392, %jit3A_393, %jit3A_394 : f32
    %get3A_396 = arith.constant 336 : index
    %get3A_397 = tpu.vector_load %arg9[%get3A_396] {strides = array<i32>} : memref<1024xf32, #tpu.memory_space<vmem>>, vector<16xf32>,
    %mul3A_398 = vector.broadcast %select_n3A_395 : f32 to vector<16xf32>
    %mul3A_399 = arith.mulf %mul3A_398, %get3A_397 : vector<16xf32>
    %add3A_400 = arith.addf %add3A_390, %mul3A_399 : vector<16xf32>
    %gt3A_401 = arith.constant 6 : i32
    %gt3A_402 = arith.cmpi sgt, %arg1, %gt3A_401 : i32
    %jit3A_403 = arith.constant 1.000000e+00 : f32
    %jit3A_404 = arith.constant 0.000000e+00 : f32
    %select_n3A_405 = arith.select %gt3A_402, %jit3A_403, %jit3A_404 : f32
    %get3A_406 = arith.constant 400 : index
    %get3A_407 = tpu.vector_load %arg9[%get3A_406] {strides = array<i32>} : memref<1024xf32, #tpu.memory_space<vmem>>, vector<16xf32>,
    %mul3A_408 = vector.broadcast %select_n3A_405 : f32 to vector<16xf32>
    %mul3A_409 = arith.mulf %mul3A_408, %get3A_407 : vector<16xf32>
    %add3A_410 = arith.addf %add3A_400, %mul3A_409 : vector<16xf32>
    %gt3A_411 = arith.constant 7 : i32
    %gt3A_412 = arith.cmpi sgt, %arg1, %gt3A_411 : i32
    %jit3A_413 = arith.constant 1.000000e+00 : f32
    %jit3A_414 = arith.constant 0.000000e+00 : f32
    %select_n3A_415 = arith.select %gt3A_412, %jit3A_413, %jit3A_414 : f32
    %get3A_416 = arith.constant 464 : index
    %get3A_417 = tpu.vector_load %arg9[%get3A_416] {strides = array<i32>} : memref<1024xf32, #tpu.memory_space<vmem>>, vector<16xf32>,
    %mul3A_418 = vector.broadcast %select_n3A_415 : f32 to vector<16xf32>
    %mul3A_419 = arith.mulf %mul3A_418, %get3A_417 : vector<16xf32>
    %add3A_420 = arith.addf %add3A_410, %mul3A_419 : vector<16xf32>
    %gt3A_421 = arith.constant 8 : i32
    %gt3A_422 = arith.cmpi sgt, %arg1, %gt3A_421 : i32
    %jit3A_423 = arith.constant 1.000000e+00 : f32
    %jit3A_424 = arith.constant 0.000000e+00 : f32
    %select_n3A_425 = arith.select %gt3A_422, %jit3A_423, %jit3A_424 : f32
    %get3A_426 = arith.constant 528 : index
    %get3A_427 = tpu.vector_load %arg9[%get3A_426] {strides = array<i32>} : memref<1024xf32, #tpu.memory_space<vmem>>, vector<16xf32>,
    %mul3A_428 = vector.broadcast %select_n3A_425 : f32 to vector<16xf32>
    %mul3A_429 = arith.mulf %mul3A_428, %get3A_427 : vector<16xf32>
    %add3A_430 = arith.addf %add3A_420, %mul3A_429 : vector<16xf32>
    %gt3A_431 = arith.constant 9 : i32
    %gt3A_432 = arith.cmpi sgt, %arg1, %gt3A_431 : i32
    %jit3A_433 = arith.constant 1.000000e+00 : f32
    %jit3A_434 = arith.constant 0.000000e+00 : f32
    %select_n3A_435 = arith.select %gt3A_432, %jit3A_433, %jit3A_434 : f32
    %get3A_436 = arith.constant 592 : index
    %get3A_437 = tpu.vector_load %arg9[%get3A_436] {strides = array<i32>} : memref<1024xf32, #tpu.memory_space<vmem>>, vector<16xf32>,
    %mul3A_438 = vector.broadcast %select_n3A_435 : f32 to vector<16xf32>
    %mul3A_439 = arith.mulf %mul3A_438, %get3A_437 : vector<16xf32>
    %add3A_440 = arith.addf %add3A_430, %mul3A_439 : vector<16xf32>
    %gt3A_441 = arith.constant 10 : i32
    %gt3A_442 = arith.cmpi sgt, %arg1, %gt3A_441 : i32
    %jit3A_443 = arith.constant 1.000000e+00 : f32
    %jit3A_444 = arith.constant 0.000000e+00 : f32
    %select_n3A_445 = arith.select %gt3A_442, %jit3A_443, %jit3A_444 : f32
    %get3A_446 = arith.constant 656 : index
    %get3A_447 = tpu.vector_load %arg9[%get3A_446] {strides = array<i32>} : memref<1024xf32, #tpu.memory_space<vmem>>, vector<16xf32>,
    %mul3A_448 = vector.broadcast %select_n3A_445 : f32 to vector<16xf32>
    %mul3A_449 = arith.mulf %mul3A_448, %get3A_447 : vector<16xf32>
    %add3A_450 = arith.addf %add3A_440, %mul3A_449 : vector<16xf32>
    %gt3A_451 = arith.constant 11 : i32
    %gt3A_452 = arith.cmpi sgt, %arg1, %gt3A_451 : i32
    %jit3A_453 = arith.constant 1.000000e+00 : f32
    %jit3A_454 = arith.constant 0.000000e+00 : f32
    %select_n3A_455 = arith.select %gt3A_452, %jit3A_453, %jit3A_454 : f32
    %get3A_456 = arith.constant 720 : index
    %get3A_457 = tpu.vector_load %arg9[%get3A_456] {strides = array<i32>} : memref<1024xf32, #tpu.memory_space<vmem>>, vector<16xf32>,
    %mul3A_458 = vector.broadcast %select_n3A_455 : f32 to vector<16xf32>
    %mul3A_459 = arith.mulf %mul3A_458, %get3A_457 : vector<16xf32>
    %add3A_460 = arith.addf %add3A_450, %mul3A_459 : vector<16xf32>
    %gt3A_461 = arith.constant 12 : i32
    %gt3A_462 = arith.cmpi sgt, %arg1, %gt3A_461 : i32
    %jit3A_463 = arith.constant 1.000000e+00 : f32
    %jit3A_464 = arith.constant 0.000000e+00 : f32
    %select_n3A_465 = arith.select %gt3A_462, %jit3A_463, %jit3A_464 : f32
    %get3A_466 = arith.constant 784 : index
    %get3A_467 = tpu.vector_load %arg9[%get3A_466] {strides = array<i32>} : memref<1024xf32, #tpu.memory_space<vmem>>, vector<16xf32>,
    %mul3A_468 = vector.broadcast %select_n3A_465 : f32 to vector<16xf32>
    %mul3A_469 = arith.mulf %mul3A_468, %get3A_467 : vector<16xf32>
    %add3A_470 = arith.addf %add3A_460, %mul3A_469 : vector<16xf32>
    %gt3A_471 = arith.constant 13 : i32
    %gt3A_472 = arith.cmpi sgt, %arg1, %gt3A_471 : i32
    %jit3A_473 = arith.constant 1.000000e+00 : f32
    %jit3A_474 = arith.constant 0.000000e+00 : f32
    %select_n3A_475 = arith.select %gt3A_472, %jit3A_473, %jit3A_474 : f32
    %get3A_476 = arith.constant 848 : index
    %get3A_477 = tpu.vector_load %arg9[%get3A_476] {strides = array<i32>} : memref<1024xf32, #tpu.memory_space<vmem>>, vector<16xf32>,
    %mul3A_478 = vector.broadcast %select_n3A_475 : f32 to vector<16xf32>
    %mul3A_479 = arith.mulf %mul3A_478, %get3A_477 : vector<16xf32>
    %add3A_480 = arith.addf %add3A_470, %mul3A_479 : vector<16xf32>
    %gt3A_481 = arith.constant 14 : i32
    %gt3A_482 = arith.cmpi sgt, %arg1, %gt3A_481 : i32
    %jit3A_483 = arith.constant 1.000000e+00 : f32
    %jit3A_484 = arith.constant 0.000000e+00 : f32
    %select_n3A_485 = arith.select %gt3A_482, %jit3A_483, %jit3A_484 : f32
    %get3A_486 = arith.constant 912 : index
    %get3A_487 = tpu.vector_load %arg9[%get3A_486] {strides = array<i32>} : memref<1024xf32, #tpu.memory_space<vmem>>, vector<16xf32>,
    %mul3A_488 = vector.broadcast %select_n3A_485 : f32 to vector<16xf32>
    %mul3A_489 = arith.mulf %mul3A_488, %get3A_487 : vector<16xf32>
    %add3A_490 = arith.addf %add3A_480, %mul3A_489 : vector<16xf32>
    %gt3A_491 = arith.constant 15 : i32
    %gt3A_492 = arith.cmpi sgt, %arg1, %gt3A_491 : i32
    %jit3A_493 = arith.constant 1.000000e+00 : f32
    %jit3A_494 = arith.constant 0.000000e+00 : f32
    %select_n3A_495 = arith.select %gt3A_492, %jit3A_493, %jit3A_494 : f32
    %get3A_496 = arith.constant 976 : index
    %get3A_497 = tpu.vector_load %arg9[%get3A_496] {strides = array<i32>} : memref<1024xf32, #tpu.memory_space<vmem>>, vector<16xf32>,
    %mul3A_498 = vector.broadcast %select_n3A_495 : f32 to vector<16xf32>
    %mul3A_499 = arith.mulf %mul3A_498, %get3A_497 : vector<16xf32>
    %add3A_500 = arith.addf %add3A_490, %mul3A_499 : vector<16xf32>
    %swap3A_501 = arith.constant 16 : index
    %swap3A_502 = tpu.vector_load %arg6[%swap3A_501] {strides = array<i32>} : memref<64xf32, #tpu.memory_space<vmem>>, vector<16xf32>,
    tpu.vector_store %arg6[%swap3A_501], %add3A_500 {strides = array<i32>} : memref<64xf32, #tpu.memory_space<vmem>>, vector<16xf32>,
    %gt3A_503 = arith.constant 0 : i32
    %gt3A_504 = arith.cmpi sgt, %arg1, %gt3A_503 : i32
    %jit3A_505 = arith.constant 1.000000e+00 : f32
    %jit3A_506 = arith.constant 0.000000e+00 : f32
    %select_n3A_507 = arith.select %gt3A_504, %jit3A_505, %jit3A_506 : f32
    %get3A_508 = arith.constant 32 : index
    %get3A_509 = tpu.vector_load %arg9[%get3A_508] {strides = array<i32>} : memref<1024xf32, #tpu.memory_space<vmem>>, vector<16xf32>,
    %mul3A_510 = vector.broadcast %select_n3A_507 : f32 to vector<16xf32>
    %mul3A_511 = arith.mulf %mul3A_510, %get3A_509 : vector<16xf32>
    %add3A_512 = arith.addf %broadcast_in_dim3A_5, %mul3A_511 : vector<16xf32>
    %gt3A_513 = arith.constant 1 : i32
    %gt3A_514 = arith.cmpi sgt, %arg1, %gt3A_513 : i32
    %jit3A_515 = arith.constant 1.000000e+00 : f32
    %jit3A_516 = arith.constant 0.000000e+00 : f32
    %select_n3A_517 = arith.select %gt3A_514, %jit3A_515, %jit3A_516 : f32
    %get3A_518 = arith.constant 96 : index
    %get3A_519 = tpu.vector_load %arg9[%get3A_518] {strides = array<i32>} : memref<1024xf32, #tpu.memory_space<vmem>>, vector<16xf32>,
    %mul3A_520 = vector.broadcast %select_n3A_517 : f32 to vector<16xf32>
    %mul3A_521 = arith.mulf %mul3A_520, %get3A_519 : vector<16xf32>
    %add3A_522 = arith.addf %add3A_512, %mul3A_521 : vector<16xf32>
    %gt3A_523 = arith.constant 2 : i32
    %gt3A_524 = arith.cmpi sgt, %arg1, %gt3A_523 : i32
    %jit3A_525 = arith.constant 1.000000e+00 : f32
    %jit3A_526 = arith.constant 0.000000e+00 : f32
    %select_n3A_527 = arith.select %gt3A_524, %jit3A_525, %jit3A_526 : f32
    %get3A_528 = arith.constant 160 : index
    %get3A_529 = tpu.vector_load %arg9[%get3A_528] {strides = array<i32>} : memref<1024xf32, #tpu.memory_space<vmem>>, vector<16xf32>,
    %mul3A_530 = vector.broadcast %select_n3A_527 : f32 to vector<16xf32>
    %mul3A_531 = arith.mulf %mul3A_530, %get3A_529 : vector<16xf32>
    %add3A_532 = arith.addf %add3A_522, %mul3A_531 : vector<16xf32>
    %gt3A_533 = arith.constant 3 : i32
    %gt3A_534 = arith.cmpi sgt, %arg1, %gt3A_533 : i32
    %jit3A_535 = arith.constant 1.000000e+00 : f32
    %jit3A_536 = arith.constant 0.000000e+00 : f32
    %select_n3A_537 = arith.select %gt3A_534, %jit3A_535, %jit3A_536 : f32
    %get3A_538 = arith.constant 224 : index
    %get3A_539 = tpu.vector_load %arg9[%get3A_538] {strides = array<i32>} : memref<1024xf32, #tpu.memory_space<vmem>>, vector<16xf32>,
    %mul3A_540 = vector.broadcast %select_n3A_537 : f32 to vector<16xf32>
    %mul3A_541 = arith.mulf %mul3A_540, %get3A_539 : vector<16xf32>
    %add3A_542 = arith.addf %add3A_532, %mul3A_541 : vector<16xf32>
    %gt3A_543 = arith.constant 4 : i32
    %gt3A_544 = arith.cmpi sgt, %arg1, %gt3A_543 : i32
    %jit3A_545 = arith.constant 1.000000e+00 : f32
    %jit3A_546 = arith.constant 0.000000e+00 : f32
    %select_n3A_547 = arith.select %gt3A_544, %jit3A_545, %jit3A_546 : f32
    %get3A_548 = arith.constant 288 : index
    %get3A_549 = tpu.vector_load %arg9[%get3A_548] {strides = array<i32>} : memref<1024xf32, #tpu.memory_space<vmem>>, vector<16xf32>,
    %mul3A_550 = vector.broadcast %select_n3A_547 : f32 to vector<16xf32>
    %mul3A_551 = arith.mulf %mul3A_550, %get3A_549 : vector<16xf32>
    %add3A_552 = arith.addf %add3A_542, %mul3A_551 : vector<16xf32>
    %gt3A_553 = arith.constant 5 : i32
    %gt3A_554 = arith.cmpi sgt, %arg1, %gt3A_553 : i32
    %jit3A_555 = arith.constant 1.000000e+00 : f32
    %jit3A_556 = arith.constant 0.000000e+00 : f32
    %select_n3A_557 = arith.select %gt3A_554, %jit3A_555, %jit3A_556 : f32
    %get3A_558 = arith.constant 352 : index
    %get3A_559 = tpu.vector_load %arg9[%get3A_558] {strides = array<i32>} : memref<1024xf32, #tpu.memory_space<vmem>>, vector<16xf32>,
    %mul3A_560 = vector.broadcast %select_n3A_557 : f32 to vector<16xf32>
    %mul3A_561 = arith.mulf %mul3A_560, %get3A_559 : vector<16xf32>
    %add3A_562 = arith.addf %add3A_552, %mul3A_561 : vector<16xf32>
    %gt3A_563 = arith.constant 6 : i32
    %gt3A_564 = arith.cmpi sgt, %arg1, %gt3A_563 : i32
    %jit3A_565 = arith.constant 1.000000e+00 : f32
    %jit3A_566 = arith.constant 0.000000e+00 : f32
    %select_n3A_567 = arith.select %gt3A_564, %jit3A_565, %jit3A_566 : f32
    %get3A_568 = arith.constant 416 : index
    %get3A_569 = tpu.vector_load %arg9[%get3A_568] {strides = array<i32>} : memref<1024xf32, #tpu.memory_space<vmem>>, vector<16xf32>,
    %mul3A_570 = vector.broadcast %select_n3A_567 : f32 to vector<16xf32>
    %mul3A_571 = arith.mulf %mul3A_570, %get3A_569 : vector<16xf32>
    %add3A_572 = arith.addf %add3A_562, %mul3A_571 : vector<16xf32>
    %gt3A_573 = arith.constant 7 : i32
    %gt3A_574 = arith.cmpi sgt, %arg1, %gt3A_573 : i32
    %jit3A_575 = arith.constant 1.000000e+00 : f32
    %jit3A_576 = arith.constant 0.000000e+00 : f32
    %select_n3A_577 = arith.select %gt3A_574, %jit3A_575, %jit3A_576 : f32
    %get3A_578 = arith.constant 480 : index
    %get3A_579 = tpu.vector_load %arg9[%get3A_578] {strides = array<i32>} : memref<1024xf32, #tpu.memory_space<vmem>>, vector<16xf32>,
    %mul3A_580 = vector.broadcast %select_n3A_577 : f32 to vector<16xf32>
    %mul3A_581 = arith.mulf %mul3A_580, %get3A_579 : vector<16xf32>
    %add3A_582 = arith.addf %add3A_572, %mul3A_581 : vector<16xf32>
    %gt3A_583 = arith.constant 8 : i32
    %gt3A_584 = arith.cmpi sgt, %arg1, %gt3A_583 : i32
    %jit3A_585 = arith.constant 1.000000e+00 : f32
    %jit3A_586 = arith.constant 0.000000e+00 : f32
    %select_n3A_587 = arith.select %gt3A_584, %jit3A_585, %jit3A_586 : f32
    %get3A_588 = arith.constant 544 : index
    %get3A_589 = tpu.vector_load %arg9[%get3A_588] {strides = array<i32>} : memref<1024xf32, #tpu.memory_space<vmem>>, vector<16xf32>,
    %mul3A_590 = vector.broadcast %select_n3A_587 : f32 to vector<16xf32>
    %mul3A_591 = arith.mulf %mul3A_590, %get3A_589 : vector<16xf32>
    %add3A_592 = arith.addf %add3A_582, %mul3A_591 : vector<16xf32>
    %gt3A_593 = arith.constant 9 : i32
    %gt3A_594 = arith.cmpi sgt, %arg1, %gt3A_593 : i32
    %jit3A_595 = arith.constant 1.000000e+00 : f32
    %jit3A_596 = arith.constant 0.000000e+00 : f32
    %select_n3A_597 = arith.select %gt3A_594, %jit3A_595, %jit3A_596 : f32
    %get3A_598 = arith.constant 608 : index
    %get3A_599 = tpu.vector_load %arg9[%get3A_598] {strides = array<i32>} : memref<1024xf32, #tpu.memory_space<vmem>>, vector<16xf32>,
    %mul3A_600 = vector.broadcast %select_n3A_597 : f32 to vector<16xf32>
    %mul3A_601 = arith.mulf %mul3A_600, %get3A_599 : vector<16xf32>
    %add3A_602 = arith.addf %add3A_592, %mul3A_601 : vector<16xf32>
    %gt3A_603 = arith.constant 10 : i32
    %gt3A_604 = arith.cmpi sgt, %arg1, %gt3A_603 : i32
    %jit3A_605 = arith.constant 1.000000e+00 : f32
    %jit3A_606 = arith.constant 0.000000e+00 : f32
    %select_n3A_607 = arith.select %gt3A_604, %jit3A_605, %jit3A_606 : f32
    %get3A_608 = arith.constant 672 : index
    %get3A_609 = tpu.vector_load %arg9[%get3A_608] {strides = array<i32>} : memref<1024xf32, #tpu.memory_space<vmem>>, vector<16xf32>,
    %mul3A_610 = vector.broadcast %select_n3A_607 : f32 to vector<16xf32>
    %mul3A_611 = arith.mulf %mul3A_610, %get3A_609 : vector<16xf32>
    %add3A_612 = arith.addf %add3A_602, %mul3A_611 : vector<16xf32>
    %gt3A_613 = arith.constant 11 : i32
    %gt3A_614 = arith.cmpi sgt, %arg1, %gt3A_613 : i32
    %jit3A_615 = arith.constant 1.000000e+00 : f32
    %jit3A_616 = arith.constant 0.000000e+00 : f32
    %select_n3A_617 = arith.select %gt3A_614, %jit3A_615, %jit3A_616 : f32
    %get3A_618 = arith.constant 736 : index
    %get3A_619 = tpu.vector_load %arg9[%get3A_618] {strides = array<i32>} : memref<1024xf32, #tpu.memory_space<vmem>>, vector<16xf32>,
    %mul3A_620 = vector.broadcast %select_n3A_617 : f32 to vector<16xf32>
    %mul3A_621 = arith.mulf %mul3A_620, %get3A_619 : vector<16xf32>
    %add3A_622 = arith.addf %add3A_612, %mul3A_621 : vector<16xf32>
    %gt3A_623 = arith.constant 12 : i32
    %gt3A_624 = arith.cmpi sgt, %arg1, %gt3A_623 : i32
    %jit3A_625 = arith.constant 1.000000e+00 : f32
    %jit3A_626 = arith.constant 0.000000e+00 : f32
    %select_n3A_627 = arith.select %gt3A_624, %jit3A_625, %jit3A_626 : f32
    %get3A_628 = arith.constant 800 : index
    %get3A_629 = tpu.vector_load %arg9[%get3A_628] {strides = array<i32>} : memref<1024xf32, #tpu.memory_space<vmem>>, vector<16xf32>,
    %mul3A_630 = vector.broadcast %select_n3A_627 : f32 to vector<16xf32>
    %mul3A_631 = arith.mulf %mul3A_630, %get3A_629 : vector<16xf32>
    %add3A_632 = arith.addf %add3A_622, %mul3A_631 : vector<16xf32>
    %gt3A_633 = arith.constant 13 : i32
    %gt3A_634 = arith.cmpi sgt, %arg1, %gt3A_633 : i32
    %jit3A_635 = arith.constant 1.000000e+00 : f32
    %jit3A_636 = arith.constant 0.000000e+00 : f32
    %select_n3A_637 = arith.select %gt3A_634, %jit3A_635, %jit3A_636 : f32
    %get3A_638 = arith.constant 864 : index
    %get3A_639 = tpu.vector_load %arg9[%get3A_638] {strides = array<i32>} : memref<1024xf32, #tpu.memory_space<vmem>>, vector<16xf32>,
    %mul3A_640 = vector.broadcast %select_n3A_637 : f32 to vector<16xf32>
    %mul3A_641 = arith.mulf %mul3A_640, %get3A_639 : vector<16xf32>
    %add3A_642 = arith.addf %add3A_632, %mul3A_641 : vector<16xf32>
    %gt3A_643 = arith.constant 14 : i32
    %gt3A_644 = arith.cmpi sgt, %arg1, %gt3A_643 : i32
    %jit3A_645 = arith.constant 1.000000e+00 : f32
    %jit3A_646 = arith.constant 0.000000e+00 : f32
    %select_n3A_647 = arith.select %gt3A_644, %jit3A_645, %jit3A_646 : f32
    %get3A_648 = arith.constant 928 : index
    %get3A_649 = tpu.vector_load %arg9[%get3A_648] {strides = array<i32>} : memref<1024xf32, #tpu.memory_space<vmem>>, vector<16xf32>,
    %mul3A_650 = vector.broadcast %select_n3A_647 : f32 to vector<16xf32>
    %mul3A_651 = arith.mulf %mul3A_650, %get3A_649 : vector<16xf32>
    %add3A_652 = arith.addf %add3A_642, %mul3A_651 : vector<16xf32>
    %gt3A_653 = arith.constant 15 : i32
    %gt3A_654 = arith.cmpi sgt, %arg1, %gt3A_653 : i32
    %jit3A_655 = arith.constant 1.000000e+00 : f32
    %jit3A_656 = arith.constant 0.000000e+00 : f32
    %select_n3A_657 = arith.select %gt3A_654, %jit3A_655, %jit3A_656 : f32
    %get3A_658 = arith.constant 992 : index
    %get3A_659 = tpu.vector_load %arg9[%get3A_658] {strides = array<i32>} : memref<1024xf32, #tpu.memory_space<vmem>>, vector<16xf32>,
    %mul3A_660 = vector.broadcast %select_n3A_657 : f32 to vector<16xf32>
    %mul3A_661 = arith.mulf %mul3A_660, %get3A_659 : vector<16xf32>
    %add3A_662 = arith.addf %add3A_652, %mul3A_661 : vector<16xf32>
    %swap3A_663 = arith.constant 32 : index
    %swap3A_664 = tpu.vector_load %arg6[%swap3A_663] {strides = array<i32>} : memref<64xf32, #tpu.memory_space<vmem>>, vector<16xf32>,
    tpu.vector_store %arg6[%swap3A_663], %add3A_662 {strides = array<i32>} : memref<64xf32, #tpu.memory_space<vmem>>, vector<16xf32>,
    %gt3A_665 = arith.constant 0 : i32
    %gt3A_666 = arith.cmpi sgt, %arg1, %gt3A_665 : i32
    %jit3A_667 = arith.constant 1.000000e+00 : f32
    %jit3A_668 = arith.constant 0.000000e+00 : f32
    %select_n3A_669 = arith.select %gt3A_666, %jit3A_667, %jit3A_668 : f32
    %get3A_670 = arith.constant 48 : index
    %get3A_671 = tpu.vector_load %arg9[%get3A_670] {strides = array<i32>} : memref<1024xf32, #tpu.memory_space<vmem>>, vector<16xf32>,
    %mul3A_672 = vector.broadcast %select_n3A_669 : f32 to vector<16xf32>
    %mul3A_673 = arith.mulf %mul3A_672, %get3A_671 : vector<16xf32>
    %add3A_674 = arith.addf %broadcast_in_dim3A_5, %mul3A_673 : vector<16xf32>
    %gt3A_675 = arith.constant 1 : i32
    %gt3A_676 = arith.cmpi sgt, %arg1, %gt3A_675 : i32
    %jit3A_677 = arith.constant 1.000000e+00 : f32
    %jit3A_678 = arith.constant 0.000000e+00 : f32
    %select_n3A_679 = arith.select %gt3A_676, %jit3A_677, %jit3A_678 : f32
    %get3A_680 = arith.constant 112 : index
    %get3A_681 = tpu.vector_load %arg9[%get3A_680] {strides = array<i32>} : memref<1024xf32, #tpu.memory_space<vmem>>, vector<16xf32>,
    %mul3A_682 = vector.broadcast %select_n3A_679 : f32 to vector<16xf32>
    %mul3A_683 = arith.mulf %mul3A_682, %get3A_681 : vector<16xf32>
    %add3A_684 = arith.addf %add3A_674, %mul3A_683 : vector<16xf32>
    %gt3A_685 = arith.constant 2 : i32
    %gt3A_686 = arith.cmpi sgt, %arg1, %gt3A_685 : i32
    %jit3A_687 = arith.constant 1.000000e+00 : f32
    %jit3A_688 = arith.constant 0.000000e+00 : f32
    %select_n3A_689 = arith.select %gt3A_686, %jit3A_687, %jit3A_688 : f32
    %get3A_690 = arith.constant 176 : index
    %get3A_691 = tpu.vector_load %arg9[%get3A_690] {strides = array<i32>} : memref<1024xf32, #tpu.memory_space<vmem>>, vector<16xf32>,
    %mul3A_692 = vector.broadcast %select_n3A_689 : f32 to vector<16xf32>
    %mul3A_693 = arith.mulf %mul3A_692, %get3A_691 : vector<16xf32>
    %add3A_694 = arith.addf %add3A_684, %mul3A_693 : vector<16xf32>
    %gt3A_695 = arith.constant 3 : i32
    %gt3A_696 = arith.cmpi sgt, %arg1, %gt3A_695 : i32
    %jit3A_697 = arith.constant 1.000000e+00 : f32
    %jit3A_698 = arith.constant 0.000000e+00 : f32
    %select_n3A_699 = arith.select %gt3A_696, %jit3A_697, %jit3A_698 : f32
    %get3A_700 = arith.constant 240 : index
    %get3A_701 = tpu.vector_load %arg9[%get3A_700] {strides = array<i32>} : memref<1024xf32, #tpu.memory_space<vmem>>, vector<16xf32>,
    %mul3A_702 = vector.broadcast %select_n3A_699 : f32 to vector<16xf32>
    %mul3A_703 = arith.mulf %mul3A_702, %get3A_701 : vector<16xf32>
    %add3A_704 = arith.addf %add3A_694, %mul3A_703 : vector<16xf32>
    %gt3A_705 = arith.constant 4 : i32
    %gt3A_706 = arith.cmpi sgt, %arg1, %gt3A_705 : i32
    %jit3A_707 = arith.constant 1.000000e+00 : f32
    %jit3A_708 = arith.constant 0.000000e+00 : f32
    %select_n3A_709 = arith.select %gt3A_706, %jit3A_707, %jit3A_708 : f32
    %get3A_710 = arith.constant 304 : index
    %get3A_711 = tpu.vector_load %arg9[%get3A_710] {strides = array<i32>} : memref<1024xf32, #tpu.memory_space<vmem>>, vector<16xf32>,
    %mul3A_712 = vector.broadcast %select_n3A_709 : f32 to vector<16xf32>
    %mul3A_713 = arith.mulf %mul3A_712, %get3A_711 : vector<16xf32>
    %add3A_714 = arith.addf %add3A_704, %mul3A_713 : vector<16xf32>
    %gt3A_715 = arith.constant 5 : i32
    %gt3A_716 = arith.cmpi sgt, %arg1, %gt3A_715 : i32
    %jit3A_717 = arith.constant 1.000000e+00 : f32
    %jit3A_718 = arith.constant 0.000000e+00 : f32
    %select_n3A_719 = arith.select %gt3A_716, %jit3A_717, %jit3A_718 : f32
    %get3A_720 = arith.constant 368 : index
    %get3A_721 = tpu.vector_load %arg9[%get3A_720] {strides = array<i32>} : memref<1024xf32, #tpu.memory_space<vmem>>, vector<16xf32>,
    %mul3A_722 = vector.broadcast %select_n3A_719 : f32 to vector<16xf32>
    %mul3A_723 = arith.mulf %mul3A_722, %get3A_721 : vector<16xf32>
    %add3A_724 = arith.addf %add3A_714, %mul3A_723 : vector<16xf32>
    %gt3A_725 = arith.constant 6 : i32
    %gt3A_726 = arith.cmpi sgt, %arg1, %gt3A_725 : i32
    %jit3A_727 = arith.constant 1.000000e+00 : f32
    %jit3A_728 = arith.constant 0.000000e+00 : f32
    %select_n3A_729 = arith.select %gt3A_726, %jit3A_727, %jit3A_728 : f32
    %get3A_730 = arith.constant 432 : index
    %get3A_731 = tpu.vector_load %arg9[%get3A_730] {strides = array<i32>} : memref<1024xf32, #tpu.memory_space<vmem>>, vector<16xf32>,
    %mul3A_732 = vector.broadcast %select_n3A_729 : f32 to vector<16xf32>
    %mul3A_733 = arith.mulf %mul3A_732, %get3A_731 : vector<16xf32>
    %add3A_734 = arith.addf %add3A_724, %mul3A_733 : vector<16xf32>
    %gt3A_735 = arith.constant 7 : i32
    %gt3A_736 = arith.cmpi sgt, %arg1, %gt3A_735 : i32
    %jit3A_737 = arith.constant 1.000000e+00 : f32
    %jit3A_738 = arith.constant 0.000000e+00 : f32
    %select_n3A_739 = arith.select %gt3A_736, %jit3A_737, %jit3A_738 : f32
    %get3A_740 = arith.constant 496 : index
    %get3A_741 = tpu.vector_load %arg9[%get3A_740] {strides = array<i32>} : memref<1024xf32, #tpu.memory_space<vmem>>, vector<16xf32>,
    %mul3A_742 = vector.broadcast %select_n3A_739 : f32 to vector<16xf32>
    %mul3A_743 = arith.mulf %mul3A_742, %get3A_741 : vector<16xf32>
    %add3A_744 = arith.addf %add3A_734, %mul3A_743 : vector<16xf32>
    %gt3A_745 = arith.constant 8 : i32
    %gt3A_746 = arith.cmpi sgt, %arg1, %gt3A_745 : i32
    %jit3A_747 = arith.constant 1.000000e+00 : f32
    %jit3A_748 = arith.constant 0.000000e+00 : f32
    %select_n3A_749 = arith.select %gt3A_746, %jit3A_747, %jit3A_748 : f32
    %get3A_750 = arith.constant 560 : index
    %get3A_751 = tpu.vector_load %arg9[%get3A_750] {strides = array<i32>} : memref<1024xf32, #tpu.memory_space<vmem>>, vector<16xf32>,
    %mul3A_752 = vector.broadcast %select_n3A_749 : f32 to vector<16xf32>
    %mul3A_753 = arith.mulf %mul3A_752, %get3A_751 : vector<16xf32>
    %add3A_754 = arith.addf %add3A_744, %mul3A_753 : vector<16xf32>
    %gt3A_755 = arith.constant 9 : i32
    %gt3A_756 = arith.cmpi sgt, %arg1, %gt3A_755 : i32
    %jit3A_757 = arith.constant 1.000000e+00 : f32
    %jit3A_758 = arith.constant 0.000000e+00 : f32
    %select_n3A_759 = arith.select %gt3A_756, %jit3A_757, %jit3A_758 : f32
    %get3A_760 = arith.constant 624 : index
    %get3A_761 = tpu.vector_load %arg9[%get3A_760] {strides = array<i32>} : memref<1024xf32, #tpu.memory_space<vmem>>, vector<16xf32>,
    %mul3A_762 = vector.broadcast %select_n3A_759 : f32 to vector<16xf32>
    %mul3A_763 = arith.mulf %mul3A_762, %get3A_761 : vector<16xf32>
    %add3A_764 = arith.addf %add3A_754, %mul3A_763 : vector<16xf32>
    %gt3A_765 = arith.constant 10 : i32
    %gt3A_766 = arith.cmpi sgt, %arg1, %gt3A_765 : i32
    %jit3A_767 = arith.constant 1.000000e+00 : f32
    %jit3A_768 = arith.constant 0.000000e+00 : f32
    %select_n3A_769 = arith.select %gt3A_766, %jit3A_767, %jit3A_768 : f32
    %get3A_770 = arith.constant 688 : index
    %get3A_771 = tpu.vector_load %arg9[%get3A_770] {strides = array<i32>} : memref<1024xf32, #tpu.memory_space<vmem>>, vector<16xf32>,
    %mul3A_772 = vector.broadcast %select_n3A_769 : f32 to vector<16xf32>
    %mul3A_773 = arith.mulf %mul3A_772, %get3A_771 : vector<16xf32>
    %add3A_774 = arith.addf %add3A_764, %mul3A_773 : vector<16xf32>
    %gt3A_775 = arith.constant 11 : i32
    %gt3A_776 = arith.cmpi sgt, %arg1, %gt3A_775 : i32
    %jit3A_777 = arith.constant 1.000000e+00 : f32
    %jit3A_778 = arith.constant 0.000000e+00 : f32
    %select_n3A_779 = arith.select %gt3A_776, %jit3A_777, %jit3A_778 : f32
    %get3A_780 = arith.constant 752 : index
    %get3A_781 = tpu.vector_load %arg9[%get3A_780] {strides = array<i32>} : memref<1024xf32, #tpu.memory_space<vmem>>, vector<16xf32>,
    %mul3A_782 = vector.broadcast %select_n3A_779 : f32 to vector<16xf32>
    %mul3A_783 = arith.mulf %mul3A_782, %get3A_781 : vector<16xf32>
    %add3A_784 = arith.addf %add3A_774, %mul3A_783 : vector<16xf32>
    %gt3A_785 = arith.constant 12 : i32
    %gt3A_786 = arith.cmpi sgt, %arg1, %gt3A_785 : i32
    %jit3A_787 = arith.constant 1.000000e+00 : f32
    %jit3A_788 = arith.constant 0.000000e+00 : f32
    %select_n3A_789 = arith.select %gt3A_786, %jit3A_787, %jit3A_788 : f32
    %get3A_790 = arith.constant 816 : index
    %get3A_791 = tpu.vector_load %arg9[%get3A_790] {strides = array<i32>} : memref<1024xf32, #tpu.memory_space<vmem>>, vector<16xf32>,
    %mul3A_792 = vector.broadcast %select_n3A_789 : f32 to vector<16xf32>
    %mul3A_793 = arith.mulf %mul3A_792, %get3A_791 : vector<16xf32>
    %add3A_794 = arith.addf %add3A_784, %mul3A_793 : vector<16xf32>
    %gt3A_795 = arith.constant 13 : i32
    %gt3A_796 = arith.cmpi sgt, %arg1, %gt3A_795 : i32
    %jit3A_797 = arith.constant 1.000000e+00 : f32
    %jit3A_798 = arith.constant 0.000000e+00 : f32
    %select_n3A_799 = arith.select %gt3A_796, %jit3A_797, %jit3A_798 : f32
    %get3A_800 = arith.constant 880 : index
    %get3A_801 = tpu.vector_load %arg9[%get3A_800] {strides = array<i32>} : memref<1024xf32, #tpu.memory_space<vmem>>, vector<16xf32>,
    %mul3A_802 = vector.broadcast %select_n3A_799 : f32 to vector<16xf32>
    %mul3A_803 = arith.mulf %mul3A_802, %get3A_801 : vector<16xf32>
    %add3A_804 = arith.addf %add3A_794, %mul3A_803 : vector<16xf32>
    %gt3A_805 = arith.constant 14 : i32
    %gt3A_806 = arith.cmpi sgt, %arg1, %gt3A_805 : i32
    %jit3A_807 = arith.constant 1.000000e+00 : f32
    %jit3A_808 = arith.constant 0.000000e+00 : f32
    %select_n3A_809 = arith.select %gt3A_806, %jit3A_807, %jit3A_808 : f32
    %get3A_810 = arith.constant 944 : index
    %get3A_811 = tpu.vector_load %arg9[%get3A_810] {strides = array<i32>} : memref<1024xf32, #tpu.memory_space<vmem>>, vector<16xf32>,
    %mul3A_812 = vector.broadcast %select_n3A_809 : f32 to vector<16xf32>
    %mul3A_813 = arith.mulf %mul3A_812, %get3A_811 : vector<16xf32>
    %add3A_814 = arith.addf %add3A_804, %mul3A_813 : vector<16xf32>
    %gt3A_815 = arith.constant 15 : i32
    %gt3A_816 = arith.cmpi sgt, %arg1, %gt3A_815 : i32
    %jit3A_817 = arith.constant 1.000000e+00 : f32
    %jit3A_818 = arith.constant 0.000000e+00 : f32
    %select_n3A_819 = arith.select %gt3A_816, %jit3A_817, %jit3A_818 : f32
    %get3A_820 = arith.constant 1008 : index
    %get3A_821 = tpu.vector_load %arg9[%get3A_820] {strides = array<i32>} : memref<1024xf32, #tpu.memory_space<vmem>>, vector<16xf32>,
    %mul3A_822 = vector.broadcast %select_n3A_819 : f32 to vector<16xf32>
    %mul3A_823 = arith.mulf %mul3A_822, %get3A_821 : vector<16xf32>
    %add3A_824 = arith.addf %add3A_814, %mul3A_823 : vector<16xf32>
    %swap3A_825 = arith.constant 48 : index
    %swap3A_826 = tpu.vector_load %arg6[%swap3A_825] {strides = array<i32>} : memref<64xf32, #tpu.memory_space<vmem>>, vector<16xf32>,
    tpu.vector_store %arg6[%swap3A_825], %add3A_824 {strides = array<i32>} : memref<64xf32, #tpu.memory_space<vmem>>, vector<16xf32>,
    %gather3A_827 = tpu.vector_load_idx %arg6[%scan3A_26#1] : memref<64xf32, #tpu.memory_space<vmem>>[vector<16xi32>], vector<16xf32>,
    %add3A_828 = arith.addf %scan3A_32, %gather3A_827 : vector<16xf32>
    %lt3A = arith.constant 2.560000e+02 : f32
    %lt3A_829 = vector.broadcast %lt3A : f32 to vector<16xf32>
    %lt3A_830 = arith.cmpf olt, %add3A_828, %lt3A_829 : vector<16xf32>
    %convert_element_type3A = arith.sitofp %scan3A_26#1 : vector<16xi32> to vector<16xf32>
    %jit3A_831 = arith.constant -1.000000e+00 : f32
    %broadcast_in_dim3A_832 = vector.broadcast %jit3A_831 : f32 to vector<16xf32>
    %select_n3A_833 = arith.select %lt3A_830, %convert_element_type3A, %broadcast_in_dim3A_832 : vector<16xi1>, vector<16xf32>
    %swap3A_834 = arith.constant 0 : index
    %swap3A_835 = tpu.vector_load %arg7[%swap3A_834] {strides = array<i32>} : memref<128xf32, #tpu.memory_space<vmem>>, vector<16xf32>,
    tpu.vector_store %arg7[%swap3A_834], %select_n3A_833 {strides = array<i32>} : memref<128xf32, #tpu.memory_space<vmem>>, vector<16xf32>,
    %gather3A_836 = tpu.vector_load_idx %arg6[%scan3A_47#1] : memref<64xf32, #tpu.memory_space<vmem>>[vector<16xi32>], vector<16xf32>,
    %add3A_837 = arith.addf %scan3A_53, %gather3A_836 : vector<16xf32>
    %lt3A_838 = arith.constant 2.560000e+02 : f32
    %lt3A_839 = vector.broadcast %lt3A_838 : f32 to vector<16xf32>
    %lt3A_840 = arith.cmpf olt, %add3A_837, %lt3A_839 : vector<16xf32>
    %convert_element_type3A_841 = arith.sitofp %scan3A_47#1 : vector<16xi32> to vector<16xf32>
    %jit3A_842 = arith.constant -1.000000e+00 : f32
    %broadcast_in_dim3A_843 = vector.broadcast %jit3A_842 : f32 to vector<16xf32>
    %select_n3A_844 = arith.select %lt3A_840, %convert_element_type3A_841, %broadcast_in_dim3A_843 : vector<16xi1>, vector<16xf32>
    %swap3A_845 = arith.constant 16 : index
    %swap3A_846 = tpu.vector_load %arg7[%swap3A_845] {strides = array<i32>} : memref<128xf32, #tpu.memory_space<vmem>>, vector<16xf32>,
    tpu.vector_store %arg7[%swap3A_845], %select_n3A_844 {strides = array<i32>} : memref<128xf32, #tpu.memory_space<vmem>>, vector<16xf32>,
    %gather3A_847 = tpu.vector_load_idx %arg6[%scan3A_68#1] : memref<64xf32, #tpu.memory_space<vmem>>[vector<16xi32>], vector<16xf32>,
    %add3A_848 = arith.addf %scan3A_74, %gather3A_847 : vector<16xf32>
    %lt3A_849 = arith.constant 2.560000e+02 : f32
    %lt3A_850 = vector.broadcast %lt3A_849 : f32 to vector<16xf32>
    %lt3A_851 = arith.cmpf olt, %add3A_848, %lt3A_850 : vector<16xf32>
    %convert_element_type3A_852 = arith.sitofp %scan3A_68#1 : vector<16xi32> to vector<16xf32>
    %jit3A_853 = arith.constant -1.000000e+00 : f32
    %broadcast_in_dim3A_854 = vector.broadcast %jit3A_853 : f32 to vector<16xf32>
    %select_n3A_855 = arith.select %lt3A_851, %convert_element_type3A_852, %broadcast_in_dim3A_854 : vector<16xi1>, vector<16xf32>
    %swap3A_856 = arith.constant 32 : index
    %swap3A_857 = tpu.vector_load %arg7[%swap3A_856] {strides = array<i32>} : memref<128xf32, #tpu.memory_space<vmem>>, vector<16xf32>,
    tpu.vector_store %arg7[%swap3A_856], %select_n3A_855 {strides = array<i32>} : memref<128xf32, #tpu.memory_space<vmem>>, vector<16xf32>,
    %gather3A_858 = tpu.vector_load_idx %arg6[%scan3A_89#1] : memref<64xf32, #tpu.memory_space<vmem>>[vector<16xi32>], vector<16xf32>,
    %add3A_859 = arith.addf %scan3A_95, %gather3A_858 : vector<16xf32>
    %lt3A_860 = arith.constant 2.560000e+02 : f32
    %lt3A_861 = vector.broadcast %lt3A_860 : f32 to vector<16xf32>
    %lt3A_862 = arith.cmpf olt, %add3A_859, %lt3A_861 : vector<16xf32>
    %convert_element_type3A_863 = arith.sitofp %scan3A_89#1 : vector<16xi32> to vector<16xf32>
    %jit3A_864 = arith.constant -1.000000e+00 : f32
    %broadcast_in_dim3A_865 = vector.broadcast %jit3A_864 : f32 to vector<16xf32>
    %select_n3A_866 = arith.select %lt3A_862, %convert_element_type3A_863, %broadcast_in_dim3A_865 : vector<16xi1>, vector<16xf32>
    %swap3A_867 = arith.constant 48 : index
    %swap3A_868 = tpu.vector_load %arg7[%swap3A_867] {strides = array<i32>} : memref<128xf32, #tpu.memory_space<vmem>>, vector<16xf32>,
    tpu.vector_store %arg7[%swap3A_867], %select_n3A_866 {strides = array<i32>} : memref<128xf32, #tpu.memory_space<vmem>>, vector<16xf32>,
    %gather3A_869 = tpu.vector_load_idx %arg6[%scan3A_110#1] : memref<64xf32, #tpu.memory_space<vmem>>[vector<16xi32>], vector<16xf32>,
    %add3A_870 = arith.addf %scan3A_116, %gather3A_869 : vector<16xf32>
    %lt3A_871 = arith.constant 2.560000e+02 : f32
    %lt3A_872 = vector.broadcast %lt3A_871 : f32 to vector<16xf32>
    %lt3A_873 = arith.cmpf olt, %add3A_870, %lt3A_872 : vector<16xf32>
    %convert_element_type3A_874 = arith.sitofp %scan3A_110#1 : vector<16xi32> to vector<16xf32>
    %jit3A_875 = arith.constant -1.000000e+00 : f32
    %broadcast_in_dim3A_876 = vector.broadcast %jit3A_875 : f32 to vector<16xf32>
    %select_n3A_877 = arith.select %lt3A_873, %convert_element_type3A_874, %broadcast_in_dim3A_876 : vector<16xi1>, vector<16xf32>
    %swap3A_878 = arith.constant 64 : index
    %swap3A_879 = tpu.vector_load %arg7[%swap3A_878] {strides = array<i32>} : memref<128xf32, #tpu.memory_space<vmem>>, vector<16xf32>,
    tpu.vector_store %arg7[%swap3A_878], %select_n3A_877 {strides = array<i32>} : memref<128xf32, #tpu.memory_space<vmem>>, vector<16xf32>,
    %gather3A_880 = tpu.vector_load_idx %arg6[%scan3A_131#1] : memref<64xf32, #tpu.memory_space<vmem>>[vector<16xi32>], vector<16xf32>,
    %add3A_881 = arith.addf %scan3A_137, %gather3A_880 : vector<16xf32>
    %lt3A_882 = arith.constant 2.560000e+02 : f32
    %lt3A_883 = vector.broadcast %lt3A_882 : f32 to vector<16xf32>
    %lt3A_884 = arith.cmpf olt, %add3A_881, %lt3A_883 : vector<16xf32>
    %convert_element_type3A_885 = arith.sitofp %scan3A_131#1 : vector<16xi32> to vector<16xf32>
    %jit3A_886 = arith.constant -1.000000e+00 : f32
    %broadcast_in_dim3A_887 = vector.broadcast %jit3A_886 : f32 to vector<16xf32>
    %select_n3A_888 = arith.select %lt3A_884, %convert_element_type3A_885, %broadcast_in_dim3A_887 : vector<16xi1>, vector<16xf32>
    %swap3A_889 = arith.constant 80 : index
    %swap3A_890 = tpu.vector_load %arg7[%swap3A_889] {strides = array<i32>} : memref<128xf32, #tpu.memory_space<vmem>>, vector<16xf32>,
    tpu.vector_store %arg7[%swap3A_889], %select_n3A_888 {strides = array<i32>} : memref<128xf32, #tpu.memory_space<vmem>>, vector<16xf32>,
    %gather3A_891 = tpu.vector_load_idx %arg6[%scan3A_152#1] : memref<64xf32, #tpu.memory_space<vmem>>[vector<16xi32>], vector<16xf32>,
    %add3A_892 = arith.addf %scan3A_158, %gather3A_891 : vector<16xf32>
    %lt3A_893 = arith.constant 2.560000e+02 : f32
    %lt3A_894 = vector.broadcast %lt3A_893 : f32 to vector<16xf32>
    %lt3A_895 = arith.cmpf olt, %add3A_892, %lt3A_894 : vector<16xf32>
    %convert_element_type3A_896 = arith.sitofp %scan3A_152#1 : vector<16xi32> to vector<16xf32>
    %jit3A_897 = arith.constant -1.000000e+00 : f32
    %broadcast_in_dim3A_898 = vector.broadcast %jit3A_897 : f32 to vector<16xf32>
    %select_n3A_899 = arith.select %lt3A_895, %convert_element_type3A_896, %broadcast_in_dim3A_898 : vector<16xi1>, vector<16xf32>
    %swap3A_900 = arith.constant 96 : index
    %swap3A_901 = tpu.vector_load %arg7[%swap3A_900] {strides = array<i32>} : memref<128xf32, #tpu.memory_space<vmem>>, vector<16xf32>,
    tpu.vector_store %arg7[%swap3A_900], %select_n3A_899 {strides = array<i32>} : memref<128xf32, #tpu.memory_space<vmem>>, vector<16xf32>,
    %gather3A_902 = tpu.vector_load_idx %arg6[%scan3A_173#1] : memref<64xf32, #tpu.memory_space<vmem>>[vector<16xi32>], vector<16xf32>,
    %add3A_903 = arith.addf %scan3A_179, %gather3A_902 : vector<16xf32>
    %lt3A_904 = arith.constant 2.560000e+02 : f32
    %lt3A_905 = vector.broadcast %lt3A_904 : f32 to vector<16xf32>
    %lt3A_906 = arith.cmpf olt, %add3A_903, %lt3A_905 : vector<16xf32>
    %convert_element_type3A_907 = arith.sitofp %scan3A_173#1 : vector<16xi32> to vector<16xf32>
    %jit3A_908 = arith.constant -1.000000e+00 : f32
    %broadcast_in_dim3A_909 = vector.broadcast %jit3A_908 : f32 to vector<16xf32>
    %select_n3A_910 = arith.select %lt3A_906, %convert_element_type3A_907, %broadcast_in_dim3A_909 : vector<16xi1>, vector<16xf32>
    %swap3A_911 = arith.constant 112 : index
    %swap3A_912 = tpu.vector_load %arg7[%swap3A_911] {strides = array<i32>} : memref<128xf32, #tpu.memory_space<vmem>>, vector<16xf32>,
    tpu.vector_store %arg7[%swap3A_911], %select_n3A_910 {strides = array<i32>} : memref<128xf32, #tpu.memory_space<vmem>>, vector<16xf32>,
    "tpu.region"() ({
      %run_scoped3A = tpu.sem_alloc : memref<!tpu.dma_semaphore, #tpu.memory_space<semaphore_mem>>
      %dma_start3A = tpu.memref_slice %arg3[%add3A] : memref<4096xf32, #tpu.memory_space<hbm>> -> memref<128xf32, #tpu.memory_space<hbm>>
      %dma_start3A_913 = tpu.memref_slice %arg3[%add3A] : memref<4096xf32, #tpu.memory_space<hbm>> -> memref<128xf32, #tpu.memory_space<hbm>>
      tpu.enqueue_dma source(%arg7 : memref<128xf32, #tpu.memory_space<vmem>>) target(%dma_start3A_913 : memref<128xf32, #tpu.memory_space<hbm>>) target_semaphore(%run_scoped3A : memref<!tpu.dma_semaphore, #tpu.memory_space<semaphore_mem>>)
      %dma_wait3A = tpu.memref_slice %arg3[%add3A] : memref<4096xf32, #tpu.memory_space<hbm>> -> memref<128xf32, #tpu.memory_space<hbm>>
      %dma_wait3A_914 = tpu.memref_slice %arg3[%add3A] : memref<4096xf32, #tpu.memory_space<hbm>> -> memref<128xf32, #tpu.memory_space<hbm>>
      tpu.wait_dma2 semaphore(%run_scoped3A : memref<!tpu.dma_semaphore, #tpu.memory_space<semaphore_mem>>) src(%arg7 : memref<128xf32, #tpu.memory_space<vmem>>) dst(%dma_wait3A_914 : memref<128xf32, #tpu.memory_space<hbm>>)
      tpu.yield
    }) : () -> ()
    return
  }
}

module attributes {stable_mosaic.version = 14 : i64} {
  func.func @_prep_body(%arg0: i32, %arg1: memref<1x2048x15xf32, #tpu.memory_space<vmem>>, %arg2: memref<26x256xf32, #tpu.memory_space<vmem>>, %arg3: memref<1x256xf32, #tpu.memory_space<vmem>>, %arg4: memref<1x2048x192xf32, #tpu.memory_space<vmem>>, %arg5: memref<1x2048x64xf32, #tpu.memory_space<vmem>>) attributes {dimension_semantics = [#tpu.dimension_semantics<arbitrary>], iteration_bounds = array<i64: 2>, scalar_prefetch = 0 : i64, scratch_operands = 0 : i64, tpu.core_type = #tpu.core_type<tc>, window_params = [{transform_indices = @transform_0, window_bounds = array<i64: 1, 2048, 15>}, {pipeline_mode = #tpu.pipeline_mode<synchronous>, transform_indices = @transform_1, window_bounds = array<i64: 26, 256>}, {pipeline_mode = #tpu.pipeline_mode<synchronous>, transform_indices = @transform_2, window_bounds = array<i64: 1, 256>}, {transform_indices = @transform_3, window_bounds = array<i64: 1, 2048, 192>}, {transform_indices = @transform_4, window_bounds = array<i64: 1, 2048, 64>}]} {
    %get3A = arith.constant 0 : index
    %get3A_0 = arith.constant 0 : index
    %get3A_1 = arith.constant 0 : index
    %get3A_2 = vector.load %arg1[%get3A, %get3A_0, %get3A_1] : memref<1x2048x15xf32, #tpu.memory_space<vmem>>, vector<1x2048x15xf32>
    %get3A_3 = vector.shape_cast %get3A_2 : vector<1x2048x15xf32> to vector<2048x15xf32>
    %slice3A = vector.extract_strided_slice %get3A_3 {offsets = [0, 0], sizes = [2048, 1], strides = [1, 1]} : vector<2048x15xf32> to vector<2048x1xf32>
    %convert_element_type3A = arith.fptosi %slice3A : vector<2048x1xf32> to vector<2048x1xi32>
    %iota3A = tpu.iota {dimensions = array<i32: 1>} : vector<2048x12xi32>
    %eq3A = vector.broadcast %convert_element_type3A : vector<2048x1xi32> to vector<2048x12xi32>
    %eq3A_4 = arith.cmpi eq, %eq3A, %iota3A : vector<2048x12xi32>
    %convert_element_type3A_5 = arith.extui %eq3A_4 : vector<2048x12xi1> to vector<2048x12xi32>
    %convert_element_type3A_6 = arith.sitofp %convert_element_type3A_5 : vector<2048x12xi32> to vector<2048x12xf32>
    %slice3A_7 = vector.extract_strided_slice %get3A_3 {offsets = [0, 1], sizes = [2048, 14], strides = [1, 1]} : vector<2048x15xf32> to vector<2048x14xf32>
    %concatenate3A = tpu.concatenate %convert_element_type3A_6, %slice3A_7 in 1 : vector<2048x12xf32>, vector<2048x14xf32> -> vector<2048x26xf32>
    %get3A_8 = arith.constant 0 : index
    %get3A_9 = arith.constant 0 : index
    %get3A_10 = vector.load %arg2[%get3A_8, %get3A_9] : memref<26x256xf32, #tpu.memory_space<vmem>>, vector<26x256xf32>
    %dot_general3A = arith.constant dense<0.000000e+00> : vector<2048x256xf32>
    %dot_general3A_11 = tpu.matmul %concatenate3A, %get3A_10, %dot_general3A {dimension_numbers = #tpu.dot_dimension_numbers<[1], [0], [0], [1], [0, 0, 1, 1], [], []>, transpose_lhs_hint = false} : vector<2048x26xf32>, vector<26x256xf32>, vector<2048x256xf32> -> vector<2048x256xf32>
    %get3A_12 = arith.constant 0 : index
    %get3A_13 = arith.constant 0 : index
    %get3A_14 = vector.load %arg3[%get3A_12, %get3A_13] : memref<1x256xf32, #tpu.memory_space<vmem>>, vector<1x256xf32>
    %add3A = vector.broadcast %get3A_14 : vector<1x256xf32> to vector<2048x256xf32>
    %add3A_15 = arith.addf %dot_general3A_11, %add3A : vector<2048x256xf32>
    %gt3A = arith.constant 0.000000e+00 : f32
    %gt3A_16 = vector.broadcast %gt3A : f32 to vector<2048x256xf32>
    %gt3A_17 = arith.cmpf ogt, %add3A_15, %gt3A_16 : vector<2048x256xf32>
    %exp3A = math.exp %add3A_15 : vector<2048x256xf32>
    %sub3A = arith.constant 1.000000e+00 : f32
    %sub3A_18 = vector.broadcast %sub3A : f32 to vector<2048x256xf32>
    %sub3A_19 = arith.subf %exp3A, %sub3A_18 : vector<2048x256xf32>
    %mul3A = arith.constant 1.67326319 : f32
    %mul3A_20 = vector.broadcast %mul3A : f32 to vector<2048x256xf32>
    %mul3A_21 = arith.mulf %mul3A_20, %sub3A_19 : vector<2048x256xf32>
    %select_n3A = arith.select %gt3A_17, %add3A_15, %mul3A_21 : vector<2048x256xi1>, vector<2048x256xf32>
    %mul3A_22 = arith.constant 1.05070102 : f32
    %mul3A_23 = vector.broadcast %mul3A_22 : f32 to vector<2048x256xf32>
    %mul3A_24 = arith.mulf %mul3A_23, %select_n3A : vector<2048x256xf32>
    %slice3A_25 = vector.extract_strided_slice %mul3A_24 {offsets = [0, 0], sizes = [2048, 64], strides = [1, 1]} : vector<2048x256xf32> to vector<2048x64xf32>
    %swap3A = arith.constant 0 : index
    %swap3A_26 = arith.constant 0 : index
    %swap3A_27 = arith.constant 0 : index
    %swap3A_28 = vector.load %arg5[%swap3A, %swap3A_26, %swap3A_27] : memref<1x2048x64xf32, #tpu.memory_space<vmem>>, vector<1x2048x64xf32>
    %swap3A_29 = vector.shape_cast %swap3A_28 : vector<1x2048x64xf32> to vector<2048x64xf32>
    %swap3A_30 = vector.shape_cast %slice3A_25 : vector<2048x64xf32> to vector<1x2048x64xf32>
    tpu.vector_store %arg5[%swap3A, %swap3A_26, %swap3A_27], %swap3A_30 {strides = array<i32>} : memref<1x2048x64xf32, #tpu.memory_space<vmem>>, vector<1x2048x64xf32>,
    %slice3A_31 = vector.extract_strided_slice %mul3A_24 {offsets = [0, 64], sizes = [2048, 192], strides = [1, 1]} : vector<2048x256xf32> to vector<2048x192xf32>
    %swap3A_32 = arith.constant 0 : index
    %swap3A_33 = arith.constant 0 : index
    %swap3A_34 = arith.constant 0 : index
    %swap3A_35 = vector.load %arg4[%swap3A_32, %swap3A_33, %swap3A_34] : memref<1x2048x192xf32, #tpu.memory_space<vmem>>, vector<1x2048x192xf32>
    %swap3A_36 = vector.shape_cast %swap3A_35 : vector<1x2048x192xf32> to vector<2048x192xf32>
    %swap3A_37 = vector.shape_cast %slice3A_31 : vector<2048x192xf32> to vector<1x2048x192xf32>
    tpu.vector_store %arg4[%swap3A_32, %swap3A_33, %swap3A_34], %swap3A_37 {strides = array<i32>} : memref<1x2048x192xf32, #tpu.memory_space<vmem>>, vector<1x2048x192xf32>,
    return
  }
  func.func @transform_0(%arg0: i32) -> (i32, i32, i32) {
    %c0_i32 = arith.constant 0 : i32
    %c0_i32_0 = arith.constant 0 : i32
    %c0_i32_1 = arith.constant 0 : i32
    return %arg0, %c0_i32, %c0_i32_0 : i32, i32, i32
  }
  func.func @transform_1(%arg0: i32) -> (i32, i32) {
    %c0_i32 = arith.constant 0 : i32
    %c0_i32_0 = arith.constant 0 : i32
    %c0_i32_1 = arith.constant 0 : i32
    return %c0_i32, %c0_i32_0 : i32, i32
  }
  func.func @transform_2(%arg0: i32) -> (i32, i32) {
    %c0_i32 = arith.constant 0 : i32
    %c0_i32_0 = arith.constant 0 : i32
    %c0_i32_1 = arith.constant 0 : i32
    return %c0_i32, %c0_i32_0 : i32, i32
  }
  func.func @transform_3(%arg0: i32) -> (i32, i32, i32) {
    %c0_i32 = arith.constant 0 : i32
    %c0_i32_0 = arith.constant 0 : i32
    %c0_i32_1 = arith.constant 0 : i32
    return %arg0, %c0_i32, %c0_i32_0 : i32, i32, i32
  }
  func.func @transform_4(%arg0: i32) -> (i32, i32, i32) {
    %c0_i32 = arith.constant 0 : i32
    %c0_i32_0 = arith.constant 0 : i32
    %c0_i32_1 = arith.constant 0 : i32
    return %arg0, %c0_i32, %c0_i32_0 : i32, i32, i32
  }
}

module attributes {stable_mosaic.version = 14 : i64} {
  func.func @_mlp1_body(%arg0: i32, %arg1: memref<1x2048x15xf32, #tpu.memory_space<vmem>>, %arg2: memref<26x256xf32, #tpu.memory_space<vmem>>, %arg3: memref<1x256xf32, #tpu.memory_space<vmem>>, %arg4: memref<256x256xf32, #tpu.memory_space<vmem>>, %arg5: memref<1x256xf32, #tpu.memory_space<vmem>>, %arg6: memref<256x512xf32, #tpu.memory_space<vmem>>, %arg7: memref<1x512xf32, #tpu.memory_space<vmem>>, %arg8: memref<512x512xf32, #tpu.memory_space<vmem>>, %arg9: memref<1x512xf32, #tpu.memory_space<vmem>>, %arg10: memref<512x512xf32, #tpu.memory_space<vmem>>, %arg11: memref<512x512xf32, #tpu.memory_space<vmem>>, %arg12: memref<1x2048x512xbf16, #tpu.memory_space<vmem>>, %arg13: memref<1x2048x512xbf16, #tpu.memory_space<vmem>>, %arg14: memref<1x2048x512xbf16, #tpu.memory_space<vmem>>) attributes {dimension_semantics = [#tpu.dimension_semantics<arbitrary>], iteration_bounds = array<i64: 2>, scalar_prefetch = 0 : i64, scratch_operands = 0 : i64, tpu.core_type = #tpu.core_type<tc>, window_params = [{transform_indices = @transform_0, window_bounds = array<i64: 1, 2048, 15>}, {pipeline_mode = #tpu.pipeline_mode<synchronous>, transform_indices = @transform_1, window_bounds = array<i64: 26, 256>}, {pipeline_mode = #tpu.pipeline_mode<synchronous>, transform_indices = @transform_2, window_bounds = array<i64: 1, 256>}, {pipeline_mode = #tpu.pipeline_mode<synchronous>, transform_indices = @transform_3, window_bounds = array<i64: 256, 256>}, {pipeline_mode = #tpu.pipeline_mode<synchronous>, transform_indices = @transform_4, window_bounds = array<i64: 1, 256>}, {pipeline_mode = #tpu.pipeline_mode<synchronous>, transform_indices = @transform_5, window_bounds = array<i64: 256, 512>}, {pipeline_mode = #tpu.pipeline_mode<synchronous>, transform_indices = @transform_6, window_bounds = array<i64: 1, 512>}, {pipeline_mode = #tpu.pipeline_mode<synchronous>, transform_indices = @transform_7, window_bounds = array<i64: 512, 512>}, {pipeline_mode = #tpu.pipeline_mode<synchronous>, transform_indices = @transform_8, window_bounds = array<i64: 1, 512>}, {pipeline_mode = #tpu.pipeline_mode<synchronous>, transform_indices = @transform_9, window_bounds = array<i64: 512, 512>}, {pipeline_mode = #tpu.pipeline_mode<synchronous>, transform_indices = @transform_10, window_bounds = array<i64: 512, 512>}, {transform_indices = @transform_11, window_bounds = array<i64: 1, 2048, 512>}, {transform_indices = @transform_12, window_bounds = array<i64: 1, 2048, 512>}, {transform_indices = @transform_13, window_bounds = array<i64: 1, 2048, 512>}]} {
    %get3A = arith.constant 0 : index
    %get3A_0 = arith.constant 0 : index
    %get3A_1 = arith.constant 0 : index
    %get3A_2 = vector.load %arg1[%get3A, %get3A_0, %get3A_1] : memref<1x2048x15xf32, #tpu.memory_space<vmem>>, vector<1x2048x15xf32>
    %get3A_3 = vector.shape_cast %get3A_2 : vector<1x2048x15xf32> to vector<2048x15xf32>
    %slice3A = vector.extract_strided_slice %get3A_3 {offsets = [0, 0], sizes = [2048, 1], strides = [1, 1]} : vector<2048x15xf32> to vector<2048x1xf32>
    %convert_element_type3A = arith.fptosi %slice3A : vector<2048x1xf32> to vector<2048x1xi32>
    %iota3A = tpu.iota {dimensions = array<i32: 1>} : vector<2048x12xi32>
    %eq3A = vector.broadcast %convert_element_type3A : vector<2048x1xi32> to vector<2048x12xi32>
    %eq3A_4 = arith.cmpi eq, %eq3A, %iota3A : vector<2048x12xi32>
    %convert_element_type3A_5 = arith.extui %eq3A_4 : vector<2048x12xi1> to vector<2048x12xi32>
    %convert_element_type3A_6 = arith.sitofp %convert_element_type3A_5 : vector<2048x12xi32> to vector<2048x12xf32>
    %slice3A_7 = vector.extract_strided_slice %get3A_3 {offsets = [0, 1], sizes = [2048, 14], strides = [1, 1]} : vector<2048x15xf32> to vector<2048x14xf32>
    %concatenate3A = tpu.concatenate %convert_element_type3A_6, %slice3A_7 in 1 : vector<2048x12xf32>, vector<2048x14xf32> -> vector<2048x26xf32>
    %get3A_8 = arith.constant 0 : index
    %get3A_9 = arith.constant 0 : index
    %get3A_10 = vector.load %arg2[%get3A_8, %get3A_9] : memref<26x256xf32, #tpu.memory_space<vmem>>, vector<26x256xf32>
    %dot_general3A = arith.constant dense<0.000000e+00> : vector<2048x256xf32>
    %dot_general3A_11 = tpu.matmul %concatenate3A, %get3A_10, %dot_general3A {dimension_numbers = #tpu.dot_dimension_numbers<[1], [0], [0], [1], [0, 0, 1, 1], [], []>, transpose_lhs_hint = false} : vector<2048x26xf32>, vector<26x256xf32>, vector<2048x256xf32> -> vector<2048x256xf32>
    %get3A_12 = arith.constant 0 : index
    %get3A_13 = arith.constant 0 : index
    %get3A_14 = vector.load %arg3[%get3A_12, %get3A_13] : memref<1x256xf32, #tpu.memory_space<vmem>>, vector<1x256xf32>
    %add3A = vector.broadcast %get3A_14 : vector<1x256xf32> to vector<2048x256xf32>
    %add3A_15 = arith.addf %dot_general3A_11, %add3A : vector<2048x256xf32>
    %gt3A = arith.constant 0.000000e+00 : f32
    %gt3A_16 = vector.broadcast %gt3A : f32 to vector<2048x256xf32>
    %gt3A_17 = arith.cmpf ogt, %add3A_15, %gt3A_16 : vector<2048x256xf32>
    %exp3A = math.exp %add3A_15 : vector<2048x256xf32>
    %sub3A = arith.constant 1.000000e+00 : f32
    %sub3A_18 = vector.broadcast %sub3A : f32 to vector<2048x256xf32>
    %sub3A_19 = arith.subf %exp3A, %sub3A_18 : vector<2048x256xf32>
    %mul3A = arith.constant 1.67326319 : f32
    %mul3A_20 = vector.broadcast %mul3A : f32 to vector<2048x256xf32>
    %mul3A_21 = arith.mulf %mul3A_20, %sub3A_19 : vector<2048x256xf32>
    %select_n3A = arith.select %gt3A_17, %add3A_15, %mul3A_21 : vector<2048x256xi1>, vector<2048x256xf32>
    %mul3A_22 = arith.constant 1.05070102 : f32
    %mul3A_23 = vector.broadcast %mul3A_22 : f32 to vector<2048x256xf32>
    %mul3A_24 = arith.mulf %mul3A_23, %select_n3A : vector<2048x256xf32>
    %get3A_25 = arith.constant 0 : index
    %get3A_26 = arith.constant 0 : index
    %get3A_27 = vector.load %arg4[%get3A_25, %get3A_26] : memref<256x256xf32, #tpu.memory_space<vmem>>, vector<256x256xf32>
    %dot_general3A_28 = arith.constant dense<0.000000e+00> : vector<2048x256xf32>
    %dot_general3A_29 = tpu.matmul %mul3A_24, %get3A_27, %dot_general3A_28 {dimension_numbers = #tpu.dot_dimension_numbers<[1], [0], [0], [1], [0, 0, 1, 1], [], []>, transpose_lhs_hint = false} : vector<2048x256xf32>, vector<256x256xf32>, vector<2048x256xf32> -> vector<2048x256xf32>
    %get3A_30 = arith.constant 0 : index
    %get3A_31 = arith.constant 0 : index
    %get3A_32 = vector.load %arg5[%get3A_30, %get3A_31] : memref<1x256xf32, #tpu.memory_space<vmem>>, vector<1x256xf32>
    %add3A_33 = vector.broadcast %get3A_32 : vector<1x256xf32> to vector<2048x256xf32>
    %add3A_34 = arith.addf %dot_general3A_29, %add3A_33 : vector<2048x256xf32>
    %gt3A_35 = arith.constant 0.000000e+00 : f32
    %gt3A_36 = vector.broadcast %gt3A_35 : f32 to vector<2048x256xf32>
    %gt3A_37 = arith.cmpf ogt, %add3A_34, %gt3A_36 : vector<2048x256xf32>
    %exp3A_38 = math.exp %add3A_34 : vector<2048x256xf32>
    %sub3A_39 = arith.constant 1.000000e+00 : f32
    %sub3A_40 = vector.broadcast %sub3A_39 : f32 to vector<2048x256xf32>
    %sub3A_41 = arith.subf %exp3A_38, %sub3A_40 : vector<2048x256xf32>
    %mul3A_42 = arith.constant 1.67326319 : f32
    %mul3A_43 = vector.broadcast %mul3A_42 : f32 to vector<2048x256xf32>
    %mul3A_44 = arith.mulf %mul3A_43, %sub3A_41 : vector<2048x256xf32>
    %select_n3A_45 = arith.select %gt3A_37, %add3A_34, %mul3A_44 : vector<2048x256xi1>, vector<2048x256xf32>
    %mul3A_46 = arith.constant 1.05070102 : f32
    %mul3A_47 = vector.broadcast %mul3A_46 : f32 to vector<2048x256xf32>
    %mul3A_48 = arith.mulf %mul3A_47, %select_n3A_45 : vector<2048x256xf32>
    %get3A_49 = arith.constant 0 : index
    %get3A_50 = arith.constant 0 : index
    %get3A_51 = vector.load %arg6[%get3A_49, %get3A_50] : memref<256x512xf32, #tpu.memory_space<vmem>>, vector<256x512xf32>
    %dot_general3A_52 = arith.constant dense<0.000000e+00> : vector<2048x512xf32>
    %dot_general3A_53 = tpu.matmul %mul3A_48, %get3A_51, %dot_general3A_52 {dimension_numbers = #tpu.dot_dimension_numbers<[1], [0], [0], [1], [0, 0, 1, 1], [], []>, transpose_lhs_hint = false} : vector<2048x256xf32>, vector<256x512xf32>, vector<2048x512xf32> -> vector<2048x512xf32>
    %get3A_54 = arith.constant 0 : index
    %get3A_55 = arith.constant 0 : index
    %get3A_56 = vector.load %arg7[%get3A_54, %get3A_55] : memref<1x512xf32, #tpu.memory_space<vmem>>, vector<1x512xf32>
    %add3A_57 = vector.broadcast %get3A_56 : vector<1x512xf32> to vector<2048x512xf32>
    %add3A_58 = arith.addf %dot_general3A_53, %add3A_57 : vector<2048x512xf32>
    %gt3A_59 = arith.constant 0.000000e+00 : f32
    %gt3A_60 = vector.broadcast %gt3A_59 : f32 to vector<2048x512xf32>
    %gt3A_61 = arith.cmpf ogt, %add3A_58, %gt3A_60 : vector<2048x512xf32>
    %exp3A_62 = math.exp %add3A_58 : vector<2048x512xf32>
    %sub3A_63 = arith.constant 1.000000e+00 : f32
    %sub3A_64 = vector.broadcast %sub3A_63 : f32 to vector<2048x512xf32>
    %sub3A_65 = arith.subf %exp3A_62, %sub3A_64 : vector<2048x512xf32>
    %mul3A_66 = arith.constant 1.67326319 : f32
    %mul3A_67 = vector.broadcast %mul3A_66 : f32 to vector<2048x512xf32>
    %mul3A_68 = arith.mulf %mul3A_67, %sub3A_65 : vector<2048x512xf32>
    %select_n3A_69 = arith.select %gt3A_61, %add3A_58, %mul3A_68 : vector<2048x512xi1>, vector<2048x512xf32>
    %mul3A_70 = arith.constant 1.05070102 : f32
    %mul3A_71 = vector.broadcast %mul3A_70 : f32 to vector<2048x512xf32>
    %mul3A_72 = arith.mulf %mul3A_71, %select_n3A_69 : vector<2048x512xf32>
    %get3A_73 = arith.constant 0 : index
    %get3A_74 = arith.constant 0 : index
    %get3A_75 = vector.load %arg8[%get3A_73, %get3A_74] : memref<512x512xf32, #tpu.memory_space<vmem>>, vector<512x512xf32>
    %dot_general3A_76 = arith.constant dense<0.000000e+00> : vector<2048x512xf32>
    %dot_general3A_77 = tpu.matmul %mul3A_72, %get3A_75, %dot_general3A_76 {dimension_numbers = #tpu.dot_dimension_numbers<[1], [0], [0], [1], [0, 0, 1, 1], [], []>, transpose_lhs_hint = false} : vector<2048x512xf32>, vector<512x512xf32>, vector<2048x512xf32> -> vector<2048x512xf32>
    %get3A_78 = arith.constant 0 : index
    %get3A_79 = arith.constant 0 : index
    %get3A_80 = vector.load %arg9[%get3A_78, %get3A_79] : memref<1x512xf32, #tpu.memory_space<vmem>>, vector<1x512xf32>
    %add3A_81 = vector.broadcast %get3A_80 : vector<1x512xf32> to vector<2048x512xf32>
    %add3A_82 = arith.addf %dot_general3A_77, %add3A_81 : vector<2048x512xf32>
    %logistic3A = arith.negf %add3A_82 : vector<2048x512xf32>
    %logistic3A_83 = math.exp %logistic3A : vector<2048x512xf32>
    %logistic3A_84 = arith.constant 1.000000e+00 : f32
    %logistic3A_85 = vector.broadcast %logistic3A_84 : f32 to vector<2048x512xf32>
    %logistic3A_86 = arith.addf %logistic3A_85, %logistic3A_83 : vector<2048x512xf32>
    %logistic3A_87 = arith.divf %logistic3A_85, %logistic3A_86 : vector<2048x512xf32>
    %get3A_88 = arith.constant 0 : index
    %get3A_89 = arith.constant 0 : index
    %get3A_90 = vector.load %arg11[%get3A_88, %get3A_89] : memref<512x512xf32, #tpu.memory_space<vmem>>, vector<512x512xf32>
    %dot_general3A_91 = arith.constant dense<0.000000e+00> : vector<2048x512xf32>
    %dot_general3A_92 = tpu.matmul %mul3A_72, %get3A_90, %dot_general3A_91 {dimension_numbers = #tpu.dot_dimension_numbers<[1], [0], [0], [1], [0, 0, 1, 1], [], []>, transpose_lhs_hint = false} : vector<2048x512xf32>, vector<512x512xf32>, vector<2048x512xf32> -> vector<2048x512xf32>
    %convert_element_type3A_93 = arith.truncf %dot_general3A_92 : vector<2048x512xf32> to vector<2048x512xbf16>
    %swap3A = arith.constant 0 : index
    %swap3A_94 = arith.constant 0 : index
    %swap3A_95 = arith.constant 0 : index
    %swap3A_96 = vector.load %arg12[%swap3A, %swap3A_94, %swap3A_95] : memref<1x2048x512xbf16, #tpu.memory_space<vmem>>, vector<1x2048x512xbf16>
    %swap3A_97 = vector.shape_cast %swap3A_96 : vector<1x2048x512xbf16> to vector<2048x512xbf16>
    %swap3A_98 = vector.shape_cast %convert_element_type3A_93 : vector<2048x512xbf16> to vector<1x2048x512xbf16>
    tpu.vector_store %arg12[%swap3A, %swap3A_94, %swap3A_95], %swap3A_98 {strides = array<i32>} : memref<1x2048x512xbf16, #tpu.memory_space<vmem>>, vector<1x2048x512xbf16>,
    %convert_element_type3A_99 = arith.truncf %logistic3A_87 : vector<2048x512xf32> to vector<2048x512xbf16>
    %swap3A_100 = arith.constant 0 : index
    %swap3A_101 = arith.constant 0 : index
    %swap3A_102 = arith.constant 0 : index
    %swap3A_103 = vector.load %arg13[%swap3A_100, %swap3A_101, %swap3A_102] : memref<1x2048x512xbf16, #tpu.memory_space<vmem>>, vector<1x2048x512xbf16>
    %swap3A_104 = vector.shape_cast %swap3A_103 : vector<1x2048x512xbf16> to vector<2048x512xbf16>
    %swap3A_105 = vector.shape_cast %convert_element_type3A_99 : vector<2048x512xbf16> to vector<1x2048x512xbf16>
    tpu.vector_store %arg13[%swap3A_100, %swap3A_101, %swap3A_102], %swap3A_105 {strides = array<i32>} : memref<1x2048x512xbf16, #tpu.memory_space<vmem>>, vector<1x2048x512xbf16>,
    %sub3A_106 = arith.constant 1.000000e+00 : f32
    %sub3A_107 = vector.broadcast %sub3A_106 : f32 to vector<2048x512xf32>
    %sub3A_108 = arith.subf %sub3A_107, %logistic3A_87 : vector<2048x512xf32>
    %get3A_109 = arith.constant 0 : index
    %get3A_110 = arith.constant 0 : index
    %get3A_111 = vector.load %arg10[%get3A_109, %get3A_110] : memref<512x512xf32, #tpu.memory_space<vmem>>, vector<512x512xf32>
    %dot_general3A_112 = arith.constant dense<0.000000e+00> : vector<2048x512xf32>
    %dot_general3A_113 = tpu.matmul %mul3A_72, %get3A_111, %dot_general3A_112 {dimension_numbers = #tpu.dot_dimension_numbers<[1], [0], [0], [1], [0, 0, 1, 1], [], []>, transpose_lhs_hint = false} : vector<2048x512xf32>, vector<512x512xf32>, vector<2048x512xf32> -> vector<2048x512xf32>
    %mul3A_114 = arith.mulf %sub3A_108, %dot_general3A_113 : vector<2048x512xf32>
    %convert_element_type3A_115 = arith.truncf %mul3A_114 : vector<2048x512xf32> to vector<2048x512xbf16>
    %swap3A_116 = arith.constant 0 : index
    %swap3A_117 = arith.constant 0 : index
    %swap3A_118 = arith.constant 0 : index
    %swap3A_119 = vector.load %arg14[%swap3A_116, %swap3A_117, %swap3A_118] : memref<1x2048x512xbf16, #tpu.memory_space<vmem>>, vector<1x2048x512xbf16>
    %swap3A_120 = vector.shape_cast %swap3A_119 : vector<1x2048x512xbf16> to vector<2048x512xbf16>
    %swap3A_121 = vector.shape_cast %convert_element_type3A_115 : vector<2048x512xbf16> to vector<1x2048x512xbf16>
    tpu.vector_store %arg14[%swap3A_116, %swap3A_117, %swap3A_118], %swap3A_121 {strides = array<i32>} : memref<1x2048x512xbf16, #tpu.memory_space<vmem>>, vector<1x2048x512xbf16>,
    return
  }
  func.func @transform_0(%arg0: i32) -> (i32, i32, i32) {
    %c0_i32 = arith.constant 0 : i32
    %c0_i32_0 = arith.constant 0 : i32
    %c0_i32_1 = arith.constant 0 : i32
    return %arg0, %c0_i32, %c0_i32_0 : i32, i32, i32
  }
  func.func @transform_1(%arg0: i32) -> (i32, i32) {
    %c0_i32 = arith.constant 0 : i32
    %c0_i32_0 = arith.constant 0 : i32
    %c0_i32_1 = arith.constant 0 : i32
    return %c0_i32, %c0_i32_0 : i32, i32
  }
  func.func @transform_2(%arg0: i32) -> (i32, i32) {
    %c0_i32 = arith.constant 0 : i32
    %c0_i32_0 = arith.constant 0 : i32
    %c0_i32_1 = arith.constant 0 : i32
    return %c0_i32, %c0_i32_0 : i32, i32
  }
  func.func @transform_3(%arg0: i32) -> (i32, i32) {
    %c0_i32 = arith.constant 0 : i32
    %c0_i32_0 = arith.constant 0 : i32
    %c0_i32_1 = arith.constant 0 : i32
    return %c0_i32, %c0_i32_0 : i32, i32
  }
  func.func @transform_4(%arg0: i32) -> (i32, i32) {
    %c0_i32 = arith.constant 0 : i32
    %c0_i32_0 = arith.constant 0 : i32
    %c0_i32_1 = arith.constant 0 : i32
    return %c0_i32, %c0_i32_0 : i32, i32
  }
  func.func @transform_5(%arg0: i32) -> (i32, i32) {
    %c0_i32 = arith.constant 0 : i32
    %c0_i32_0 = arith.constant 0 : i32
    %c0_i32_1 = arith.constant 0 : i32
    return %c0_i32, %c0_i32_0 : i32, i32
  }
  func.func @transform_6(%arg0: i32) -> (i32, i32) {
    %c0_i32 = arith.constant 0 : i32
    %c0_i32_0 = arith.constant 0 : i32
    %c0_i32_1 = arith.constant 0 : i32
    return %c0_i32, %c0_i32_0 : i32, i32
  }
  func.func @transform_7(%arg0: i32) -> (i32, i32) {
    %c0_i32 = arith.constant 0 : i32
    %c0_i32_0 = arith.constant 0 : i32
    %c0_i32_1 = arith.constant 0 : i32
    return %c0_i32, %c0_i32_0 : i32, i32
  }
  func.func @transform_8(%arg0: i32) -> (i32, i32) {
    %c0_i32 = arith.constant 0 : i32
    %c0_i32_0 = arith.constant 0 : i32
    %c0_i32_1 = arith.constant 0 : i32
    return %c0_i32, %c0_i32_0 : i32, i32
  }
  func.func @transform_9(%arg0: i32) -> (i32, i32) {
    %c0_i32 = arith.constant 0 : i32
    %c0_i32_0 = arith.constant 0 : i32
    %c0_i32_1 = arith.constant 0 : i32
    return %c0_i32, %c0_i32_0 : i32, i32
  }
  func.func @transform_10(%arg0: i32) -> (i32, i32) {
    %c0_i32 = arith.constant 0 : i32
    %c0_i32_0 = arith.constant 0 : i32
    %c0_i32_1 = arith.constant 0 : i32
    return %c0_i32, %c0_i32_0 : i32, i32
  }
  func.func @transform_11(%arg0: i32) -> (i32, i32, i32) {
    %c0_i32 = arith.constant 0 : i32
    %c0_i32_0 = arith.constant 0 : i32
    %c0_i32_1 = arith.constant 0 : i32
    return %arg0, %c0_i32, %c0_i32_0 : i32, i32, i32
  }
  func.func @transform_12(%arg0: i32) -> (i32, i32, i32) {
    %c0_i32 = arith.constant 0 : i32
    %c0_i32_0 = arith.constant 0 : i32
    %c0_i32_1 = arith.constant 0 : i32
    return %arg0, %c0_i32, %c0_i32_0 : i32, i32, i32
  }
  func.func @transform_13(%arg0: i32) -> (i32, i32, i32) {
    %c0_i32 = arith.constant 0 : i32
    %c0_i32_0 = arith.constant 0 : i32
    %c0_i32_1 = arith.constant 0 : i32
    return %arg0, %c0_i32, %c0_i32_0 : i32, i32, i32
  }
}

module attributes {stable_mosaic.version = 14 : i64} {
  func.func @_adj_body(%arg0: i32, %arg1: i32, %arg2: memref<1x256x192xf32, #tpu.memory_space<vmem>>, %arg3: memref<1x256x1xf32, #tpu.memory_space<vmem>>, %arg4: memref<1x2048x192xf32, #tpu.memory_space<vmem>>, %arg5: memref<1x2048x1xf32, #tpu.memory_space<vmem>>, %arg6: memref<1x256x2048xbf16, #tpu.memory_space<vmem>>, %arg7: memref<1x256x1xf32, #tpu.memory_space<vmem>>) attributes {dimension_semantics = [#tpu.dimension_semantics<parallel>, #tpu.dimension_semantics<parallel>], iteration_bounds = array<i64: 2, 8>, scalar_prefetch = 0 : i64, scratch_operands = 0 : i64, tpu.core_type = #tpu.core_type<tc>, window_params = [{transform_indices = @transform_0, window_bounds = array<i64: 1, 256, 192>}, {transform_indices = @transform_1, window_bounds = array<i64: 1, 256, 1>}, {transform_indices = @transform_2, window_bounds = array<i64: 1, 2048, 192>}, {transform_indices = @transform_3, window_bounds = array<i64: 1, 2048, 1>}, {transform_indices = @transform_4, window_bounds = array<i64: 1, 256, 2048>}, {transform_indices = @transform_5, window_bounds = array<i64: 1, 256, 1>}]} {
    %get3A = arith.constant 0 : index
    %get3A_0 = arith.constant 0 : index
    %get3A_1 = arith.constant 0 : index
    %get3A_2 = vector.load %arg2[%get3A, %get3A_0, %get3A_1] : memref<1x256x192xf32, #tpu.memory_space<vmem>>, vector<1x256x192xf32>
    %get3A_3 = vector.shape_cast %get3A_2 : vector<1x256x192xf32> to vector<256x192xf32>
    %get3A_4 = arith.constant 0 : index
    %get3A_5 = arith.constant 0 : index
    %get3A_6 = arith.constant 0 : index
    %get3A_7 = vector.load %arg4[%get3A_4, %get3A_5, %get3A_6] : memref<1x2048x192xf32, #tpu.memory_space<vmem>>, vector<1x2048x192xf32>
    %get3A_8 = vector.shape_cast %get3A_7 : vector<1x2048x192xf32> to vector<2048x192xf32>
    %get3A_9 = arith.constant 0 : index
    %get3A_10 = arith.constant 0 : index
    %get3A_11 = arith.constant 0 : index
    %get3A_12 = vector.load %arg3[%get3A_9, %get3A_10, %get3A_11] : memref<1x256x1xf32, #tpu.memory_space<vmem>>, vector<1x256x1xf32>
    %get3A_13 = vector.shape_cast %get3A_12 : vector<1x256x1xf32> to vector<256x1xf32>
    %get3A_14 = arith.constant 0 : index
    %get3A_15 = arith.constant 0 : index
    %get3A_16 = arith.constant 0 : index
    %get3A_17 = vector.load %arg5[%get3A_14, %get3A_15, %get3A_16] : memref<1x2048x1xf32, #tpu.memory_space<vmem>>, vector<1x2048x1xf32>
    %get3A_18 = vector.shape_cast %get3A_17 : vector<1x2048x1xf32> to vector<2048x1xf32>
    %iota3A = tpu.iota {dimensions = array<i32: 1>} : vector<256x64xi32>
    %convert_element_type3A = arith.sitofp %iota3A : vector<256x64xi32> to vector<256x64xf32>
    %iota3A_19 = tpu.iota {dimensions = array<i32: 1>} : vector<2048x64xi32>
    %convert_element_type3A_20 = arith.sitofp %iota3A_19 : vector<2048x64xi32> to vector<2048x64xf32>
    %eq3A = vector.broadcast %get3A_13 : vector<256x1xf32> to vector<256x64xf32>
    %eq3A_21 = arith.cmpf oeq, %eq3A, %convert_element_type3A : vector<256x64xf32>
    %convert_element_type3A_22 = arith.extui %eq3A_21 : vector<256x64xi1> to vector<256x64xi32>
    %convert_element_type3A_23 = arith.sitofp %convert_element_type3A_22 : vector<256x64xi32> to vector<256x64xf32>
    %eq3A_24 = vector.broadcast %get3A_18 : vector<2048x1xf32> to vector<2048x64xf32>
    %eq3A_25 = arith.cmpf oeq, %eq3A_24, %convert_element_type3A_20 : vector<2048x64xf32>
    %convert_element_type3A_26 = arith.extui %eq3A_25 : vector<2048x64xi1> to vector<2048x64xi32>
    %convert_element_type3A_27 = arith.sitofp %convert_element_type3A_26 : vector<2048x64xi32> to vector<2048x64xf32>
    %dot_general3A = arith.constant dense<0.000000e+00> : vector<256x2048xf32>
    %dot_general3A_28 = tpu.matmul %convert_element_type3A_23, %convert_element_type3A_27, %dot_general3A {dimension_numbers = #tpu.dot_dimension_numbers<[1], [1], [0], [0], [0, 0, 1, 0], [], []>, transpose_lhs_hint = false} : vector<256x64xf32>, vector<2048x64xf32>, vector<256x2048xf32> -> vector<256x2048xf32>
    %gt3A = arith.constant 5.000000e-01 : f32
    %gt3A_29 = vector.broadcast %gt3A : f32 to vector<256x2048xf32>
    %gt3A_30 = arith.cmpf ogt, %dot_general3A_28, %gt3A_29 : vector<256x2048xf32>
    %dot_general3A_31 = arith.constant dense<0.000000e+00> : vector<256x2048xf32>
    %dot_general3A_32 = tpu.matmul %get3A_3, %get3A_8, %dot_general3A_31 {dimension_numbers = #tpu.dot_dimension_numbers<[1], [1], [0], [0], [0, 0, 1, 0], [], []>, transpose_lhs_hint = false} : vector<256x192xf32>, vector<2048x192xf32>, vector<256x2048xf32> -> vector<256x2048xf32>
    %jit3A = arith.constant -1.000000e+09 : f32
    %broadcast_in_dim3A = vector.broadcast %jit3A : f32 to vector<256x2048xf32>
    %select_n3A = arith.select %gt3A_30, %dot_general3A_32, %broadcast_in_dim3A : vector<256x2048xi1>, vector<256x2048xf32>
    %reduce_max3A = arith.constant dense<0xFF800000> : vector<256xf32>
    %reduce_max3A_33 = vector.multi_reduction <maximumf>, %select_n3A, %reduce_max3A [1] : vector<256x2048xf32> to vector<256xf32>
    %broadcast_in_dim3A_34 = vector.shape_cast %reduce_max3A_33 : vector<256xf32> to vector<256x1xf32>
    %sub3A = vector.broadcast %broadcast_in_dim3A_34 : vector<256x1xf32> to vector<256x2048xf32>
    %sub3A_35 = arith.subf %select_n3A, %sub3A : vector<256x2048xf32>
    %exp3A = math.exp %sub3A_35 : vector<256x2048xf32>
    %reduce_sum3A = arith.constant dense<0.000000e+00> : vector<256xf32>
    %reduce_sum3A_36 = vector.multi_reduction <add>, %exp3A, %reduce_sum3A [1] : vector<256x2048xf32> to vector<256xf32>
    %broadcast_in_dim3A_37 = vector.shape_cast %reduce_sum3A_36 : vector<256xf32> to vector<256x1xf32>
    %div3A = vector.broadcast %broadcast_in_dim3A_37 : vector<256x1xf32> to vector<256x2048xf32>
    %div3A_38 = arith.divf %exp3A, %div3A : vector<256x2048xf32>
    %jit3A_39 = arith.constant 0.000000e+00 : f32
    %broadcast_in_dim3A_40 = vector.broadcast %jit3A_39 : f32 to vector<256x2048xf32>
    %select_n3A_41 = arith.select %gt3A_30, %div3A_38, %broadcast_in_dim3A_40 : vector<256x2048xi1>, vector<256x2048xf32>
    %gt3A_42 = arith.constant 2.000000e-01 : f32
    %gt3A_43 = vector.broadcast %gt3A_42 : f32 to vector<256x2048xf32>
    %gt3A_44 = arith.cmpf ogt, %select_n3A_41, %gt3A_43 : vector<256x2048xf32>
    %neg3A = arith.constant 0.000000e+00 : f32
    %neg3A_45 = vector.broadcast %neg3A : f32 to vector<256x2048xf32>
    %neg3A_46 = arith.subf %neg3A_45, %select_n3A_41 : vector<256x2048xf32>
    %exp3A_47 = math.exp %neg3A_46 : vector<256x2048xf32>
    %jit3A_48 = arith.constant 0.000000e+00 : f32
    %broadcast_in_dim3A_49 = vector.broadcast %jit3A_48 : f32 to vector<256x2048xf32>
    %select_n3A_50 = arith.select %gt3A_44, %exp3A_47, %broadcast_in_dim3A_49 : vector<256x2048xi1>, vector<256x2048xf32>
    %convert_element_type3A_51 = arith.truncf %select_n3A_50 : vector<256x2048xf32> to vector<256x2048xbf16>
    %swap3A = arith.constant 0 : index
    %swap3A_52 = arith.constant 0 : index
    %swap3A_53 = arith.constant 0 : index
    %swap3A_54 = vector.load %arg6[%swap3A, %swap3A_52, %swap3A_53] : memref<1x256x2048xbf16, #tpu.memory_space<vmem>>, vector<1x256x2048xbf16>
    %swap3A_55 = vector.shape_cast %swap3A_54 : vector<1x256x2048xbf16> to vector<256x2048xbf16>
    %swap3A_56 = vector.shape_cast %convert_element_type3A_51 : vector<256x2048xbf16> to vector<1x256x2048xbf16>
    tpu.vector_store %arg6[%swap3A, %swap3A_52, %swap3A_53], %swap3A_56 {strides = array<i32>} : memref<1x256x2048xbf16, #tpu.memory_space<vmem>>, vector<1x256x2048xbf16>,
    %reduce_sum3A_57 = arith.constant dense<0.000000e+00> : vector<256xf32>
    %reduce_sum3A_58 = vector.multi_reduction <add>, %select_n3A_50, %reduce_sum3A_57 [1] : vector<256x2048xf32> to vector<256xf32>
    %broadcast_in_dim3A_59 = vector.shape_cast %reduce_sum3A_58 : vector<256xf32> to vector<256x1xf32>
    %swap3A_60 = arith.constant 0 : index
    %swap3A_61 = arith.constant 0 : index
    %swap3A_62 = arith.constant 0 : index
    %swap3A_63 = vector.load %arg7[%swap3A_60, %swap3A_61, %swap3A_62] : memref<1x256x1xf32, #tpu.memory_space<vmem>>, vector<1x256x1xf32>
    %swap3A_64 = vector.shape_cast %swap3A_63 : vector<1x256x1xf32> to vector<256x1xf32>
    %swap3A_65 = vector.shape_cast %broadcast_in_dim3A_59 : vector<256x1xf32> to vector<1x256x1xf32>
    tpu.vector_store %arg7[%swap3A_60, %swap3A_61, %swap3A_62], %swap3A_65 {strides = array<i32>} : memref<1x256x1xf32, #tpu.memory_space<vmem>>, vector<1x256x1xf32>,
    return
  }
  func.func @transform_0(%arg0: i32, %arg1: i32) -> (i32, i32, i32) {
    %c0_i32 = arith.constant 0 : i32
    %c0_i32_0 = arith.constant 0 : i32
    return %arg0, %arg1, %c0_i32 : i32, i32, i32
  }
  func.func @transform_1(%arg0: i32, %arg1: i32) -> (i32, i32, i32) {
    %c0_i32 = arith.constant 0 : i32
    %c0_i32_0 = arith.constant 0 : i32
    return %arg0, %arg1, %c0_i32 : i32, i32, i32
  }
  func.func @transform_2(%arg0: i32, %arg1: i32) -> (i32, i32, i32) {
    %c0_i32 = arith.constant 0 : i32
    %c0_i32_0 = arith.constant 0 : i32
    %c0_i32_1 = arith.constant 0 : i32
    return %arg0, %c0_i32, %c0_i32_0 : i32, i32, i32
  }
  func.func @transform_3(%arg0: i32, %arg1: i32) -> (i32, i32, i32) {
    %c0_i32 = arith.constant 0 : i32
    %c0_i32_0 = arith.constant 0 : i32
    %c0_i32_1 = arith.constant 0 : i32
    return %arg0, %c0_i32, %c0_i32_0 : i32, i32, i32
  }
  func.func @transform_4(%arg0: i32, %arg1: i32) -> (i32, i32, i32) {
    %c0_i32 = arith.constant 0 : i32
    %c0_i32_0 = arith.constant 0 : i32
    return %arg0, %arg1, %c0_i32 : i32, i32, i32
  }
  func.func @transform_5(%arg0: i32, %arg1: i32) -> (i32, i32, i32) {
    %c0_i32 = arith.constant 0 : i32
    %c0_i32_0 = arith.constant 0 : i32
    return %arg0, %arg1, %c0_i32 : i32, i32, i32
  }
}

module attributes {stable_mosaic.version = 14 : i64} {
  func.func @_gh_body(%arg0: i32, %arg1: i32, %arg2: memref<1x256x2048xbf16, #tpu.memory_space<vmem>>, %arg3: memref<1x2048x512xbf16, #tpu.memory_space<vmem>>, %arg4: memref<1x256x512xbf16, #tpu.memory_space<vmem>>, %arg5: memref<1x256x512xbf16, #tpu.memory_space<vmem>>, %arg6: memref<1x2048x1xf32, #tpu.memory_space<vmem>>, %arg7: memref<1x256x1xf32, #tpu.memory_space<vmem>>, %arg8: memref<1x256x512xbf16, #tpu.memory_space<vmem>>) attributes {dimension_semantics = [#tpu.dimension_semantics<parallel>, #tpu.dimension_semantics<parallel>], iteration_bounds = array<i64: 2, 8>, scalar_prefetch = 0 : i64, scratch_operands = 0 : i64, tpu.core_type = #tpu.core_type<tc>, window_params = [{transform_indices = @transform_0, window_bounds = array<i64: 1, 256, 2048>}, {transform_indices = @transform_1, window_bounds = array<i64: 1, 2048, 512>}, {transform_indices = @transform_2, window_bounds = array<i64: 1, 256, 512>}, {transform_indices = @transform_3, window_bounds = array<i64: 1, 256, 512>}, {transform_indices = @transform_4, window_bounds = array<i64: 1, 2048, 1>}, {transform_indices = @transform_5, window_bounds = array<i64: 1, 256, 1>}, {transform_indices = @transform_6, window_bounds = array<i64: 1, 256, 512>}]} {
    %get3A = arith.constant 0 : index
    %get3A_0 = arith.constant 0 : index
    %get3A_1 = arith.constant 0 : index
    %get3A_2 = vector.load %arg6[%get3A, %get3A_0, %get3A_1] : memref<1x2048x1xf32, #tpu.memory_space<vmem>>, vector<1x2048x1xf32>
    %get3A_3 = vector.shape_cast %get3A_2 : vector<1x2048x1xf32> to vector<2048x1xf32>
    %add3A = arith.constant 9.99999997E-7 : f32
    %add3A_4 = vector.broadcast %add3A : f32 to vector<2048x1xf32>
    %add3A_5 = arith.addf %get3A_3, %add3A_4 : vector<2048x1xf32>
    %rsqrt3A = math.rsqrt %add3A_5 : vector<2048x1xf32>
    %get3A_6 = arith.constant 0 : index
    %get3A_7 = arith.constant 0 : index
    %get3A_8 = arith.constant 0 : index
    %get3A_9 = vector.load %arg7[%get3A_6, %get3A_7, %get3A_8] : memref<1x256x1xf32, #tpu.memory_space<vmem>>, vector<1x256x1xf32>
    %get3A_10 = vector.shape_cast %get3A_9 : vector<1x256x1xf32> to vector<256x1xf32>
    %add3A_11 = arith.constant 9.99999997E-7 : f32
    %add3A_12 = vector.broadcast %add3A_11 : f32 to vector<256x1xf32>
    %add3A_13 = arith.addf %get3A_10, %add3A_12 : vector<256x1xf32>
    %rsqrt3A_14 = math.rsqrt %add3A_13 : vector<256x1xf32>
    %get3A_15 = arith.constant 0 : index
    %get3A_16 = arith.constant 0 : index
    %get3A_17 = arith.constant 0 : index
    %get3A_18 = vector.load %arg3[%get3A_15, %get3A_16, %get3A_17] : memref<1x2048x512xbf16, #tpu.memory_space<vmem>>, vector<1x2048x512xbf16>
    %get3A_19 = vector.shape_cast %get3A_18 : vector<1x2048x512xbf16> to vector<2048x512xbf16>
    %convert_element_type3A = arith.extf %get3A_19 : vector<2048x512xbf16> to vector<2048x512xf32>
    %mul3A = vector.broadcast %rsqrt3A : vector<2048x1xf32> to vector<2048x512xf32>
    %mul3A_20 = arith.mulf %convert_element_type3A, %mul3A : vector<2048x512xf32>
    %convert_element_type3A_21 = arith.truncf %mul3A_20 : vector<2048x512xf32> to vector<2048x512xbf16>
    %get3A_22 = arith.constant 0 : index
    %get3A_23 = arith.constant 0 : index
    %get3A_24 = arith.constant 0 : index
    %get3A_25 = vector.load %arg2[%get3A_22, %get3A_23, %get3A_24] : memref<1x256x2048xbf16, #tpu.memory_space<vmem>>, vector<1x256x2048xbf16>
    %get3A_26 = vector.shape_cast %get3A_25 : vector<1x256x2048xbf16> to vector<256x2048xbf16>
    %dot_general3A = arith.constant dense<0.000000e+00> : vector<256x512xf32>
    %dot_general3A_27 = tpu.matmul %get3A_26, %convert_element_type3A_21, %dot_general3A {dimension_numbers = #tpu.dot_dimension_numbers<[1], [0], [0], [1], [0, 0, 1, 1], [], []>, transpose_lhs_hint = false} : vector<256x2048xbf16>, vector<2048x512xbf16>, vector<256x512xf32> -> vector<256x512xf32>
    %get3A_28 = arith.constant 0 : index
    %get3A_29 = arith.constant 0 : index
    %get3A_30 = arith.constant 0 : index
    %get3A_31 = vector.load %arg4[%get3A_28, %get3A_29, %get3A_30] : memref<1x256x512xbf16, #tpu.memory_space<vmem>>, vector<1x256x512xbf16>
    %get3A_32 = vector.shape_cast %get3A_31 : vector<1x256x512xbf16> to vector<256x512xbf16>
    %convert_element_type3A_33 = arith.extf %get3A_32 : vector<256x512xbf16> to vector<256x512xf32>
    %get3A_34 = arith.constant 0 : index
    %get3A_35 = arith.constant 0 : index
    %get3A_36 = arith.constant 0 : index
    %get3A_37 = vector.load %arg5[%get3A_34, %get3A_35, %get3A_36] : memref<1x256x512xbf16, #tpu.memory_space<vmem>>, vector<1x256x512xbf16>
    %get3A_38 = vector.shape_cast %get3A_37 : vector<1x256x512xbf16> to vector<256x512xbf16>
    %convert_element_type3A_39 = arith.extf %get3A_38 : vector<256x512xbf16> to vector<256x512xf32>
    %mul3A_40 = vector.broadcast %rsqrt3A_14 : vector<256x1xf32> to vector<256x512xf32>
    %mul3A_41 = arith.mulf %convert_element_type3A_33, %mul3A_40 : vector<256x512xf32>
    %mul3A_42 = arith.mulf %mul3A_41, %dot_general3A_27 : vector<256x512xf32>
    %add3A_43 = arith.addf %mul3A_42, %convert_element_type3A_39 : vector<256x512xf32>
    %convert_element_type3A_44 = arith.truncf %add3A_43 : vector<256x512xf32> to vector<256x512xbf16>
    %swap3A = arith.constant 0 : index
    %swap3A_45 = arith.constant 0 : index
    %swap3A_46 = arith.constant 0 : index
    %swap3A_47 = vector.load %arg8[%swap3A, %swap3A_45, %swap3A_46] : memref<1x256x512xbf16, #tpu.memory_space<vmem>>, vector<1x256x512xbf16>
    %swap3A_48 = vector.shape_cast %swap3A_47 : vector<1x256x512xbf16> to vector<256x512xbf16>
    %swap3A_49 = vector.shape_cast %convert_element_type3A_44 : vector<256x512xbf16> to vector<1x256x512xbf16>
    tpu.vector_store %arg8[%swap3A, %swap3A_45, %swap3A_46], %swap3A_49 {strides = array<i32>} : memref<1x256x512xbf16, #tpu.memory_space<vmem>>, vector<1x256x512xbf16>,
    return
  }
  func.func @transform_0(%arg0: i32, %arg1: i32) -> (i32, i32, i32) {
    %c0_i32 = arith.constant 0 : i32
    %c0_i32_0 = arith.constant 0 : i32
    return %arg0, %arg1, %c0_i32 : i32, i32, i32
  }
  func.func @transform_1(%arg0: i32, %arg1: i32) -> (i32, i32, i32) {
    %c0_i32 = arith.constant 0 : i32
    %c0_i32_0 = arith.constant 0 : i32
    %c0_i32_1 = arith.constant 0 : i32
    return %arg0, %c0_i32, %c0_i32_0 : i32, i32, i32
  }
  func.func @transform_2(%arg0: i32, %arg1: i32) -> (i32, i32, i32) {
    %c0_i32 = arith.constant 0 : i32
    %c0_i32_0 = arith.constant 0 : i32
    return %arg0, %arg1, %c0_i32 : i32, i32, i32
  }
  func.func @transform_3(%arg0: i32, %arg1: i32) -> (i32, i32, i32) {
    %c0_i32 = arith.constant 0 : i32
    %c0_i32_0 = arith.constant 0 : i32
    return %arg0, %arg1, %c0_i32 : i32, i32, i32
  }
  func.func @transform_4(%arg0: i32, %arg1: i32) -> (i32, i32, i32) {
    %c0_i32 = arith.constant 0 : i32
    %c0_i32_0 = arith.constant 0 : i32
    %c0_i32_1 = arith.constant 0 : i32
    return %arg0, %c0_i32, %c0_i32_0 : i32, i32, i32
  }
  func.func @transform_5(%arg0: i32, %arg1: i32) -> (i32, i32, i32) {
    %c0_i32 = arith.constant 0 : i32
    %c0_i32_0 = arith.constant 0 : i32
    return %arg0, %arg1, %c0_i32 : i32, i32, i32
  }
  func.func @transform_6(%arg0: i32, %arg1: i32) -> (i32, i32, i32) {
    %c0_i32 = arith.constant 0 : i32
    %c0_i32_0 = arith.constant 0 : i32
    return %arg0, %arg1, %c0_i32 : i32, i32, i32
  }
}

module attributes {stable_mosaic.version = 14 : i64} {
  func.func @_head_body(%arg0: i32, %arg1: memref<1x2048x512xbf16, #tpu.memory_space<vmem>>, %arg2: memref<512x512xf32, #tpu.memory_space<vmem>>, %arg3: memref<1x512xf32, #tpu.memory_space<vmem>>, %arg4: memref<512x256xf32, #tpu.memory_space<vmem>>, %arg5: memref<1x256xf32, #tpu.memory_space<vmem>>, %arg6: memref<256x256xf32, #tpu.memory_space<vmem>>, %arg7: memref<1x256xf32, #tpu.memory_space<vmem>>, %arg8: memref<256x8xf32, #tpu.memory_space<vmem>>, %arg9: memref<1x8xf32, #tpu.memory_space<vmem>>, %arg10: memref<256x1xf32, #tpu.memory_space<vmem>>, %arg11: memref<1x1xf32, #tpu.memory_space<vmem>>, %arg12: memref<520x520xf32, #tpu.memory_space<vmem>>, %arg13: memref<1x520xf32, #tpu.memory_space<vmem>>, %arg14: memref<520x520xf32, #tpu.memory_space<vmem>>, %arg15: memref<520x520xf32, #tpu.memory_space<vmem>>, %arg16: memref<1x2048x9xf32, #tpu.memory_space<vmem>>, %arg17: memref<1x2048x520xbf16, #tpu.memory_space<vmem>>, %arg18: memref<1x2048x520xbf16, #tpu.memory_space<vmem>>, %arg19: memref<1x2048x520xbf16, #tpu.memory_space<vmem>>) attributes {dimension_semantics = [#tpu.dimension_semantics<arbitrary>], iteration_bounds = array<i64: 2>, scalar_prefetch = 0 : i64, scratch_operands = 0 : i64, tpu.core_type = #tpu.core_type<tc>, window_params = [{transform_indices = @transform_0, window_bounds = array<i64: 1, 2048, 512>}, {pipeline_mode = #tpu.pipeline_mode<synchronous>, transform_indices = @transform_1, window_bounds = array<i64: 512, 512>}, {pipeline_mode = #tpu.pipeline_mode<synchronous>, transform_indices = @transform_2, window_bounds = array<i64: 1, 512>}, {pipeline_mode = #tpu.pipeline_mode<synchronous>, transform_indices = @transform_3, window_bounds = array<i64: 512, 256>}, {pipeline_mode = #tpu.pipeline_mode<synchronous>, transform_indices = @transform_4, window_bounds = array<i64: 1, 256>}, {pipeline_mode = #tpu.pipeline_mode<synchronous>, transform_indices = @transform_5, window_bounds = array<i64: 256, 256>}, {pipeline_mode = #tpu.pipeline_mode<synchronous>, transform_indices = @transform_6, window_bounds = array<i64: 1, 256>}, {pipeline_mode = #tpu.pipeline_mode<synchronous>, transform_indices = @transform_7, window_bounds = array<i64: 256, 8>}, {pipeline_mode = #tpu.pipeline_mode<synchronous>, transform_indices = @transform_8, window_bounds = array<i64: 1, 8>}, {pipeline_mode = #tpu.pipeline_mode<synchronous>, transform_indices = @transform_9, window_bounds = array<i64: 256, 1>}, {pipeline_mode = #tpu.pipeline_mode<synchronous>, transform_indices = @transform_10, window_bounds = array<i64: 1, 1>}, {pipeline_mode = #tpu.pipeline_mode<synchronous>, transform_indices = @transform_11, window_bounds = array<i64: 520, 520>}, {pipeline_mode = #tpu.pipeline_mode<synchronous>, transform_indices = @transform_12, window_bounds = array<i64: 1, 520>}, {pipeline_mode = #tpu.pipeline_mode<synchronous>, transform_indices = @transform_13, window_bounds = array<i64: 520, 520>}, {pipeline_mode = #tpu.pipeline_mode<synchronous>, transform_indices = @transform_14, window_bounds = array<i64: 520, 520>}, {transform_indices = @transform_15, window_bounds = array<i64: 1, 2048, 9>}, {transform_indices = @transform_16, window_bounds = array<i64: 1, 2048, 520>}, {transform_indices = @transform_17, window_bounds = array<i64: 1, 2048, 520>}, {transform_indices = @transform_18, window_bounds = array<i64: 1, 2048, 520>}]} {
    %get3A = arith.constant 0 : index
    %get3A_0 = arith.constant 0 : index
    %get3A_1 = arith.constant 0 : index
    %get3A_2 = vector.load %arg1[%get3A, %get3A_0, %get3A_1] : memref<1x2048x512xbf16, #tpu.memory_space<vmem>>, vector<1x2048x512xbf16>
    %get3A_3 = vector.shape_cast %get3A_2 : vector<1x2048x512xbf16> to vector<2048x512xbf16>
    %convert_element_type3A = arith.extf %get3A_3 : vector<2048x512xbf16> to vector<2048x512xf32>
    %get3A_4 = arith.constant 0 : index
    %get3A_5 = arith.constant 0 : index
    %get3A_6 = vector.load %arg2[%get3A_4, %get3A_5] : memref<512x512xf32, #tpu.memory_space<vmem>>, vector<512x512xf32>
    %dot_general3A = arith.constant dense<0.000000e+00> : vector<2048x512xf32>
    %dot_general3A_7 = tpu.matmul %convert_element_type3A, %get3A_6, %dot_general3A {dimension_numbers = #tpu.dot_dimension_numbers<[1], [0], [0], [1], [0, 0, 1, 1], [], []>, transpose_lhs_hint = false} : vector<2048x512xf32>, vector<512x512xf32>, vector<2048x512xf32> -> vector<2048x512xf32>
    %get3A_8 = arith.constant 0 : index
    %get3A_9 = arith.constant 0 : index
    %get3A_10 = vector.load %arg3[%get3A_8, %get3A_9] : memref<1x512xf32, #tpu.memory_space<vmem>>, vector<1x512xf32>
    %add3A = vector.broadcast %get3A_10 : vector<1x512xf32> to vector<2048x512xf32>
    %add3A_11 = arith.addf %dot_general3A_7, %add3A : vector<2048x512xf32>
    %gt3A = arith.constant 0.000000e+00 : f32
    %gt3A_12 = vector.broadcast %gt3A : f32 to vector<2048x512xf32>
    %gt3A_13 = arith.cmpf ogt, %add3A_11, %gt3A_12 : vector<2048x512xf32>
    %exp3A = math.exp %add3A_11 : vector<2048x512xf32>
    %sub3A = arith.constant 1.000000e+00 : f32
    %sub3A_14 = vector.broadcast %sub3A : f32 to vector<2048x512xf32>
    %sub3A_15 = arith.subf %exp3A, %sub3A_14 : vector<2048x512xf32>
    %mul3A = arith.constant 1.67326319 : f32
    %mul3A_16 = vector.broadcast %mul3A : f32 to vector<2048x512xf32>
    %mul3A_17 = arith.mulf %mul3A_16, %sub3A_15 : vector<2048x512xf32>
    %select_n3A = arith.select %gt3A_13, %add3A_11, %mul3A_17 : vector<2048x512xi1>, vector<2048x512xf32>
    %mul3A_18 = arith.constant 1.05070102 : f32
    %mul3A_19 = vector.broadcast %mul3A_18 : f32 to vector<2048x512xf32>
    %mul3A_20 = arith.mulf %mul3A_19, %select_n3A : vector<2048x512xf32>
    %get3A_21 = arith.constant 0 : index
    %get3A_22 = arith.constant 0 : index
    %get3A_23 = vector.load %arg4[%get3A_21, %get3A_22] : memref<512x256xf32, #tpu.memory_space<vmem>>, vector<512x256xf32>
    %dot_general3A_24 = arith.constant dense<0.000000e+00> : vector<2048x256xf32>
    %dot_general3A_25 = tpu.matmul %mul3A_20, %get3A_23, %dot_general3A_24 {dimension_numbers = #tpu.dot_dimension_numbers<[1], [0], [0], [1], [0, 0, 1, 1], [], []>, transpose_lhs_hint = false} : vector<2048x512xf32>, vector<512x256xf32>, vector<2048x256xf32> -> vector<2048x256xf32>
    %get3A_26 = arith.constant 0 : index
    %get3A_27 = arith.constant 0 : index
    %get3A_28 = vector.load %arg5[%get3A_26, %get3A_27] : memref<1x256xf32, #tpu.memory_space<vmem>>, vector<1x256xf32>
    %add3A_29 = vector.broadcast %get3A_28 : vector<1x256xf32> to vector<2048x256xf32>
    %add3A_30 = arith.addf %dot_general3A_25, %add3A_29 : vector<2048x256xf32>
    %gt3A_31 = arith.constant 0.000000e+00 : f32
    %gt3A_32 = vector.broadcast %gt3A_31 : f32 to vector<2048x256xf32>
    %gt3A_33 = arith.cmpf ogt, %add3A_30, %gt3A_32 : vector<2048x256xf32>
    %exp3A_34 = math.exp %add3A_30 : vector<2048x256xf32>
    %sub3A_35 = arith.constant 1.000000e+00 : f32
    %sub3A_36 = vector.broadcast %sub3A_35 : f32 to vector<2048x256xf32>
    %sub3A_37 = arith.subf %exp3A_34, %sub3A_36 : vector<2048x256xf32>
    %mul3A_38 = arith.constant 1.67326319 : f32
    %mul3A_39 = vector.broadcast %mul3A_38 : f32 to vector<2048x256xf32>
    %mul3A_40 = arith.mulf %mul3A_39, %sub3A_37 : vector<2048x256xf32>
    %select_n3A_41 = arith.select %gt3A_33, %add3A_30, %mul3A_40 : vector<2048x256xi1>, vector<2048x256xf32>
    %mul3A_42 = arith.constant 1.05070102 : f32
    %mul3A_43 = vector.broadcast %mul3A_42 : f32 to vector<2048x256xf32>
    %mul3A_44 = arith.mulf %mul3A_43, %select_n3A_41 : vector<2048x256xf32>
    %get3A_45 = arith.constant 0 : index
    %get3A_46 = arith.constant 0 : index
    %get3A_47 = vector.load %arg6[%get3A_45, %get3A_46] : memref<256x256xf32, #tpu.memory_space<vmem>>, vector<256x256xf32>
    %dot_general3A_48 = arith.constant dense<0.000000e+00> : vector<2048x256xf32>
    %dot_general3A_49 = tpu.matmul %mul3A_44, %get3A_47, %dot_general3A_48 {dimension_numbers = #tpu.dot_dimension_numbers<[1], [0], [0], [1], [0, 0, 1, 1], [], []>, transpose_lhs_hint = false} : vector<2048x256xf32>, vector<256x256xf32>, vector<2048x256xf32> -> vector<2048x256xf32>
    %get3A_50 = arith.constant 0 : index
    %get3A_51 = arith.constant 0 : index
    %get3A_52 = vector.load %arg7[%get3A_50, %get3A_51] : memref<1x256xf32, #tpu.memory_space<vmem>>, vector<1x256xf32>
    %add3A_53 = vector.broadcast %get3A_52 : vector<1x256xf32> to vector<2048x256xf32>
    %add3A_54 = arith.addf %dot_general3A_49, %add3A_53 : vector<2048x256xf32>
    %gt3A_55 = arith.constant 0.000000e+00 : f32
    %gt3A_56 = vector.broadcast %gt3A_55 : f32 to vector<2048x256xf32>
    %gt3A_57 = arith.cmpf ogt, %add3A_54, %gt3A_56 : vector<2048x256xf32>
    %exp3A_58 = math.exp %add3A_54 : vector<2048x256xf32>
    %sub3A_59 = arith.constant 1.000000e+00 : f32
    %sub3A_60 = vector.broadcast %sub3A_59 : f32 to vector<2048x256xf32>
    %sub3A_61 = arith.subf %exp3A_58, %sub3A_60 : vector<2048x256xf32>
    %mul3A_62 = arith.constant 1.67326319 : f32
    %mul3A_63 = vector.broadcast %mul3A_62 : f32 to vector<2048x256xf32>
    %mul3A_64 = arith.mulf %mul3A_63, %sub3A_61 : vector<2048x256xf32>
    %select_n3A_65 = arith.select %gt3A_57, %add3A_54, %mul3A_64 : vector<2048x256xi1>, vector<2048x256xf32>
    %mul3A_66 = arith.constant 1.05070102 : f32
    %mul3A_67 = vector.broadcast %mul3A_66 : f32 to vector<2048x256xf32>
    %mul3A_68 = arith.mulf %mul3A_67, %select_n3A_65 : vector<2048x256xf32>
    %get3A_69 = arith.constant 0 : index
    %get3A_70 = arith.constant 0 : index
    %get3A_71 = vector.load %arg8[%get3A_69, %get3A_70] : memref<256x8xf32, #tpu.memory_space<vmem>>, vector<256x8xf32>
    %dot_general3A_72 = arith.constant dense<0.000000e+00> : vector<2048x8xf32>
    %dot_general3A_73 = tpu.matmul %mul3A_68, %get3A_71, %dot_general3A_72 {dimension_numbers = #tpu.dot_dimension_numbers<[1], [0], [0], [1], [0, 0, 1, 1], [], []>, transpose_lhs_hint = false} : vector<2048x256xf32>, vector<256x8xf32>, vector<2048x8xf32> -> vector<2048x8xf32>
    %get3A_74 = arith.constant 0 : index
    %get3A_75 = arith.constant 0 : index
    %get3A_76 = vector.load %arg9[%get3A_74, %get3A_75] : memref<1x8xf32, #tpu.memory_space<vmem>>, vector<1x8xf32>
    %add3A_77 = vector.broadcast %get3A_76 : vector<1x8xf32> to vector<2048x8xf32>
    %add3A_78 = arith.addf %dot_general3A_73, %add3A_77 : vector<2048x8xf32>
    %get3A_79 = arith.constant 0 : index
    %get3A_80 = arith.constant 0 : index
    %get3A_81 = vector.load %arg10[%get3A_79, %get3A_80] : memref<256x1xf32, #tpu.memory_space<vmem>>, vector<256x1xf32>
    %dot_general3A_82 = arith.constant dense<0.000000e+00> : vector<2048x1xf32>
    %dot_general3A_83 = tpu.matmul %mul3A_68, %get3A_81, %dot_general3A_82 {dimension_numbers = #tpu.dot_dimension_numbers<[1], [0], [0], [1], [0, 0, 1, 1], [], []>, transpose_lhs_hint = false} : vector<2048x256xf32>, vector<256x1xf32>, vector<2048x1xf32> -> vector<2048x1xf32>
    %get3A_84 = arith.constant 0 : index
    %get3A_85 = arith.constant 0 : index
    %get3A_86 = vector.load %arg11[%get3A_84, %get3A_85] : memref<1x1xf32, #tpu.memory_space<vmem>>, vector<1x1xf32>
    %add3A_87 = vector.broadcast %get3A_86 : vector<1x1xf32> to vector<2048x1xf32>
    %add3A_88 = arith.addf %dot_general3A_83, %add3A_87 : vector<2048x1xf32>
    %reduce_max3A = arith.constant dense<0xFF800000> : vector<2048xf32>
    %reduce_max3A_89 = vector.multi_reduction <maximumf>, %add3A_78, %reduce_max3A [1] : vector<2048x8xf32> to vector<2048xf32>
    %broadcast_in_dim3A = vector.shape_cast %reduce_max3A_89 : vector<2048xf32> to vector<2048x1xf32>
    %sub3A_90 = vector.broadcast %broadcast_in_dim3A : vector<2048x1xf32> to vector<2048x8xf32>
    %sub3A_91 = arith.subf %add3A_78, %sub3A_90 : vector<2048x8xf32>
    %exp3A_92 = math.exp %sub3A_91 : vector<2048x8xf32>
    %reduce_sum3A = arith.constant dense<0.000000e+00> : vector<2048xf32>
    %reduce_sum3A_93 = vector.multi_reduction <add>, %exp3A_92, %reduce_sum3A [1] : vector<2048x8xf32> to vector<2048xf32>
    %broadcast_in_dim3A_94 = vector.shape_cast %reduce_sum3A_93 : vector<2048xf32> to vector<2048x1xf32>
    %div3A = vector.broadcast %broadcast_in_dim3A_94 : vector<2048x1xf32> to vector<2048x8xf32>
    %div3A_95 = arith.divf %exp3A_92, %div3A : vector<2048x8xf32>
    %concatenate3A = tpu.concatenate %convert_element_type3A, %div3A_95 in 1 : vector<2048x512xf32>, vector<2048x8xf32> -> vector<2048x520xf32>
    %get3A_96 = arith.constant 0 : index
    %get3A_97 = arith.constant 0 : index
    %get3A_98 = vector.load %arg12[%get3A_96, %get3A_97] : memref<520x520xf32, #tpu.memory_space<vmem>>, vector<520x520xf32>
    %dot_general3A_99 = arith.constant dense<0.000000e+00> : vector<2048x520xf32>
    %dot_general3A_100 = tpu.matmul %concatenate3A, %get3A_98, %dot_general3A_99 {dimension_numbers = #tpu.dot_dimension_numbers<[1], [0], [0], [1], [0, 0, 1, 1], [], []>, transpose_lhs_hint = false} : vector<2048x520xf32>, vector<520x520xf32>, vector<2048x520xf32> -> vector<2048x520xf32>
    %get3A_101 = arith.constant 0 : index
    %get3A_102 = arith.constant 0 : index
    %get3A_103 = vector.load %arg13[%get3A_101, %get3A_102] : memref<1x520xf32, #tpu.memory_space<vmem>>, vector<1x520xf32>
    %add3A_104 = vector.broadcast %get3A_103 : vector<1x520xf32> to vector<2048x520xf32>
    %add3A_105 = arith.addf %dot_general3A_100, %add3A_104 : vector<2048x520xf32>
    %logistic3A = arith.negf %add3A_105 : vector<2048x520xf32>
    %logistic3A_106 = math.exp %logistic3A : vector<2048x520xf32>
    %logistic3A_107 = arith.constant 1.000000e+00 : f32
    %logistic3A_108 = vector.broadcast %logistic3A_107 : f32 to vector<2048x520xf32>
    %logistic3A_109 = arith.addf %logistic3A_108, %logistic3A_106 : vector<2048x520xf32>
    %logistic3A_110 = arith.divf %logistic3A_108, %logistic3A_109 : vector<2048x520xf32>
    %concatenate3A_111 = tpu.concatenate %add3A_78, %add3A_88 in 1 : vector<2048x8xf32>, vector<2048x1xf32> -> vector<2048x9xf32>
    %swap3A = arith.constant 0 : index
    %swap3A_112 = arith.constant 0 : index
    %swap3A_113 = arith.constant 0 : index
    %swap3A_114 = vector.load %arg16[%swap3A, %swap3A_112, %swap3A_113] : memref<1x2048x9xf32, #tpu.memory_space<vmem>>, vector<1x2048x9xf32>
    %swap3A_115 = vector.shape_cast %swap3A_114 : vector<1x2048x9xf32> to vector<2048x9xf32>
    %swap3A_116 = vector.shape_cast %concatenate3A_111 : vector<2048x9xf32> to vector<1x2048x9xf32>
    tpu.vector_store %arg16[%swap3A, %swap3A_112, %swap3A_113], %swap3A_116 {strides = array<i32>} : memref<1x2048x9xf32, #tpu.memory_space<vmem>>, vector<1x2048x9xf32>,
    %get3A_117 = arith.constant 0 : index
    %get3A_118 = arith.constant 0 : index
    %get3A_119 = vector.load %arg15[%get3A_117, %get3A_118] : memref<520x520xf32, #tpu.memory_space<vmem>>, vector<520x520xf32>
    %dot_general3A_120 = arith.constant dense<0.000000e+00> : vector<2048x520xf32>
    %dot_general3A_121 = tpu.matmul %concatenate3A, %get3A_119, %dot_general3A_120 {dimension_numbers = #tpu.dot_dimension_numbers<[1], [0], [0], [1], [0, 0, 1, 1], [], []>, transpose_lhs_hint = false} : vector<2048x520xf32>, vector<520x520xf32>, vector<2048x520xf32> -> vector<2048x520xf32>
    %convert_element_type3A_122 = arith.truncf %dot_general3A_121 : vector<2048x520xf32> to vector<2048x520xbf16>
    %swap3A_123 = arith.constant 0 : index
    %swap3A_124 = arith.constant 0 : index
    %swap3A_125 = arith.constant 0 : index
    %swap3A_126 = vector.load %arg17[%swap3A_123, %swap3A_124, %swap3A_125] : memref<1x2048x520xbf16, #tpu.memory_space<vmem>>, vector<1x2048x520xbf16>
    %swap3A_127 = vector.shape_cast %swap3A_126 : vector<1x2048x520xbf16> to vector<2048x520xbf16>
    %swap3A_128 = vector.shape_cast %convert_element_type3A_122 : vector<2048x520xbf16> to vector<1x2048x520xbf16>
    tpu.vector_store %arg17[%swap3A_123, %swap3A_124, %swap3A_125], %swap3A_128 {strides = array<i32>} : memref<1x2048x520xbf16, #tpu.memory_space<vmem>>, vector<1x2048x520xbf16>,
    %convert_element_type3A_129 = arith.truncf %logistic3A_110 : vector<2048x520xf32> to vector<2048x520xbf16>
    %swap3A_130 = arith.constant 0 : index
    %swap3A_131 = arith.constant 0 : index
    %swap3A_132 = arith.constant 0 : index
    %swap3A_133 = vector.load %arg18[%swap3A_130, %swap3A_131, %swap3A_132] : memref<1x2048x520xbf16, #tpu.memory_space<vmem>>, vector<1x2048x520xbf16>
    %swap3A_134 = vector.shape_cast %swap3A_133 : vector<1x2048x520xbf16> to vector<2048x520xbf16>
    %swap3A_135 = vector.shape_cast %convert_element_type3A_129 : vector<2048x520xbf16> to vector<1x2048x520xbf16>
    tpu.vector_store %arg18[%swap3A_130, %swap3A_131, %swap3A_132], %swap3A_135 {strides = array<i32>} : memref<1x2048x520xbf16, #tpu.memory_space<vmem>>, vector<1x2048x520xbf16>,
    %sub3A_136 = arith.constant 1.000000e+00 : f32
    %sub3A_137 = vector.broadcast %sub3A_136 : f32 to vector<2048x520xf32>
    %sub3A_138 = arith.subf %sub3A_137, %logistic3A_110 : vector<2048x520xf32>
    %get3A_139 = arith.constant 0 : index
    %get3A_140 = arith.constant 0 : index
    %get3A_141 = vector.load %arg14[%get3A_139, %get3A_140] : memref<520x520xf32, #tpu.memory_space<vmem>>, vector<520x520xf32>
    %dot_general3A_142 = arith.constant dense<0.000000e+00> : vector<2048x520xf32>
    %dot_general3A_143 = tpu.matmul %concatenate3A, %get3A_141, %dot_general3A_142 {dimension_numbers = #tpu.dot_dimension_numbers<[1], [0], [0], [1], [0, 0, 1, 1], [], []>, transpose_lhs_hint = false} : vector<2048x520xf32>, vector<520x520xf32>, vector<2048x520xf32> -> vector<2048x520xf32>
    %mul3A_144 = arith.mulf %sub3A_138, %dot_general3A_143 : vector<2048x520xf32>
    %convert_element_type3A_145 = arith.truncf %mul3A_144 : vector<2048x520xf32> to vector<2048x520xbf16>
    %swap3A_146 = arith.constant 0 : index
    %swap3A_147 = arith.constant 0 : index
    %swap3A_148 = arith.constant 0 : index
    %swap3A_149 = vector.load %arg19[%swap3A_146, %swap3A_147, %swap3A_148] : memref<1x2048x520xbf16, #tpu.memory_space<vmem>>, vector<1x2048x520xbf16>
    %swap3A_150 = vector.shape_cast %swap3A_149 : vector<1x2048x520xbf16> to vector<2048x520xbf16>
    %swap3A_151 = vector.shape_cast %convert_element_type3A_145 : vector<2048x520xbf16> to vector<1x2048x520xbf16>
    tpu.vector_store %arg19[%swap3A_146, %swap3A_147, %swap3A_148], %swap3A_151 {strides = array<i32>} : memref<1x2048x520xbf16, #tpu.memory_space<vmem>>, vector<1x2048x520xbf16>,
    return
  }
  func.func @transform_0(%arg0: i32) -> (i32, i32, i32) {
    %c0_i32 = arith.constant 0 : i32
    %c0_i32_0 = arith.constant 0 : i32
    %c0_i32_1 = arith.constant 0 : i32
    return %arg0, %c0_i32, %c0_i32_0 : i32, i32, i32
  }
  func.func @transform_1(%arg0: i32) -> (i32, i32) {
    %c0_i32 = arith.constant 0 : i32
    %c0_i32_0 = arith.constant 0 : i32
    %c0_i32_1 = arith.constant 0 : i32
    return %c0_i32, %c0_i32_0 : i32, i32
  }
  func.func @transform_2(%arg0: i32) -> (i32, i32) {
    %c0_i32 = arith.constant 0 : i32
    %c0_i32_0 = arith.constant 0 : i32
    %c0_i32_1 = arith.constant 0 : i32
    return %c0_i32, %c0_i32_0 : i32, i32
  }
  func.func @transform_3(%arg0: i32) -> (i32, i32) {
    %c0_i32 = arith.constant 0 : i32
    %c0_i32_0 = arith.constant 0 : i32
    %c0_i32_1 = arith.constant 0 : i32
    return %c0_i32, %c0_i32_0 : i32, i32
  }
  func.func @transform_4(%arg0: i32) -> (i32, i32) {
    %c0_i32 = arith.constant 0 : i32
    %c0_i32_0 = arith.constant 0 : i32
    %c0_i32_1 = arith.constant 0 : i32
    return %c0_i32, %c0_i32_0 : i32, i32
  }
  func.func @transform_5(%arg0: i32) -> (i32, i32) {
    %c0_i32 = arith.constant 0 : i32
    %c0_i32_0 = arith.constant 0 : i32
    %c0_i32_1 = arith.constant 0 : i32
    return %c0_i32, %c0_i32_0 : i32, i32
  }
  func.func @transform_6(%arg0: i32) -> (i32, i32) {
    %c0_i32 = arith.constant 0 : i32
    %c0_i32_0 = arith.constant 0 : i32
    %c0_i32_1 = arith.constant 0 : i32
    return %c0_i32, %c0_i32_0 : i32, i32
  }
  func.func @transform_7(%arg0: i32) -> (i32, i32) {
    %c0_i32 = arith.constant 0 : i32
    %c0_i32_0 = arith.constant 0 : i32
    %c0_i32_1 = arith.constant 0 : i32
    return %c0_i32, %c0_i32_0 : i32, i32
  }
  func.func @transform_8(%arg0: i32) -> (i32, i32) {
    %c0_i32 = arith.constant 0 : i32
    %c0_i32_0 = arith.constant 0 : i32
    %c0_i32_1 = arith.constant 0 : i32
    return %c0_i32, %c0_i32_0 : i32, i32
  }
  func.func @transform_9(%arg0: i32) -> (i32, i32) {
    %c0_i32 = arith.constant 0 : i32
    %c0_i32_0 = arith.constant 0 : i32
    %c0_i32_1 = arith.constant 0 : i32
    return %c0_i32, %c0_i32_0 : i32, i32
  }
  func.func @transform_10(%arg0: i32) -> (i32, i32) {
    %c0_i32 = arith.constant 0 : i32
    %c0_i32_0 = arith.constant 0 : i32
    %c0_i32_1 = arith.constant 0 : i32
    return %c0_i32, %c0_i32_0 : i32, i32
  }
  func.func @transform_11(%arg0: i32) -> (i32, i32) {
    %c0_i32 = arith.constant 0 : i32
    %c0_i32_0 = arith.constant 0 : i32
    %c0_i32_1 = arith.constant 0 : i32
    return %c0_i32, %c0_i32_0 : i32, i32
  }
  func.func @transform_12(%arg0: i32) -> (i32, i32) {
    %c0_i32 = arith.constant 0 : i32
    %c0_i32_0 = arith.constant 0 : i32
    %c0_i32_1 = arith.constant 0 : i32
    return %c0_i32, %c0_i32_0 : i32, i32
  }
  func.func @transform_13(%arg0: i32) -> (i32, i32) {
    %c0_i32 = arith.constant 0 : i32
    %c0_i32_0 = arith.constant 0 : i32
    %c0_i32_1 = arith.constant 0 : i32
    return %c0_i32, %c0_i32_0 : i32, i32
  }
  func.func @transform_14(%arg0: i32) -> (i32, i32) {
    %c0_i32 = arith.constant 0 : i32
    %c0_i32_0 = arith.constant 0 : i32
    %c0_i32_1 = arith.constant 0 : i32
    return %c0_i32, %c0_i32_0 : i32, i32
  }
  func.func @transform_15(%arg0: i32) -> (i32, i32, i32) {
    %c0_i32 = arith.constant 0 : i32
    %c0_i32_0 = arith.constant 0 : i32
    %c0_i32_1 = arith.constant 0 : i32
    return %arg0, %c0_i32, %c0_i32_0 : i32, i32, i32
  }
  func.func @transform_16(%arg0: i32) -> (i32, i32, i32) {
    %c0_i32 = arith.constant 0 : i32
    %c0_i32_0 = arith.constant 0 : i32
    %c0_i32_1 = arith.constant 0 : i32
    return %arg0, %c0_i32, %c0_i32_0 : i32, i32, i32
  }
  func.func @transform_17(%arg0: i32) -> (i32, i32, i32) {
    %c0_i32 = arith.constant 0 : i32
    %c0_i32_0 = arith.constant 0 : i32
    %c0_i32_1 = arith.constant 0 : i32
    return %arg0, %c0_i32, %c0_i32_0 : i32, i32, i32
  }
  func.func @transform_18(%arg0: i32) -> (i32, i32, i32) {
    %c0_i32 = arith.constant 0 : i32
    %c0_i32_0 = arith.constant 0 : i32
    %c0_i32_1 = arith.constant 0 : i32
    return %arg0, %c0_i32, %c0_i32_0 : i32, i32, i32
  }
}

module attributes {stable_mosaic.version = 14 : i64} {
  func.func @_gh_body(%arg0: i32, %arg1: i32, %arg2: memref<1x256x2048xbf16, #tpu.memory_space<vmem>>, %arg3: memref<1x2048x520xbf16, #tpu.memory_space<vmem>>, %arg4: memref<1x256x520xbf16, #tpu.memory_space<vmem>>, %arg5: memref<1x256x520xbf16, #tpu.memory_space<vmem>>, %arg6: memref<1x2048x1xf32, #tpu.memory_space<vmem>>, %arg7: memref<1x256x1xf32, #tpu.memory_space<vmem>>, %arg8: memref<1x256x520xbf16, #tpu.memory_space<vmem>>) attributes {dimension_semantics = [#tpu.dimension_semantics<parallel>, #tpu.dimension_semantics<parallel>], iteration_bounds = array<i64: 2, 8>, scalar_prefetch = 0 : i64, scratch_operands = 0 : i64, tpu.core_type = #tpu.core_type<tc>, window_params = [{transform_indices = @transform_0, window_bounds = array<i64: 1, 256, 2048>}, {transform_indices = @transform_1, window_bounds = array<i64: 1, 2048, 520>}, {transform_indices = @transform_2, window_bounds = array<i64: 1, 256, 520>}, {transform_indices = @transform_3, window_bounds = array<i64: 1, 256, 520>}, {transform_indices = @transform_4, window_bounds = array<i64: 1, 2048, 1>}, {transform_indices = @transform_5, window_bounds = array<i64: 1, 256, 1>}, {transform_indices = @transform_6, window_bounds = array<i64: 1, 256, 520>}]} {
    %get3A = arith.constant 0 : index
    %get3A_0 = arith.constant 0 : index
    %get3A_1 = arith.constant 0 : index
    %get3A_2 = vector.load %arg6[%get3A, %get3A_0, %get3A_1] : memref<1x2048x1xf32, #tpu.memory_space<vmem>>, vector<1x2048x1xf32>
    %get3A_3 = vector.shape_cast %get3A_2 : vector<1x2048x1xf32> to vector<2048x1xf32>
    %add3A = arith.constant 9.99999997E-7 : f32
    %add3A_4 = vector.broadcast %add3A : f32 to vector<2048x1xf32>
    %add3A_5 = arith.addf %get3A_3, %add3A_4 : vector<2048x1xf32>
    %rsqrt3A = math.rsqrt %add3A_5 : vector<2048x1xf32>
    %get3A_6 = arith.constant 0 : index
    %get3A_7 = arith.constant 0 : index
    %get3A_8 = arith.constant 0 : index
    %get3A_9 = vector.load %arg7[%get3A_6, %get3A_7, %get3A_8] : memref<1x256x1xf32, #tpu.memory_space<vmem>>, vector<1x256x1xf32>
    %get3A_10 = vector.shape_cast %get3A_9 : vector<1x256x1xf32> to vector<256x1xf32>
    %add3A_11 = arith.constant 9.99999997E-7 : f32
    %add3A_12 = vector.broadcast %add3A_11 : f32 to vector<256x1xf32>
    %add3A_13 = arith.addf %get3A_10, %add3A_12 : vector<256x1xf32>
    %rsqrt3A_14 = math.rsqrt %add3A_13 : vector<256x1xf32>
    %get3A_15 = arith.constant 0 : index
    %get3A_16 = arith.constant 0 : index
    %get3A_17 = arith.constant 0 : index
    %get3A_18 = vector.load %arg3[%get3A_15, %get3A_16, %get3A_17] : memref<1x2048x520xbf16, #tpu.memory_space<vmem>>, vector<1x2048x520xbf16>
    %get3A_19 = vector.shape_cast %get3A_18 : vector<1x2048x520xbf16> to vector<2048x520xbf16>
    %convert_element_type3A = arith.extf %get3A_19 : vector<2048x520xbf16> to vector<2048x520xf32>
    %mul3A = vector.broadcast %rsqrt3A : vector<2048x1xf32> to vector<2048x520xf32>
    %mul3A_20 = arith.mulf %convert_element_type3A, %mul3A : vector<2048x520xf32>
    %convert_element_type3A_21 = arith.truncf %mul3A_20 : vector<2048x520xf32> to vector<2048x520xbf16>
    %get3A_22 = arith.constant 0 : index
    %get3A_23 = arith.constant 0 : index
    %get3A_24 = arith.constant 0 : index
    %get3A_25 = vector.load %arg2[%get3A_22, %get3A_23, %get3A_24] : memref<1x256x2048xbf16, #tpu.memory_space<vmem>>, vector<1x256x2048xbf16>
    %get3A_26 = vector.shape_cast %get3A_25 : vector<1x256x2048xbf16> to vector<256x2048xbf16>
    %dot_general3A = arith.constant dense<0.000000e+00> : vector<256x520xf32>
    %dot_general3A_27 = tpu.matmul %get3A_26, %convert_element_type3A_21, %dot_general3A {dimension_numbers = #tpu.dot_dimension_numbers<[1], [0], [0], [1], [0, 0, 1, 1], [], []>, transpose_lhs_hint = false} : vector<256x2048xbf16>, vector<2048x520xbf16>, vector<256x520xf32> -> vector<256x520xf32>
    %get3A_28 = arith.constant 0 : index
    %get3A_29 = arith.constant 0 : index
    %get3A_30 = arith.constant 0 : index
    %get3A_31 = vector.load %arg4[%get3A_28, %get3A_29, %get3A_30] : memref<1x256x520xbf16, #tpu.memory_space<vmem>>, vector<1x256x520xbf16>
    %get3A_32 = vector.shape_cast %get3A_31 : vector<1x256x520xbf16> to vector<256x520xbf16>
    %convert_element_type3A_33 = arith.extf %get3A_32 : vector<256x520xbf16> to vector<256x520xf32>
    %get3A_34 = arith.constant 0 : index
    %get3A_35 = arith.constant 0 : index
    %get3A_36 = arith.constant 0 : index
    %get3A_37 = vector.load %arg5[%get3A_34, %get3A_35, %get3A_36] : memref<1x256x520xbf16, #tpu.memory_space<vmem>>, vector<1x256x520xbf16>
    %get3A_38 = vector.shape_cast %get3A_37 : vector<1x256x520xbf16> to vector<256x520xbf16>
    %convert_element_type3A_39 = arith.extf %get3A_38 : vector<256x520xbf16> to vector<256x520xf32>
    %mul3A_40 = vector.broadcast %rsqrt3A_14 : vector<256x1xf32> to vector<256x520xf32>
    %mul3A_41 = arith.mulf %convert_element_type3A_33, %mul3A_40 : vector<256x520xf32>
    %mul3A_42 = arith.mulf %mul3A_41, %dot_general3A_27 : vector<256x520xf32>
    %add3A_43 = arith.addf %mul3A_42, %convert_element_type3A_39 : vector<256x520xf32>
    %convert_element_type3A_44 = arith.truncf %add3A_43 : vector<256x520xf32> to vector<256x520xbf16>
    %swap3A = arith.constant 0 : index
    %swap3A_45 = arith.constant 0 : index
    %swap3A_46 = arith.constant 0 : index
    %swap3A_47 = vector.load %arg8[%swap3A, %swap3A_45, %swap3A_46] : memref<1x256x520xbf16, #tpu.memory_space<vmem>>, vector<1x256x520xbf16>
    %swap3A_48 = vector.shape_cast %swap3A_47 : vector<1x256x520xbf16> to vector<256x520xbf16>
    %swap3A_49 = vector.shape_cast %convert_element_type3A_44 : vector<256x520xbf16> to vector<1x256x520xbf16>
    tpu.vector_store %arg8[%swap3A, %swap3A_45, %swap3A_46], %swap3A_49 {strides = array<i32>} : memref<1x256x520xbf16, #tpu.memory_space<vmem>>, vector<1x256x520xbf16>,
    return
  }
  func.func @transform_0(%arg0: i32, %arg1: i32) -> (i32, i32, i32) {
    %c0_i32 = arith.constant 0 : i32
    %c0_i32_0 = arith.constant 0 : i32
    return %arg0, %arg1, %c0_i32 : i32, i32, i32
  }
  func.func @transform_1(%arg0: i32, %arg1: i32) -> (i32, i32, i32) {
    %c0_i32 = arith.constant 0 : i32
    %c0_i32_0 = arith.constant 0 : i32
    %c0_i32_1 = arith.constant 0 : i32
    return %arg0, %c0_i32, %c0_i32_0 : i32, i32, i32
  }
  func.func @transform_2(%arg0: i32, %arg1: i32) -> (i32, i32, i32) {
    %c0_i32 = arith.constant 0 : i32
    %c0_i32_0 = arith.constant 0 : i32
    return %arg0, %arg1, %c0_i32 : i32, i32, i32
  }
  func.func @transform_3(%arg0: i32, %arg1: i32) -> (i32, i32, i32) {
    %c0_i32 = arith.constant 0 : i32
    %c0_i32_0 = arith.constant 0 : i32
    return %arg0, %arg1, %c0_i32 : i32, i32, i32
  }
  func.func @transform_4(%arg0: i32, %arg1: i32) -> (i32, i32, i32) {
    %c0_i32 = arith.constant 0 : i32
    %c0_i32_0 = arith.constant 0 : i32
    %c0_i32_1 = arith.constant 0 : i32
    return %arg0, %c0_i32, %c0_i32_0 : i32, i32, i32
  }
  func.func @transform_5(%arg0: i32, %arg1: i32) -> (i32, i32, i32) {
    %c0_i32 = arith.constant 0 : i32
    %c0_i32_0 = arith.constant 0 : i32
    return %arg0, %arg1, %c0_i32 : i32, i32, i32
  }
  func.func @transform_6(%arg0: i32, %arg1: i32) -> (i32, i32, i32) {
    %c0_i32 = arith.constant 0 : i32
    %c0_i32_0 = arith.constant 0 : i32
    return %arg0, %arg1, %c0_i32 : i32, i32, i32
  }
}

module attributes {stable_mosaic.version = 14 : i64} {
  func.func @_tail_body(%arg0: i32, %arg1: memref<1x2048x15xf32, #tpu.memory_space<vmem>>, %arg2: memref<1x2048x520xbf16, #tpu.memory_space<vmem>>, %arg3: memref<1x2048x9xf32, #tpu.memory_space<vmem>>, %arg4: memref<26x256xf32, #tpu.memory_space<vmem>>, %arg5: memref<1x256xf32, #tpu.memory_space<vmem>>, %arg6: memref<256x256xf32, #tpu.memory_space<vmem>>, %arg7: memref<1x256xf32, #tpu.memory_space<vmem>>, %arg8: memref<256x512xf32, #tpu.memory_space<vmem>>, %arg9: memref<1x512xf32, #tpu.memory_space<vmem>>, %arg10: memref<1032x512xf32, #tpu.memory_space<vmem>>, %arg11: memref<1x512xf32, #tpu.memory_space<vmem>>, %arg12: memref<512x256xf32, #tpu.memory_space<vmem>>, %arg13: memref<1x256xf32, #tpu.memory_space<vmem>>, %arg14: memref<256x256xf32, #tpu.memory_space<vmem>>, %arg15: memref<1x256xf32, #tpu.memory_space<vmem>>, %arg16: memref<256x3xf32, #tpu.memory_space<vmem>>, %arg17: memref<1x3xf32, #tpu.memory_space<vmem>>, %arg18: memref<1x2048x12xf32, #tpu.memory_space<vmem>>) attributes {dimension_semantics = [#tpu.dimension_semantics<arbitrary>], iteration_bounds = array<i64: 2>, scalar_prefetch = 0 : i64, scratch_operands = 0 : i64, tpu.core_type = #tpu.core_type<tc>, window_params = [{transform_indices = @transform_0, window_bounds = array<i64: 1, 2048, 15>}, {transform_indices = @transform_1, window_bounds = array<i64: 1, 2048, 520>}, {transform_indices = @transform_2, window_bounds = array<i64: 1, 2048, 9>}, {pipeline_mode = #tpu.pipeline_mode<synchronous>, transform_indices = @transform_3, window_bounds = array<i64: 26, 256>}, {pipeline_mode = #tpu.pipeline_mode<synchronous>, transform_indices = @transform_4, window_bounds = array<i64: 1, 256>}, {pipeline_mode = #tpu.pipeline_mode<synchronous>, transform_indices = @transform_5, window_bounds = array<i64: 256, 256>}, {pipeline_mode = #tpu.pipeline_mode<synchronous>, transform_indices = @transform_6, window_bounds = array<i64: 1, 256>}, {pipeline_mode = #tpu.pipeline_mode<synchronous>, transform_indices = @transform_7, window_bounds = array<i64: 256, 512>}, {pipeline_mode = #tpu.pipeline_mode<synchronous>, transform_indices = @transform_8, window_bounds = array<i64: 1, 512>}, {pipeline_mode = #tpu.pipeline_mode<synchronous>, transform_indices = @transform_9, window_bounds = array<i64: 1032, 512>}, {pipeline_mode = #tpu.pipeline_mode<synchronous>, transform_indices = @transform_10, window_bounds = array<i64: 1, 512>}, {pipeline_mode = #tpu.pipeline_mode<synchronous>, transform_indices = @transform_11, window_bounds = array<i64: 512, 256>}, {pipeline_mode = #tpu.pipeline_mode<synchronous>, transform_indices = @transform_12, window_bounds = array<i64: 1, 256>}, {pipeline_mode = #tpu.pipeline_mode<synchronous>, transform_indices = @transform_13, window_bounds = array<i64: 256, 256>}, {pipeline_mode = #tpu.pipeline_mode<synchronous>, transform_indices = @transform_14, window_bounds = array<i64: 1, 256>}, {pipeline_mode = #tpu.pipeline_mode<synchronous>, transform_indices = @transform_15, window_bounds = array<i64: 256, 3>}, {pipeline_mode = #tpu.pipeline_mode<synchronous>, transform_indices = @transform_16, window_bounds = array<i64: 1, 3>}, {transform_indices = @transform_17, window_bounds = array<i64: 1, 2048, 12>}]} {
    %get3A = arith.constant 0 : index
    %get3A_0 = arith.constant 0 : index
    %get3A_1 = arith.constant 0 : index
    %get3A_2 = vector.load %arg1[%get3A, %get3A_0, %get3A_1] : memref<1x2048x15xf32, #tpu.memory_space<vmem>>, vector<1x2048x15xf32>
    %get3A_3 = vector.shape_cast %get3A_2 : vector<1x2048x15xf32> to vector<2048x15xf32>
    %slice3A = vector.extract_strided_slice %get3A_3 {offsets = [0, 0], sizes = [2048, 1], strides = [1, 1]} : vector<2048x15xf32> to vector<2048x1xf32>
    %convert_element_type3A = arith.fptosi %slice3A : vector<2048x1xf32> to vector<2048x1xi32>
    %iota3A = tpu.iota {dimensions = array<i32: 1>} : vector<2048x12xi32>
    %eq3A = vector.broadcast %convert_element_type3A : vector<2048x1xi32> to vector<2048x12xi32>
    %eq3A_4 = arith.cmpi eq, %eq3A, %iota3A : vector<2048x12xi32>
    %convert_element_type3A_5 = arith.extui %eq3A_4 : vector<2048x12xi1> to vector<2048x12xi32>
    %convert_element_type3A_6 = arith.sitofp %convert_element_type3A_5 : vector<2048x12xi32> to vector<2048x12xf32>
    %slice3A_7 = vector.extract_strided_slice %get3A_3 {offsets = [0, 1], sizes = [2048, 14], strides = [1, 1]} : vector<2048x15xf32> to vector<2048x14xf32>
    %concatenate3A = tpu.concatenate %convert_element_type3A_6, %slice3A_7 in 1 : vector<2048x12xf32>, vector<2048x14xf32> -> vector<2048x26xf32>
    %get3A_8 = arith.constant 0 : index
    %get3A_9 = arith.constant 0 : index
    %get3A_10 = vector.load %arg4[%get3A_8, %get3A_9] : memref<26x256xf32, #tpu.memory_space<vmem>>, vector<26x256xf32>
    %dot_general3A = arith.constant dense<0.000000e+00> : vector<2048x256xf32>
    %dot_general3A_11 = tpu.matmul %concatenate3A, %get3A_10, %dot_general3A {dimension_numbers = #tpu.dot_dimension_numbers<[1], [0], [0], [1], [0, 0, 1, 1], [], []>, transpose_lhs_hint = false} : vector<2048x26xf32>, vector<26x256xf32>, vector<2048x256xf32> -> vector<2048x256xf32>
    %get3A_12 = arith.constant 0 : index
    %get3A_13 = arith.constant 0 : index
    %get3A_14 = vector.load %arg5[%get3A_12, %get3A_13] : memref<1x256xf32, #tpu.memory_space<vmem>>, vector<1x256xf32>
    %add3A = vector.broadcast %get3A_14 : vector<1x256xf32> to vector<2048x256xf32>
    %add3A_15 = arith.addf %dot_general3A_11, %add3A : vector<2048x256xf32>
    %gt3A = arith.constant 0.000000e+00 : f32
    %gt3A_16 = vector.broadcast %gt3A : f32 to vector<2048x256xf32>
    %gt3A_17 = arith.cmpf ogt, %add3A_15, %gt3A_16 : vector<2048x256xf32>
    %exp3A = math.exp %add3A_15 : vector<2048x256xf32>
    %sub3A = arith.constant 1.000000e+00 : f32
    %sub3A_18 = vector.broadcast %sub3A : f32 to vector<2048x256xf32>
    %sub3A_19 = arith.subf %exp3A, %sub3A_18 : vector<2048x256xf32>
    %mul3A = arith.constant 1.67326319 : f32
    %mul3A_20 = vector.broadcast %mul3A : f32 to vector<2048x256xf32>
    %mul3A_21 = arith.mulf %mul3A_20, %sub3A_19 : vector<2048x256xf32>
    %select_n3A = arith.select %gt3A_17, %add3A_15, %mul3A_21 : vector<2048x256xi1>, vector<2048x256xf32>
    %mul3A_22 = arith.constant 1.05070102 : f32
    %mul3A_23 = vector.broadcast %mul3A_22 : f32 to vector<2048x256xf32>
    %mul3A_24 = arith.mulf %mul3A_23, %select_n3A : vector<2048x256xf32>
    %get3A_25 = arith.constant 0 : index
    %get3A_26 = arith.constant 0 : index
    %get3A_27 = vector.load %arg6[%get3A_25, %get3A_26] : memref<256x256xf32, #tpu.memory_space<vmem>>, vector<256x256xf32>
    %dot_general3A_28 = arith.constant dense<0.000000e+00> : vector<2048x256xf32>
    %dot_general3A_29 = tpu.matmul %mul3A_24, %get3A_27, %dot_general3A_28 {dimension_numbers = #tpu.dot_dimension_numbers<[1], [0], [0], [1], [0, 0, 1, 1], [], []>, transpose_lhs_hint = false} : vector<2048x256xf32>, vector<256x256xf32>, vector<2048x256xf32> -> vector<2048x256xf32>
    %get3A_30 = arith.constant 0 : index
    %get3A_31 = arith.constant 0 : index
    %get3A_32 = vector.load %arg7[%get3A_30, %get3A_31] : memref<1x256xf32, #tpu.memory_space<vmem>>, vector<1x256xf32>
    %add3A_33 = vector.broadcast %get3A_32 : vector<1x256xf32> to vector<2048x256xf32>
    %add3A_34 = arith.addf %dot_general3A_29, %add3A_33 : vector<2048x256xf32>
    %gt3A_35 = arith.constant 0.000000e+00 : f32
    %gt3A_36 = vector.broadcast %gt3A_35 : f32 to vector<2048x256xf32>
    %gt3A_37 = arith.cmpf ogt, %add3A_34, %gt3A_36 : vector<2048x256xf32>
    %exp3A_38 = math.exp %add3A_34 : vector<2048x256xf32>
    %sub3A_39 = arith.constant 1.000000e+00 : f32
    %sub3A_40 = vector.broadcast %sub3A_39 : f32 to vector<2048x256xf32>
    %sub3A_41 = arith.subf %exp3A_38, %sub3A_40 : vector<2048x256xf32>
    %mul3A_42 = arith.constant 1.67326319 : f32
    %mul3A_43 = vector.broadcast %mul3A_42 : f32 to vector<2048x256xf32>
    %mul3A_44 = arith.mulf %mul3A_43, %sub3A_41 : vector<2048x256xf32>
    %select_n3A_45 = arith.select %gt3A_37, %add3A_34, %mul3A_44 : vector<2048x256xi1>, vector<2048x256xf32>
    %mul3A_46 = arith.constant 1.05070102 : f32
    %mul3A_47 = vector.broadcast %mul3A_46 : f32 to vector<2048x256xf32>
    %mul3A_48 = arith.mulf %mul3A_47, %select_n3A_45 : vector<2048x256xf32>
    %get3A_49 = arith.constant 0 : index
    %get3A_50 = arith.constant 0 : index
    %get3A_51 = vector.load %arg8[%get3A_49, %get3A_50] : memref<256x512xf32, #tpu.memory_space<vmem>>, vector<256x512xf32>
    %dot_general3A_52 = arith.constant dense<0.000000e+00> : vector<2048x512xf32>
    %dot_general3A_53 = tpu.matmul %mul3A_48, %get3A_51, %dot_general3A_52 {dimension_numbers = #tpu.dot_dimension_numbers<[1], [0], [0], [1], [0, 0, 1, 1], [], []>, transpose_lhs_hint = false} : vector<2048x256xf32>, vector<256x512xf32>, vector<2048x512xf32> -> vector<2048x512xf32>
    %get3A_54 = arith.constant 0 : index
    %get3A_55 = arith.constant 0 : index
    %get3A_56 = vector.load %arg9[%get3A_54, %get3A_55] : memref<1x512xf32, #tpu.memory_space<vmem>>, vector<1x512xf32>
    %add3A_57 = vector.broadcast %get3A_56 : vector<1x512xf32> to vector<2048x512xf32>
    %add3A_58 = arith.addf %dot_general3A_53, %add3A_57 : vector<2048x512xf32>
    %gt3A_59 = arith.constant 0.000000e+00 : f32
    %gt3A_60 = vector.broadcast %gt3A_59 : f32 to vector<2048x512xf32>
    %gt3A_61 = arith.cmpf ogt, %add3A_58, %gt3A_60 : vector<2048x512xf32>
    %exp3A_62 = math.exp %add3A_58 : vector<2048x512xf32>
    %sub3A_63 = arith.constant 1.000000e+00 : f32
    %sub3A_64 = vector.broadcast %sub3A_63 : f32 to vector<2048x512xf32>
    %sub3A_65 = arith.subf %exp3A_62, %sub3A_64 : vector<2048x512xf32>
    %mul3A_66 = arith.constant 1.67326319 : f32
    %mul3A_67 = vector.broadcast %mul3A_66 : f32 to vector<2048x512xf32>
    %mul3A_68 = arith.mulf %mul3A_67, %sub3A_65 : vector<2048x512xf32>
    %select_n3A_69 = arith.select %gt3A_61, %add3A_58, %mul3A_68 : vector<2048x512xi1>, vector<2048x512xf32>
    %mul3A_70 = arith.constant 1.05070102 : f32
    %mul3A_71 = vector.broadcast %mul3A_70 : f32 to vector<2048x512xf32>
    %mul3A_72 = arith.mulf %mul3A_71, %select_n3A_69 : vector<2048x512xf32>
    %get3A_73 = arith.constant 0 : index
    %get3A_74 = arith.constant 0 : index
    %get3A_75 = arith.constant 0 : index
    %get3A_76 = vector.load %arg2[%get3A_73, %get3A_74, %get3A_75] : memref<1x2048x520xbf16, #tpu.memory_space<vmem>>, vector<1x2048x520xbf16>
    %get3A_77 = vector.shape_cast %get3A_76 : vector<1x2048x520xbf16> to vector<2048x520xbf16>
    %convert_element_type3A_78 = arith.extf %get3A_77 : vector<2048x520xbf16> to vector<2048x520xf32>
    %concatenate3A_79 = tpu.concatenate %convert_element_type3A_78, %mul3A_72 in 1 : vector<2048x520xf32>, vector<2048x512xf32> -> vector<2048x1032xf32>
    %get3A_80 = arith.constant 0 : index
    %get3A_81 = arith.constant 0 : index
    %get3A_82 = vector.load %arg10[%get3A_80, %get3A_81] : memref<1032x512xf32, #tpu.memory_space<vmem>>, vector<1032x512xf32>
    %dot_general3A_83 = arith.constant dense<0.000000e+00> : vector<2048x512xf32>
    %dot_general3A_84 = tpu.matmul %concatenate3A_79, %get3A_82, %dot_general3A_83 {dimension_numbers = #tpu.dot_dimension_numbers<[1], [0], [0], [1], [0, 0, 1, 1], [], []>, transpose_lhs_hint = false} : vector<2048x1032xf32>, vector<1032x512xf32>, vector<2048x512xf32> -> vector<2048x512xf32>
    %get3A_85 = arith.constant 0 : index
    %get3A_86 = arith.constant 0 : index
    %get3A_87 = vector.load %arg11[%get3A_85, %get3A_86] : memref<1x512xf32, #tpu.memory_space<vmem>>, vector<1x512xf32>
    %add3A_88 = vector.broadcast %get3A_87 : vector<1x512xf32> to vector<2048x512xf32>
    %add3A_89 = arith.addf %dot_general3A_84, %add3A_88 : vector<2048x512xf32>
    %gt3A_90 = arith.constant 0.000000e+00 : f32
    %gt3A_91 = vector.broadcast %gt3A_90 : f32 to vector<2048x512xf32>
    %gt3A_92 = arith.cmpf ogt, %add3A_89, %gt3A_91 : vector<2048x512xf32>
    %exp3A_93 = math.exp %add3A_89 : vector<2048x512xf32>
    %sub3A_94 = arith.constant 1.000000e+00 : f32
    %sub3A_95 = vector.broadcast %sub3A_94 : f32 to vector<2048x512xf32>
    %sub3A_96 = arith.subf %exp3A_93, %sub3A_95 : vector<2048x512xf32>
    %mul3A_97 = arith.constant 1.67326319 : f32
    %mul3A_98 = vector.broadcast %mul3A_97 : f32 to vector<2048x512xf32>
    %mul3A_99 = arith.mulf %mul3A_98, %sub3A_96 : vector<2048x512xf32>
    %select_n3A_100 = arith.select %gt3A_92, %add3A_89, %mul3A_99 : vector<2048x512xi1>, vector<2048x512xf32>
    %mul3A_101 = arith.constant 1.05070102 : f32
    %mul3A_102 = vector.broadcast %mul3A_101 : f32 to vector<2048x512xf32>
    %mul3A_103 = arith.mulf %mul3A_102, %select_n3A_100 : vector<2048x512xf32>
    %get3A_104 = arith.constant 0 : index
    %get3A_105 = arith.constant 0 : index
    %get3A_106 = vector.load %arg12[%get3A_104, %get3A_105] : memref<512x256xf32, #tpu.memory_space<vmem>>, vector<512x256xf32>
    %dot_general3A_107 = arith.constant dense<0.000000e+00> : vector<2048x256xf32>
    %dot_general3A_108 = tpu.matmul %mul3A_103, %get3A_106, %dot_general3A_107 {dimension_numbers = #tpu.dot_dimension_numbers<[1], [0], [0], [1], [0, 0, 1, 1], [], []>, transpose_lhs_hint = false} : vector<2048x512xf32>, vector<512x256xf32>, vector<2048x256xf32> -> vector<2048x256xf32>
    %get3A_109 = arith.constant 0 : index
    %get3A_110 = arith.constant 0 : index
    %get3A_111 = vector.load %arg13[%get3A_109, %get3A_110] : memref<1x256xf32, #tpu.memory_space<vmem>>, vector<1x256xf32>
    %add3A_112 = vector.broadcast %get3A_111 : vector<1x256xf32> to vector<2048x256xf32>
    %add3A_113 = arith.addf %dot_general3A_108, %add3A_112 : vector<2048x256xf32>
    %gt3A_114 = arith.constant 0.000000e+00 : f32
    %gt3A_115 = vector.broadcast %gt3A_114 : f32 to vector<2048x256xf32>
    %gt3A_116 = arith.cmpf ogt, %add3A_113, %gt3A_115 : vector<2048x256xf32>
    %exp3A_117 = math.exp %add3A_113 : vector<2048x256xf32>
    %sub3A_118 = arith.constant 1.000000e+00 : f32
    %sub3A_119 = vector.broadcast %sub3A_118 : f32 to vector<2048x256xf32>
    %sub3A_120 = arith.subf %exp3A_117, %sub3A_119 : vector<2048x256xf32>
    %mul3A_121 = arith.constant 1.67326319 : f32
    %mul3A_122 = vector.broadcast %mul3A_121 : f32 to vector<2048x256xf32>
    %mul3A_123 = arith.mulf %mul3A_122, %sub3A_120 : vector<2048x256xf32>
    %select_n3A_124 = arith.select %gt3A_116, %add3A_113, %mul3A_123 : vector<2048x256xi1>, vector<2048x256xf32>
    %mul3A_125 = arith.constant 1.05070102 : f32
    %mul3A_126 = vector.broadcast %mul3A_125 : f32 to vector<2048x256xf32>
    %mul3A_127 = arith.mulf %mul3A_126, %select_n3A_124 : vector<2048x256xf32>
    %get3A_128 = arith.constant 0 : index
    %get3A_129 = arith.constant 0 : index
    %get3A_130 = vector.load %arg14[%get3A_128, %get3A_129] : memref<256x256xf32, #tpu.memory_space<vmem>>, vector<256x256xf32>
    %dot_general3A_131 = arith.constant dense<0.000000e+00> : vector<2048x256xf32>
    %dot_general3A_132 = tpu.matmul %mul3A_127, %get3A_130, %dot_general3A_131 {dimension_numbers = #tpu.dot_dimension_numbers<[1], [0], [0], [1], [0, 0, 1, 1], [], []>, transpose_lhs_hint = false} : vector<2048x256xf32>, vector<256x256xf32>, vector<2048x256xf32> -> vector<2048x256xf32>
    %get3A_133 = arith.constant 0 : index
    %get3A_134 = arith.constant 0 : index
    %get3A_135 = vector.load %arg15[%get3A_133, %get3A_134] : memref<1x256xf32, #tpu.memory_space<vmem>>, vector<1x256xf32>
    %add3A_136 = vector.broadcast %get3A_135 : vector<1x256xf32> to vector<2048x256xf32>
    %add3A_137 = arith.addf %dot_general3A_132, %add3A_136 : vector<2048x256xf32>
    %gt3A_138 = arith.constant 0.000000e+00 : f32
    %gt3A_139 = vector.broadcast %gt3A_138 : f32 to vector<2048x256xf32>
    %gt3A_140 = arith.cmpf ogt, %add3A_137, %gt3A_139 : vector<2048x256xf32>
    %exp3A_141 = math.exp %add3A_137 : vector<2048x256xf32>
    %sub3A_142 = arith.constant 1.000000e+00 : f32
    %sub3A_143 = vector.broadcast %sub3A_142 : f32 to vector<2048x256xf32>
    %sub3A_144 = arith.subf %exp3A_141, %sub3A_143 : vector<2048x256xf32>
    %mul3A_145 = arith.constant 1.67326319 : f32
    %mul3A_146 = vector.broadcast %mul3A_145 : f32 to vector<2048x256xf32>
    %mul3A_147 = arith.mulf %mul3A_146, %sub3A_144 : vector<2048x256xf32>
    %select_n3A_148 = arith.select %gt3A_140, %add3A_137, %mul3A_147 : vector<2048x256xi1>, vector<2048x256xf32>
    %mul3A_149 = arith.constant 1.05070102 : f32
    %mul3A_150 = vector.broadcast %mul3A_149 : f32 to vector<2048x256xf32>
    %mul3A_151 = arith.mulf %mul3A_150, %select_n3A_148 : vector<2048x256xf32>
    %get3A_152 = arith.constant 0 : index
    %get3A_153 = arith.constant 0 : index
    %get3A_154 = vector.load %arg16[%get3A_152, %get3A_153] : memref<256x3xf32, #tpu.memory_space<vmem>>, vector<256x3xf32>
    %dot_general3A_155 = arith.constant dense<0.000000e+00> : vector<2048x3xf32>
    %dot_general3A_156 = tpu.matmul %mul3A_151, %get3A_154, %dot_general3A_155 {dimension_numbers = #tpu.dot_dimension_numbers<[1], [0], [0], [1], [0, 0, 1, 1], [], []>, transpose_lhs_hint = false} : vector<2048x256xf32>, vector<256x3xf32>, vector<2048x3xf32> -> vector<2048x3xf32>
    %get3A_157 = arith.constant 0 : index
    %get3A_158 = arith.constant 0 : index
    %get3A_159 = vector.load %arg17[%get3A_157, %get3A_158] : memref<1x3xf32, #tpu.memory_space<vmem>>, vector<1x3xf32>
    %add3A_160 = vector.broadcast %get3A_159 : vector<1x3xf32> to vector<2048x3xf32>
    %add3A_161 = arith.addf %dot_general3A_156, %add3A_160 : vector<2048x3xf32>
    %get3A_162 = arith.constant 0 : index
    %get3A_163 = arith.constant 0 : index
    %get3A_164 = arith.constant 0 : index
    %get3A_165 = vector.load %arg3[%get3A_162, %get3A_163, %get3A_164] : memref<1x2048x9xf32, #tpu.memory_space<vmem>>, vector<1x2048x9xf32>
    %get3A_166 = vector.shape_cast %get3A_165 : vector<1x2048x9xf32> to vector<2048x9xf32>
    %concatenate3A_167 = tpu.concatenate %get3A_166, %add3A_161 in 1 : vector<2048x9xf32>, vector<2048x3xf32> -> vector<2048x12xf32>
    %swap3A = arith.constant 0 : index
    %swap3A_168 = arith.constant 0 : index
    %swap3A_169 = arith.constant 0 : index
    %swap3A_170 = vector.load %arg18[%swap3A, %swap3A_168, %swap3A_169] : memref<1x2048x12xf32, #tpu.memory_space<vmem>>, vector<1x2048x12xf32>
    %swap3A_171 = vector.shape_cast %swap3A_170 : vector<1x2048x12xf32> to vector<2048x12xf32>
    %swap3A_172 = vector.shape_cast %concatenate3A_167 : vector<2048x12xf32> to vector<1x2048x12xf32>
    tpu.vector_store %arg18[%swap3A, %swap3A_168, %swap3A_169], %swap3A_172 {strides = array<i32>} : memref<1x2048x12xf32, #tpu.memory_space<vmem>>, vector<1x2048x12xf32>,
    return
  }
  func.func @transform_0(%arg0: i32) -> (i32, i32, i32) {
    %c0_i32 = arith.constant 0 : i32
    %c0_i32_0 = arith.constant 0 : i32
    %c0_i32_1 = arith.constant 0 : i32
    return %arg0, %c0_i32, %c0_i32_0 : i32, i32, i32
  }
  func.func @transform_1(%arg0: i32) -> (i32, i32, i32) {
    %c0_i32 = arith.constant 0 : i32
    %c0_i32_0 = arith.constant 0 : i32
    %c0_i32_1 = arith.constant 0 : i32
    return %arg0, %c0_i32, %c0_i32_0 : i32, i32, i32
  }
  func.func @transform_2(%arg0: i32) -> (i32, i32, i32) {
    %c0_i32 = arith.constant 0 : i32
    %c0_i32_0 = arith.constant 0 : i32
    %c0_i32_1 = arith.constant 0 : i32
    return %arg0, %c0_i32, %c0_i32_0 : i32, i32, i32
  }
  func.func @transform_3(%arg0: i32) -> (i32, i32) {
    %c0_i32 = arith.constant 0 : i32
    %c0_i32_0 = arith.constant 0 : i32
    %c0_i32_1 = arith.constant 0 : i32
    return %c0_i32, %c0_i32_0 : i32, i32
  }
  func.func @transform_4(%arg0: i32) -> (i32, i32) {
    %c0_i32 = arith.constant 0 : i32
    %c0_i32_0 = arith.constant 0 : i32
    %c0_i32_1 = arith.constant 0 : i32
    return %c0_i32, %c0_i32_0 : i32, i32
  }
  func.func @transform_5(%arg0: i32) -> (i32, i32) {
    %c0_i32 = arith.constant 0 : i32
    %c0_i32_0 = arith.constant 0 : i32
    %c0_i32_1 = arith.constant 0 : i32
    return %c0_i32, %c0_i32_0 : i32, i32
  }
  func.func @transform_6(%arg0: i32) -> (i32, i32) {
    %c0_i32 = arith.constant 0 : i32
    %c0_i32_0 = arith.constant 0 : i32
    %c0_i32_1 = arith.constant 0 : i32
    return %c0_i32, %c0_i32_0 : i32, i32
  }
  func.func @transform_7(%arg0: i32) -> (i32, i32) {
    %c0_i32 = arith.constant 0 : i32
    %c0_i32_0 = arith.constant 0 : i32
    %c0_i32_1 = arith.constant 0 : i32
    return %c0_i32, %c0_i32_0 : i32, i32
  }
  func.func @transform_8(%arg0: i32) -> (i32, i32) {
    %c0_i32 = arith.constant 0 : i32
    %c0_i32_0 = arith.constant 0 : i32
    %c0_i32_1 = arith.constant 0 : i32
    return %c0_i32, %c0_i32_0 : i32, i32
  }
  func.func @transform_9(%arg0: i32) -> (i32, i32) {
    %c0_i32 = arith.constant 0 : i32
    %c0_i32_0 = arith.constant 0 : i32
    %c0_i32_1 = arith.constant 0 : i32
    return %c0_i32, %c0_i32_0 : i32, i32
  }
  func.func @transform_10(%arg0: i32) -> (i32, i32) {
    %c0_i32 = arith.constant 0 : i32
    %c0_i32_0 = arith.constant 0 : i32
    %c0_i32_1 = arith.constant 0 : i32
    return %c0_i32, %c0_i32_0 : i32, i32
  }
  func.func @transform_11(%arg0: i32) -> (i32, i32) {
    %c0_i32 = arith.constant 0 : i32
    %c0_i32_0 = arith.constant 0 : i32
    %c0_i32_1 = arith.constant 0 : i32
    return %c0_i32, %c0_i32_0 : i32, i32
  }
  func.func @transform_12(%arg0: i32) -> (i32, i32) {
    %c0_i32 = arith.constant 0 : i32
    %c0_i32_0 = arith.constant 0 : i32
    %c0_i32_1 = arith.constant 0 : i32
    return %c0_i32, %c0_i32_0 : i32, i32
  }
  func.func @transform_13(%arg0: i32) -> (i32, i32) {
    %c0_i32 = arith.constant 0 : i32
    %c0_i32_0 = arith.constant 0 : i32
    %c0_i32_1 = arith.constant 0 : i32
    return %c0_i32, %c0_i32_0 : i32, i32
  }
  func.func @transform_14(%arg0: i32) -> (i32, i32) {
    %c0_i32 = arith.constant 0 : i32
    %c0_i32_0 = arith.constant 0 : i32
    %c0_i32_1 = arith.constant 0 : i32
    return %c0_i32, %c0_i32_0 : i32, i32
  }
  func.func @transform_15(%arg0: i32) -> (i32, i32) {
    %c0_i32 = arith.constant 0 : i32
    %c0_i32_0 = arith.constant 0 : i32
    %c0_i32_1 = arith.constant 0 : i32
    return %c0_i32, %c0_i32_0 : i32, i32
  }
  func.func @transform_16(%arg0: i32) -> (i32, i32) {
    %c0_i32 = arith.constant 0 : i32
    %c0_i32_0 = arith.constant 0 : i32
    %c0_i32_1 = arith.constant 0 : i32
    return %c0_i32, %c0_i32_0 : i32, i32
  }
  func.func @transform_17(%arg0: i32) -> (i32, i32, i32) {
    %c0_i32 = arith.constant 0 : i32
    %c0_i32_0 = arith.constant 0 : i32
    %c0_i32_1 = arith.constant 0 : i32
    return %arg0, %c0_i32, %c0_i32_0 : i32, i32, i32
  }
}

</mosaic_0001>

<sc_bundles>
// kernel: kernel.10.cloned.1.call-start
scs
__scs_entry_jumppad:
0x0: {  	(pc) =	sbr.rel $0x88, $3  }
0x1: {  	(tag) =	ssettag $0x0;
	lr =	simm.s32 $0x1  }
0x2: {  	[smem:$0x3F78] =	sst lr;
	_ =	strace $0xD0000000  }
0x3: {  	_ = 	snop  }
0x4: {  	_ = 	snop  }
0x5: {  	_ = 	snop  }
0x6: {  	_ = 	snop  }
0x7: {  	_ = 	snop  }
__scs_overlays_trampoline_lowered:
0x8: {  	[smem:$0x3F87] =	sst s0  }
0x9: {  	[smem:$0x3F88] =	sst s1  }
0xa: {  	[smem:$0x3F89] =	sst s2  }
0xb: {  	[smem:$0x3F8A] =	sst s3  }
0xc: {  	[smem:$0x3F8B] =	sst s4  }
0xd: {  	[smem:$0x3F8C] =	sst s5  }
0xe: {  	[smem:$0x3F8D] =	sst s6  }
0xf: {  	[smem:$0x3F8E] =	sst s7  }
0x10: {  	[smem:$0x3F8F] =	sst s8  }
0x11: {  	[smem:$0x3F90] =	sst s9;
	s0 =	simm.s32 @!p0 $0x0  }
0x12: {  	s1 =	sld [smem:$0x3F76];
	s0 =	simm.s32 @p0 $0x1  }
0x13: {  	[smem:$0x3F91] =	sst s0;
	s0 =	simm.s32 @!p1 $0x0  }
0x14: {  	s2 =	sld [smem:$0x3F75];
	s0 =	simm.s32 @p1 $0x1  }
0x15: {  	[smem:$0x3F92] =	sst s0;
	s0 =	simm.s32 @!p2 $0x0  }
0x16: {  	s3 =	sld [smem:$0x3FDB];
	s0 =	simm.s32 @p2 $0x1  }
0x17: {  	s4 =	simm.s32 $0x1BF5;
	[smem:$0x3F94] =	sst s0  }
0x18: {  	s0 =	sld [smem:$0x3F77];
	_ =	swait.ge [sflag:s4], $0x0  }
0x19: {  	s7 =	sld [smem:$0x3F78]  }
0x1a: {  	s8 =	sadd.s32 $0xFFFFE003, lr  }
0x1b: {  	s9 =	sadd.s32 $0xFFFFFEF7, lr;
	s5 =	simm.s32 $0xFFFFFFFF;
	p2 =	slt.u32 s8, $0xFFFFF086  }
0x1c: {  	p1 =	slt.u32 s9, $0xF7A;
	s5 =	simm.s32 @!p2 $0x0  }
0x1d: {  	s5 =	simm.s32 @p1 $0x1;
	p0 =	seq.s32 s7, s2  }
0x1e: {  	s7 =	smul.u32 @!p0 $0xF7A, s2;
	p2 =	seq.s32 @!p0 s5, $0x0  }
0x1f: {  	s9 =	smul.u32 $0xF7A, s1;
	s8 =	simm.s32 @!p0 $0x1BF5;
	p2 =	por !p2, p0  }
0x20: {  	[sflag:s8] =	ssyncset.s32 @!p0 $0xFFFFF086;
	s6 =	sadd.s32 @!p0 s3, s7;
	s7 =	simm.s32 @!p0 $0x108  }
0x21: {  	s3 =	sadd.s32 s3, s9;
	s6 =	sadd.s32 @!p0 $0x88, s6;
	s7 =	simm.s32 @p2 $0x1082  }
0x22: {  	[simem:s7], [sflag:s8] =	dma.local @!p0 [hbm:s6], $0xF7A  }
0x23: {  	s9 =	sor.u32 $0xD0000000, s2;
	s6 =	simm.s32 $0x108;
	_ =	swait.ge @!p0 [sflag:s8], $0x0  }
0x24: {  	s3 =	sadd.s32 $0x88, s3;
	s6 =	simm.s32 @!p1 $0x1082;
	[sflag:s4] =	ssyncset.s32 $0xFFFFF086  }
0x25: {  	[simem:s6], [sflag:s4] =	dma.local [hbm:s3], $0xF7A  }
0x26: {  	[smem:$0x3F78] =	sst s1;
	(tag) =	ssettag s2;
	_ =	strace s9  }
0x27: {  	s1 =	sld [smem:$0x3F88]  }
0x28: {  	s2 =	sld [smem:$0x3F89]  }
0x29: {  	s4 =	sld [smem:$0x3F8B]  }
0x2a: {  	p0 =	seq.s32 s5, $0x0;
	s5 =	sld [smem:$0x3F8C]  }
0x2b: {  	s6 =	sld [smem:$0x3F8D]  }
0x2c: {  	s7 =	sld [smem:$0x3F8E]  }
0x2d: {  	s3 =	simm.s32 $0x108;
	s8 =	sld [smem:$0x3F8F]  }
0x2e: {  	s3 =	simm.s32 @!p0 $0x1082;
	s9 =	sld [smem:$0x3F90]  }
0x2f: {  	lr =	sadd.s32 s0, s3;
	s0 =	sld [smem:$0x3F87]  }
0x30: {  	s3 =	sld [smem:$0x3F8A]  }
0x31: {  	[smem:$0x3F93] =	sst s10  }
0x32: {  	s10 =	sld [smem:$0x3F91];
	_ =	sdelay $0x3  }
0x33: {  	p0 =	seq.s32 s10, $0x1;
	s10 =	sld [smem:$0x3F93];
	_ =	sdelay $0x3  }
0x34: {  	[smem:$0x3F93] =	sst s10  }
0x35: {  	s10 =	sld [smem:$0x3F92];
	_ =	sdelay $0x3  }
0x36: {  	p1 =	seq.s32 s10, $0x1;
	s10 =	sld [smem:$0x3F93];
	_ =	sdelay $0x3  }
0x37: {  	[smem:$0x3F93] =	sst s10  }
0x38: {  	s10 =	sld [smem:$0x3F94]  }
0x39: {  	_ = 	snop;
	(pc) =	sbr.ind lr, $3  }
0x3a: {  	_ = 	snop  }
0x3b: {  	_ = 	snop  }
0x3c: {  	p2 =	seq.s32 s10, $0x1;
	s10 =	sld [smem:$0x3F93]  }
0x3d: {  	_ =	shalt  }
0x3e: {  	_ =	shalt  }
0x3f: {  	_ =	shalt  }
0x40: {  	_ =	shalt  }
0x41: {  	_ =	shalt  }
0x42: {  	_ =	shalt  }
0x43: {  	_ =	shalt  }
0x44: {  	_ =	shalt  }
0x45: {  	_ =	shalt  }
0x46: {  	_ =	shalt  }
0x47: {  	_ =	shalt  }
0x48: {  	_ =	shalt  }
0x49: {  	_ =	shalt  }
0x4a: {  	_ =	shalt  }
0x4b: {  	_ =	shalt  }
0x4c: {  	_ =	shalt  }
0x4d: {  	_ =	shalt  }
0x4e: {  	_ =	shalt  }
0x4f: {  	_ =	shalt  }
0x50: {  	_ =	shalt  }
0x51: {  	_ =	shalt  }
0x52: {  	_ =	shalt  }
0x53: {  	_ =	shalt  }
0x54: {  	_ =	shalt  }
0x55: {  	_ =	shalt  }
0x56: {  	_ =	shalt  }
0x57: {  	_ =	shalt  }
0x58: {  	_ =	shalt  }
0x59: {  	_ =	shalt  }
0x5a: {  	_ =	shalt  }
0x5b: {  	_ =	shalt  }
0x5c: {  	_ =	shalt  }
0x5d: {  	_ =	shalt  }
0x5e: {  	_ =	shalt  }
0x5f: {  	_ =	shalt  }
0x60: {  	_ =	shalt  }
0x61: {  	_ =	shalt  }
0x62: {  	_ =	shalt  }
0x63: {  	_ =	shalt  }
0x64: {  	_ =	shalt  }
0x65: {  	_ =	shalt  }
0x66: {  	_ =	shalt  }
0x67: {  	_ =	shalt  }
0x68: {  	_ =	shalt  }
0x69: {  	_ =	shalt  }
0x6a: {  	_ =	shalt  }
0x6b: {  	_ =	shalt  }
0x6c: {  	_ =	shalt  }
0x6d: {  	_ =	shalt  }
0x6e: {  	_ =	shalt  }
0x6f: {  	_ =	shalt  }
0x70: {  	_ =	shalt  }
0x71: {  	_ =	shalt  }
0x72: {  	_ =	shalt  }
0x73: {  	_ =	shalt  }
0x74: {  	_ =	shalt  }
0x75: {  	_ =	shalt  }
0x76: {  	_ =	shalt  }
0x77: {  	_ =	shalt  }
0x78: {  	_ =	shalt  }
0x79: {  	_ =	shalt  }
0x7a: {  	_ =	shalt  }
0x7b: {  	_ =	shalt  }
0x7c: {  	_ =	shalt  }
0x7d: {  	_ =	shalt  }
0x7e: {  	_ =	shalt  }
0x7f: {  	_ =	shalt  }
0x80: {  	_ =	shalt  }
0x81: {  	_ =	shalt  }
0x82: {  	_ =	shalt  }
0x83: {  	_ =	shalt  }
0x84: {  	_ =	shalt  }
0x85: {  	_ =	shalt  }
0x86: {  	_ =	shalt  }
0x87: {  	_ =	shalt  }
.Lfunc_end0:
.L_simem_size_0:
called_computation_lowered:
.L_overlay_start_0:
0x88: {  	s2 =	sld [smem:$0x3FD9]  }
0x89: {  	s3 =	sld [smem:$0x3FFE];
	_ =	sdelay $0x1  }
0x8a: {  	s1 =	srdreg.scid  }
0x8b: {  	s0 =	sand.u32 $0x1, s1  }
0x8c: {  	s16 =	sshll.u32 s0, $0xA;
	s2 =	sadd.s32 s3, s2  }
0x8d: {  	s2 =	sadd.s32 s2, s16  }
0x8e: {  	[smem:$0x3F9F] =	sst s2  }
0x8f: {  	_ = 	snop  }
0x90: {  	(tm) =	ssettm $0x1  }
0x91: {  	s17 =	sld [smem:$0x3FFB];
	_ =	sdelay $0x3  }
0x92: {  	_ =	strace s17  }
0x93: {  	s2 =	sld [smem:$0x3FFC];
	_ =	sdelay $0x3  }
0x94: {  	_ =	strace s2  }
0x95: {  	s2 =	sld [smem:$0x3FFD];
	_ =	sdelay $0x3  }
0x96: {  	_ =	strace s2  }
0x97: {  	_ =	strace $0x8FFFFFFF  }
0x98: {  	s18 =	sld [smem:$0x3FDB];
	_ =	sdelay $0x1  }
0x99: {  	s19 =	simm.s32 $_scs_section_size  }
0x9a: {  	s4 =	simm.s32 $_size__tile_overlayer_lowered;
	s5 =	simm.s32 $_tile_overlayer_lowered  }
0x9b: {  	s22 =	simm.s32 $0x1BFF;
	s21 =	sshll.u32 s5, $0x1;
	s2 =	sadd.s32 s19, s18  }
0x9c: {  	s6 =	simm.s32 $0x0;
	s20 =	sshll.u32 s4, $0x1;
	s4 =	sadd.s32 s21, s2  }
0x9d: {  	[timem:s6], [sflag:s22] =	dma.local [hbm:s4], s20  }
0x9e: {  	_ =	swait.ge [sflag:s22], s20  }
0x9f: {  	s3 =	ssub.s32 $0x0, s20;
	[sflag:s22] =	ssyncset.done $0x0  }
0xa0: {  	[sflag:s22] =	ssyncadd.s32 s3;
	_ =	sdelay $0x1  }
0xa1: {  	s23 =	simm.s32 $0x1B8B  }
0xa2: {  	_ =	swait.ge [sflag:s23], $0x1  }
0xa3: {  	[sflag:s23] =	ssyncset.done $0x0  }
0xa4: {  	s25 =	simm.s32 $0x1B8E;
	s24 =	sld [smem:$0x3FFE];
	[sflag:s23] =	ssyncadd.s32 $0xFFFFFFFF  }
0xa5: {  	s26 =	simm.s32 $execute0_lowered;
	[smem:$0x3FD2] =	sst s25  }
0xa6: {  	s4 =	sshll.u32 s26, $0x1;
	_ =	strace $0x80000046;
	[dreg:$0x1] =	wrdreg $0xFFFFFFFF  }
0xa7: {  	s28 =	simm.s32 $_size_execute0_lowered;
	s2 =	sadd.s32 s2, s4;
	[dreg:$0x0] =	wrdreg $0x0  }
0xa8: {  	s4 =	sshll.u32 s28, $0x1;
	[dreg:$0x2] =	wrdreg s2  }
0xa9: {  	[dreg:$0x3] =	wrdreg s4  }
0xaa: {  	[dreg:$0x4] =	wrdreg $0xC0  }
0xab: {  	_ =	task [dreg:s6], $0x5FFFF  }
0xac: {  	[dreg:$0x1] =	wrdreg $0xFFFFFFFF  }
0xad: {  	[dreg:$0x0] =	wrdreg $0x60  }
0xae: {  	[dreg:$0x2] =	wrdreg s24  }
0xaf: {  	[dreg:$0x3] =	wrdreg $0x21800  }
0xb0: {  	[dreg:$0x4] =	wrdreg $0x9  }
0xb1: {  	_ =	task.clear_ibuf [dreg:s6], $0x5FFFF;
	_ =	strace $0x90000046  }
0xb2: {  	s29 =	simm.s32 $0x9;
	_ =	strace $0x80000048  }
0xb3: {  	_ =	swait.ge [sflag:s29], $0x1  }
0xb4: {  	[sflag:s29] =	ssyncadd.s32 $0xFFFFFFFF  }
0xb5: {  	_ =	strace $0x90000048  }
0xb6: {  	_ =	sfence  }
0xb7: {  	s30 =	sld [smem:$0x0];
	_ =	sdelay $0x2  }
0xb8: {  	s31 =	sshll.u32 s1, $0xD;
	s1 =	sshrl.u32 s1, $0x2  }
0xb9: {  	s3 =	sand.u32 $0x4000, s31;
	s1 =	sadd.s32 s1, s30  }
0xba: {  	s0 =	sor.u32 s3, s0;
	s1 =	sshll.u32 s1, $0x11  }
0xbb: {  	s0 =	sor.u32 s1, s0  }
0xbc: {  	s0 =	sadd.s32 $0x8F2B, s0  }
0xbd: {  	[sflag:s0] =	ssyncadd.remote.s32 $0x1  }
0xbe: {  	_ =	sfence.sel $0xFFFF  }
0xbf: {  	[dreg:$0x0] =	wrdreg $0xFFFFFFFF;
	(pc) =	sbr.abs _section_cstart, $3  }
0xc0: {  	[dreg:$0x1] =	wrdreg $0xFFFFFFFF  }
0xc1: {  	_ =	task.clear_ibuf [dreg:s6], $0x2FFFF;
	_ =	strace $0x9FFFFFFF  }
0xc2: {  	(tm) =	ssettm $0x7FFFFFFF  }
0xc3: {  	_ =	shalt  }
tec
execute0_lowered:
.L_overlay_start_1:
0x0: {  	(tag) =	ssettag $0x1  }
0x1: {  	s4 =	rddreg [dreg:$0x0]  }
0x2: {  	s1 =	rddreg [dreg:$0x1]  }
0x3: {  	s0 =	rddreg [dreg:$0x2]  }
0x4: {  	s5 =	srdreg.scid;
	s3 =	simm.s32 $0x0;
	s2 =	stileid.u32  }
0x5: {  	s9 =	simm.f32 $1.000000000e+00;
	s10 =	simm.f32 $1.000000000e+00;
	s11 =	simm.f32 $1.000000000e+00  }
0x6: {  	s12 =	simm.f32 $1.000000000e+00;
	s13 =	simm.f32 $1.000000000e+00;
	s5 =	sand.u32 $0x1, s5  }
0x7: {  	s14 =	simm.f32 $1.000000000e+00;
	s7 =	sshll.u32 s2, $0x7;
	s6 =	sshll.u32 s5, $0xB  }
0x8: {  	s15 =	simm.f32 $1.000000000e+00;
	s16 =	simm.f32 $1.000000000e+00;
	s6 =	sor.u32 s7, s6  }
0x9: {  	s17 =	simm.f32 $1.000000000e+00;
	[smem:$0x7FF] =	sst s3;
	s7 =	sshll.u32 s6, $0x3  }
0xa: {  	p0 =	seq.s32 s2, $0x0;
	s6 =	sshrl.u32 s6, $0x3;
	s8 =	sadd.s32 s7, s4  }
0xb: {  	s6 =	sadd.s32 s6, s4;
	s4 =	sadd.s32 $0x7000, s8;
	s8 =	simm.f32 $0.0e+00  }
0xc: {  	s31 =	sshll.u32 s2, $0x6;
	s8 =	simm.s32 @!p0 $0x3F800000;
	p0 =	sgt.u32 s2, $0x1  }
0xd: {  	_ =	strace $0x80000047;
	s9 =	simm.s32 @!p0 $0x0;
	p0 =	sgt.u32 s2, $0x2  }
0xe: {  	s5 =	ssub.s32 $0x2, s5;
	s10 =	simm.s32 @!p0 $0x0;
	p0 =	sgt.u32 s2, $0x3  }
0xf: {  	s29 =	sshrl.u32 s5, $0x1;
	s11 =	simm.s32 @!p0 $0x0;
	p0 =	sgt.u32 s2, $0x4  }
0x10: {  	s30 =	ssub.s32 s5, s29;
	s12 =	simm.s32 @!p0 $0x0;
	p0 =	sgt.u32 s2, $0x5  }
0x11: {  	s5 =	sadd.s32 s31, s1;
	v0 =	vmov s8;
	s13 =	simm.s32 @!p0 $0x0;
	p0 =	sgt.u32 s2, $0x6  }
0x12: {  	s7 =	smax.u32 s30, $0x1;
	[tilespmem:$0x1FF60] =	vst v0;
	v55 =	vmov s9;
	s14 =	simm.s32 @!p0 $0x0;
	p0 =	sgt.u32 s2, $0x7  }
0x13: {  	s6 =	sadd.s32 $0xF000, s6;
	[tilespmem:$0x1FF70] =	vst v55;
	v56 =	vmov s10;
	s15 =	simm.s32 @!p0 $0x0;
	p0 =	sgt.u32 s2, $0x8  }
0x14: {  	s8 =	simm.f32 $1.000000000e+00;
	[tilespmem:$0x1FF80] =	vst v56;
	v57 =	vmov s11;
	s16 =	simm.s32 @!p0 $0x0;
	p0 =	sgt.u32 s2, $0x9  }
0x15: {  	v14 =	vlaneseq.u32;
	s9 =	simm.f32 $1.000000000e+00;
	[tilespmem:$0x1FF90] =	vst v57;
	v58 =	vmov s12;
	s17 =	simm.s32 @!p0 $0x0;
	p0 =	sgt.u32 s2, $0xA  }
0x16: {  	v14 =	vmul.u32 $0x40, v14;
	s10 =	simm.f32 $1.000000000e+00;
	[tilespmem:$0x1FFA0] =	vst v58;
	v59 =	vmov s13;
	s8 =	simm.s32 @!p0 $0x0;
	p0 =	sgt.u32 s2, $0xB  }
0x17: {  	s11 =	simm.f32 $1.000000000e+00;
	[tilespmem:$0x1FFB0] =	vst v59;
	v60 =	vmov s14;
	s9 =	simm.s32 @!p0 $0x0;
	p0 =	sgt.u32 s2, $0xC  }
0x18: {  	v17 =	vimm.s32 $0x0;
	v18 =	vor.u32 $0x400, v14;
	s12 =	simm.f32 $1.000000000e+00;
	[tilespmem:$0x1FFC0] =	vst v60;
	v61 =	vmov s15;
	s10 =	simm.s32 @!p0 $0x0;
	p0 =	sgt.u32 s2, $0xD  }
0x19: {  	v19 =	vor.u32 $0x800, v14;
	v20 =	vor.u32 $0xC00, v14;
	s13 =	simm.s32 $0x0;
	[tilespmem:$0x1FFD0] =	vst v61;
	v62 =	vmov s16;
	s11 =	simm.s32 @!p0 $0x0;
	p0 =	seq.s32 s2, $0xF  }
0x1a: {  	[tilespmem:$0x1FFE0] =	vst v62;
	v63 =	vmov s17;
	v10 =	vmov s8;
	s8 =	simm.s32 $0x2000;
	v11 =	vmov s9;
	s9 =	simm.s32 $0x1;
	s12 =	simm.s32 @!p0 $0x0  }
0x1b: {  	[tilespmem:$0x1FFF0] =	vst v63;
	v12 =	vmov s10;
	s10 =	simm.s32 $0x21C0;
	v13 =	vmov s11;
	s11 =	simm.s32 $0x2080;
	v15 =	vmov s12;
	s12 =	simm.s32 $0x2100  }
.LBB2_1:
0x1c: {  	[tilespmem:s3], [sflag:$0x1] =	stream.linear.gather [hbm4b:s4+s3], $0x2000, $0x38;
	[tilespmem:$0x25C0] =	vst v63  }
0x1d: {  	_ =	swait.ge [sflag:s9], $0x2000  }
0x1e: {  	[sflag:s9] =	ssyncset.done $0x0  }
0x1f: {  	v0 =	vimm.f32 $0.0e+00;
	[sflag:s9] =	ssyncadd.s32 $0xFFFFE000  }
0x20: {  	v22 =	vor.u32 s9, v14;
	[tilespmem:$0x2000] =	vst v0  }
0x21: {  	[tilespmem:$0x2010] =	vst v0  }
0x22: {  	[tilespmem:$0x2020] =	vst v0  }
0x23: {  	[tilespmem:$0x2030] =	vst v0  }
0x24: {  	s14 =	simm.s32 $0x2;
	v21 =	vld.idx.msk [tilespmem:v14+s3+$0x0], $0xffff  }
0x25: {  	v24 =	vld.idx.msk [tilespmem:v22+s3+$0x0], $0xffff;
	v22 =	vor.u32 s14, v14;
	_ =	sdelay $0x4  }
0x26: {  	s15 =	simm.s32 $0x3;
	s16 =	simm.s32 $0x1;
	v23 =	vimm.s32 $0x0;
	v22 =	vld.idx.msk [tilespmem:v22+s3+$0x0], $0xffff;
	vm0 =	vgt.f32 v24, v21  }
.LBB2_2:
0x27: {  	p0 =	sne.s32 s15, $0x3F  }
0x28: {  	v25 =	vor.u32 s15, v14;
	v21 =	vsel vm0, v24, v21;
	v23 =	vsel vm0, s16, v23;
	s16 =	smov.u32 s14;
	s14 =	smov.u32 s15;
	s15 =	sadd.s32 $0x1, s15  }
.Ltmp0:
0x29: {  	(pc) =	sbr.rel @p0 .LBB2_2-.Ltmp0, $3  }
0x2a: {  	_ =	sdelay $0x1  }
0x2b: {  	s17 =	simm.s32 $0x0  }
0x2c: {  	vm0 =	vgt.f32 v22, v21;
	v24 =	vmov v22;
	v22 =	vld.idx.msk [tilespmem:v25+s17+$0x0], $0xffff  }
0x2d: {  	_ =	sdelay $0x1  }
0x2e: {  	v21 =	vsel vm0, v24, v21;
	v24 =	vmov s17;
	_ =	sdelay $0x1  }
0x2f: {  	v23 =	vsel vm0, s16, v23;
	vm0 =	vgt.f32 v22, v21  }
0x30: {  	v21 =	vsel vm0, s14, v23  }
0x31: {  	vm0 =	veq.s32 v21, s17  }
0x32: {  	v22 =	vld.idx.msk [tilespmem:v24+s8+$0x0], $0xffff;
	v25 =	vsel vm0, $0x1, v17  }
0x33: {  	v23 =	vmpcnt.ones.xlane vm0;
	(xrf0) =	vadd.scan.msk.s32 $0xffff, v25  }
0x34: {  	s31 =	simm.s32 $0x1  }
0x35: {  	v26 =	vmov s31;
	v23 =	vcvt.s32.f32 v23;
	_ =	sdelay $0x1  }
0x36: {  	v27 =	vadd.f32 v23, v22;
	_ =	sdelay $0x1  }
0x37: {  	[tilespmem:v24+s8+$0x0] =	vst.idx.msk $0x1, v27;
	v28, _, _ =	vpop (xrf0)  }
0x38: {  	vm1 =	veq.s32 v21, s31;
	v24 =	vld.idx.msk [tilespmem:v26+s8+$0x0], $0xffff;
	v27 =	vsub.s32 v28, v25  }
0x39: {  	v25 =	vsel vm1, $0x1, v17;
	v28 =	vmpcnt.ones.xlane vm1;
	v27 =	vcvt.s32.f32 v27  }
0x3a: {  	s15 =	simm.s32 $0x3;
	s14 =	simm.s32 $0x2;
	vm0 =	vmmov vm0;
	v23 =	vimm.f32 $0.0e+00;
	(xrf0) =	vadd.scan.msk.s32 $0xffff, v25  }
.LBB2_4:
0x3b: {  	p0 =	sne.s32 s15, $0x3F;
	v29 =	vmov s14;
	v28 =	vcvt.s32.f32 v28;
	v0 =	vadd.f32 v27, v22;
	_ =	sdelay $0x1  }
0x3c: {  	v22 =	vmovc v24;
	v1 =	vadd.f32 v28, v24;
	v23 =	vsel vm0, v0, v23;
	vm0 =	vmmov vm1;
	_ =	sdelay $0x1  }
.Ltmp1:
0x3d: {  	[tilespmem:v26+s8+$0x0] =	vst.idx.msk $0x1, v1;
	v26 =	vmov v29;
	(pc) =	sbr.rel @p0 .LBB2_4-.Ltmp1, $4  }
0x3e: {  	v24 =	vld.idx.msk [tilespmem:v29+s8+$0x0], $0xffff;
	v27, _, _ =	vpop (xrf0)  }
0x3f: {  	vm1 =	veq.s32 v21, s14;
	s14 =	smov.u32 s15;
	v27 =	vsub.s32 v27, v25  }
0x40: {  	v28 =	vmpcnt.ones.xlane vm1;
	v25 =	vsel vm1, $0x1, v17;
	v27 =	vcvt.s32.f32 v27  }
0x41: {  	s15 =	sadd.s32 $0x1, s15;
	(xrf0) =	vadd.scan.msk.s32 $0xffff, v25  }
0x42: {  	v29 =	vmov s14;
	v28 =	vcvt.s32.f32 v28;
	_ =	sdelay $0x1  }
0x43: {  	v28 =	vadd.f32 v28, v24;
	_ =	sdelay $0x1  }
0x44: {  	vm2 =	veq.s32 v21, s14;
	[tilespmem:v26+s8+$0x0] =	vst.idx.msk $0x1, v28  }
0x45: {  	v26 =	vsel vm2, $0x1, v17;
	v28 =	vld.idx.msk [tilespmem:v29+s8+$0x0], $0xffff  }
0x46: {  	v30 =	vmpcnt.ones.xlane vm2;
	(xrf0) =	vadd.scan.msk.s32 $0xffff, v26;
	_ =	sdelay $0x1  }
0x47: {  	s14 =	simm.s32 $0x1;
	v30 =	vcvt.s32.f32 v30  }
0x48: {  	v31 =	vor.u32 s14, v18  }
0x49: {  	v30 =	vadd.f32 v30, v28  }
0x4a: {  	v32, _, _ =	vpop (xrf0)  }
0x4b: {  	v61 =	vsub.s32 v32, v25;
	v62, _, _ =	vpop (xrf0);
	[tilespmem:v29+s8+$0x0] =	vst.idx.msk $0x1, v30  }
0x4c: {  	s16 =	simm.s32 $0x2;
	s15 =	simm.s32 $0x0;
	v29 =	vcvt.s32.f32 v61;
	v30 =	vsub.s32 v62, v26;
	v25 =	vld.idx.msk [tilespmem:v18+s3+$0x0], $0xffff  }
0x4d: {  	v22 =	vadd.f32 v27, v22;
	v63 =	vor.u32 s16, v18;
	v26 =	vld.idx.msk [tilespmem:v31+s15+$0x0], $0xffff;
	v27 =	vcvt.s32.f32 v30  }
0x4e: {  	v24 =	vadd.f32 v29, v24  }
0x4f: {  	v22 =	vsel vm0, v22, v23;
	vm0 =	vmmov vm1;
	v23 =	vadd.f32 v27, v28  }
0x50: {  	v22 =	vsel vm0, v24, v22;
	vm0 =	vmmov vm2  }
0x51: {  	v0 =	vsel vm0, v23, v22  }
0x52: {  	s17 =	simm.s32 $0x3;
	v24 =	vld.idx.msk [tilespmem:v63+s15+$0x0], $0xffff;
	v23 =	vimm.s32 $0x0;
	[tilespmem:$0x1FF50] =	vst v0;
	vm0 =	vgt.f32 v26, v25  }
.LBB2_6:
0x53: {  	p0 =	sne.s32 s17, $0x3F  }
0x54: {  	v27 =	vor.u32 s17, v18;
	v25 =	vsel vm0, v26, v25;
	v23 =	vsel vm0, s14, v23;
	s14 =	smov.u32 s16;
	s16 =	smov.u32 s17;
	s17 =	sadd.s32 $0x1, s17  }
.Ltmp2:
0x55: {  	(pc) =	sbr.rel @p0 .LBB2_6-.Ltmp2, $2  }
0x56: {  	_ =	sdelay $0x2  }
0x57: {  	vm0 =	vgt.f32 v24, v25;
	v26 =	vmov v24;
	v24 =	vld.idx.msk [tilespmem:v27+s15+$0x0], $0xffff  }
0x58: {  	_ =	sdelay $0x1  }
0x59: {  	v25 =	vsel vm0, v26, v25;
	v26 =	vmov s15;
	_ =	sdelay $0x1  }
0x5a: {  	v23 =	vsel vm0, s14, v23;
	vm0 =	vgt.f32 v24, v25  }
0x5b: {  	v23 =	vsel vm0, s16, v23  }
0x5c: {  	vm0 =	veq.s32 v23, s15  }
0x5d: {  	v24 =	vld.idx.msk [tilespmem:v26+s8+$0x0], $0xffff;
	v27 =	vsel vm0, $0x1, v17  }
0x5e: {  	v25 =	vmpcnt.ones.xlane vm0;
	(xrf0) =	vadd.scan.msk.s32 $0xffff, v27  }
0x5f: {  	s31 =	simm.s32 $0x1  }
0x60: {  	v28 =	vmov s31;
	v25 =	vcvt.s32.f32 v25;
	_ =	sdelay $0x1  }
0x61: {  	v29 =	vadd.f32 v25, v24;
	_ =	sdelay $0x1  }
0x62: {  	[tilespmem:v26+s8+$0x0] =	vst.idx.msk $0x1, v29;
	v30, _, _ =	vpop (xrf0)  }
0x63: {  	vm1 =	veq.s32 v23, s31;
	v26 =	vld.idx.msk [tilespmem:v28+s8+$0x0], $0xffff;
	v29 =	vsub.s32 v30, v27  }
0x64: {  	v27 =	vsel vm1, $0x1, v17;
	v30 =	vmpcnt.ones.xlane vm1;
	v29 =	vcvt.s32.f32 v29  }
0x65: {  	s14 =	simm.s32 $0x2;
	s15 =	simm.s32 $0x3;
	vm0 =	vmmov vm0;
	v25 =	vimm.f32 $0.0e+00;
	(xrf0) =	vadd.scan.msk.s32 $0xffff, v27  }
.LBB2_8:
0x66: {  	p0 =	sne.s32 s15, $0x3F;
	v31 =	vmov s14;
	v30 =	vcvt.s32.f32 v30;
	v0 =	vadd.f32 v29, v24;
	_ =	sdelay $0x1  }
0x67: {  	v24 =	vmovc v26;
	v1 =	vadd.f32 v30, v26;
	v25 =	vsel vm0, v0, v25;
	vm0 =	vmmov vm1;
	_ =	sdelay $0x1  }
.Ltmp3:
0x68: {  	[tilespmem:v28+s8+$0x0] =	vst.idx.msk $0x1, v1;
	v28 =	vmov v31;
	(pc) =	sbr.rel @p0 .LBB2_8-.Ltmp3, $4  }
0x69: {  	v26 =	vld.idx.msk [tilespmem:v31+s8+$0x0], $0xffff;
	v29, _, _ =	vpop (xrf0)  }
0x6a: {  	vm1 =	veq.s32 v23, s14;
	s14 =	smov.u32 s15;
	v29 =	vsub.s32 v29, v27  }
0x6b: {  	v30 =	vmpcnt.ones.xlane vm1;
	v27 =	vsel vm1, $0x1, v17;
	v29 =	vcvt.s32.f32 v29  }
0x6c: {  	s15 =	sadd.s32 $0x1, s15;
	(xrf0) =	vadd.scan.msk.s32 $0xffff, v27  }
0x6d: {  	v31 =	vmov s14;
	v30 =	vcvt.s32.f32 v30;
	_ =	sdelay $0x1  }
0x6e: {  	v30 =	vadd.f32 v30, v26;
	_ =	sdelay $0x1  }
0x6f: {  	vm2 =	veq.s32 v23, s14;
	[tilespmem:v28+s8+$0x0] =	vst.idx.msk $0x1, v30  }
0x70: {  	v28 =	vsel vm2, $0x1, v17;
	v30 =	vld.idx.msk [tilespmem:v31+s8+$0x0], $0xffff  }
0x71: {  	v32 =	vmpcnt.ones.xlane vm2;
	(xrf0) =	vadd.scan.msk.s32 $0xffff, v28;
	_ =	sdelay $0x1  }
0x72: {  	s14 =	simm.s32 $0x1;
	v32 =	vcvt.s32.f32 v32  }
0x73: {  	v33 =	vor.u32 s14, v19  }
0x74: {  	v32 =	vadd.f32 v32, v30  }
0x75: {  	v34, _, _ =	vpop (xrf0)  }
0x76: {  	v62, _, _ =	vpop (xrf0);
	[tilespmem:v31+s8+$0x0] =	vst.idx.msk $0x1, v32;
	v31 =	vsub.s32 v34, v27  }
0x77: {  	s16 =	simm.s32 $0x2;
	s15 =	simm.s32 $0x0;
	v32 =	vsub.s32 v62, v28;
	v27 =	vld.idx.msk [tilespmem:v19+s3+$0x0], $0xffff;
	v31 =	vcvt.s32.f32 v31  }
0x78: {  	v24 =	vadd.f32 v29, v24;
	v63 =	vor.u32 s16, v19;
	v28 =	vld.idx.msk [tilespmem:v33+s15+$0x0], $0xffff;
	v29 =	vcvt.s32.f32 v32  }
0x79: {  	v26 =	vadd.f32 v31, v26  }
0x7a: {  	v24 =	vsel vm0, v24, v25;
	vm0 =	vmmov vm1;
	v25 =	vadd.f32 v29, v30  }
0x7b: {  	v24 =	vsel vm0, v26, v24;
	vm0 =	vmmov vm2  }
0x7c: {  	v0 =	vsel vm0, v25, v24  }
0x7d: {  	s17 =	simm.s32 $0x3;
	v26 =	vld.idx.msk [tilespmem:v63+s15+$0x0], $0xffff;
	v25 =	vimm.s32 $0x0;
	vm0 =	vgt.f32 v28, v27;
	[tilespmem:$0x1FF40] =	vst v0  }
.LBB2_10:
0x7e: {  	p0 =	sne.s32 s17, $0x3F  }
0x7f: {  	v29 =	vor.u32 s17, v19;
	v27 =	vsel vm0, v28, v27;
	v25 =	vsel vm0, s14, v25;
	s14 =	smov.u32 s16;
	s16 =	smov.u32 s17;
	s17 =	sadd.s32 $0x1, s17  }
.Ltmp4:
0x80: {  	(pc) =	sbr.rel @p0 .LBB2_10-.Ltmp4, $2  }
0x81: {  	_ =	sdelay $0x2  }
0x82: {  	vm0 =	vgt.f32 v26, v27;
	v28 =	vmov v26;
	v26 =	vld.idx.msk [tilespmem:v29+s15+$0x0], $0xffff  }
0x83: {  	_ =	sdelay $0x1  }
0x84: {  	v27 =	vsel vm0, v28, v27;
	v28 =	vmov s15;
	_ =	sdelay $0x1  }
0x85: {  	v25 =	vsel vm0, s14, v25;
	vm0 =	vgt.f32 v26, v27  }
0x86: {  	v25 =	vsel vm0, s16, v25  }
0x87: {  	vm0 =	veq.s32 v25, s15  }
0x88: {  	v26 =	vld.idx.msk [tilespmem:v28+s8+$0x0], $0xffff;
	v29 =	vsel vm0, $0x1, v17  }
0x89: {  	v27 =	vmpcnt.ones.xlane vm0;
	(xrf0) =	vadd.scan.msk.s32 $0xffff, v29  }
0x8a: {  	s31 =	simm.s32 $0x1  }
0x8b: {  	v30 =	vmov s31;
	v27 =	vcvt.s32.f32 v27;
	_ =	sdelay $0x1  }
0x8c: {  	v31 =	vadd.f32 v27, v26;
	_ =	sdelay $0x1  }
0x8d: {  	[tilespmem:v28+s8+$0x0] =	vst.idx.msk $0x1, v31;
	v32, _, _ =	vpop (xrf0)  }
0x8e: {  	vm1 =	veq.s32 v25, s31;
	v28 =	vld.idx.msk [tilespmem:v30+s8+$0x0], $0xffff;
	v31 =	vsub.s32 v32, v29  }
0x8f: {  	v29 =	vsel vm1, $0x1, v17;
	v32 =	vmpcnt.ones.xlane vm1;
	v31 =	vcvt.s32.f32 v31  }
0x90: {  	s14 =	simm.s32 $0x2;
	s15 =	simm.s32 $0x3;
	vm0 =	vmmov vm0;
	v27 =	vimm.f32 $0.0e+00;
	(xrf0) =	vadd.scan.msk.s32 $0xffff, v29  }
.LBB2_12:
0x91: {  	p0 =	sne.s32 s15, $0x3F;
	v33 =	vmov s14;
	v32 =	vcvt.s32.f32 v32;
	v0 =	vadd.f32 v31, v26;
	_ =	sdelay $0x1  }
0x92: {  	v26 =	vmovc v28;
	v1 =	vadd.f32 v32, v28;
	v27 =	vsel vm0, v0, v27;
	vm0 =	vmmov vm1;
	_ =	sdelay $0x1  }
.Ltmp5:
0x93: {  	[tilespmem:v30+s8+$0x0] =	vst.idx.msk $0x1, v1;
	v30 =	vmov v33;
	(pc) =	sbr.rel @p0 .LBB2_12-.Ltmp5, $4  }
0x94: {  	v28 =	vld.idx.msk [tilespmem:v33+s8+$0x0], $0xffff;
	v31, _, _ =	vpop (xrf0)  }
0x95: {  	vm1 =	veq.s32 v25, s14;
	s14 =	smov.u32 s15;
	v31 =	vsub.s32 v31, v29  }
0x96: {  	v32 =	vmpcnt.ones.xlane vm1;
	v29 =	vsel vm1, $0x1, v17;
	v31 =	vcvt.s32.f32 v31  }
0x97: {  	s15 =	sadd.s32 $0x1, s15;
	(xrf0) =	vadd.scan.msk.s32 $0xffff, v29  }
0x98: {  	v33 =	vmov s14;
	v32 =	vcvt.s32.f32 v32;
	_ =	sdelay $0x1  }
0x99: {  	v32 =	vadd.f32 v32, v28;
	_ =	sdelay $0x1  }
0x9a: {  	vm2 =	veq.s32 v25, s14;
	[tilespmem:v30+s8+$0x0] =	vst.idx.msk $0x1, v32  }
0x9b: {  	v30 =	vsel vm2, $0x1, v17;
	v32 =	vld.idx.msk [tilespmem:v33+s8+$0x0], $0xffff  }
0x9c: {  	v34 =	vmpcnt.ones.xlane vm2;
	(xrf0) =	vadd.scan.msk.s32 $0xffff, v30;
	_ =	sdelay $0x1  }
0x9d: {  	s14 =	simm.s32 $0x1;
	v34 =	vcvt.s32.f32 v34  }
0x9e: {  	v35 =	vor.u32 s14, v20  }
0x9f: {  	v34 =	vadd.f32 v34, v32  }
0xa0: {  	v36, _, _ =	vpop (xrf0)  }
0xa1: {  	v61 =	vsub.s32 v36, v29;
	v62, _, _ =	vpop (xrf0);
	[tilespmem:v33+s8+$0x0] =	vst.idx.msk $0x1, v34  }
0xa2: {  	s16 =	simm.s32 $0x2;
	s15 =	simm.s32 $0x0;
	v33 =	vcvt.s32.f32 v61;
	v34 =	vsub.s32 v62, v30;
	v29 =	vld.idx.msk [tilespmem:v20+s3+$0x0], $0xffff  }
0xa3: {  	v26 =	vadd.f32 v31, v26;
	v63 =	vor.u32 s16, v20;
	v30 =	vld.idx.msk [tilespmem:v35+s15+$0x0], $0xffff;
	v31 =	vcvt.s32.f32 v34  }
0xa4: {  	v28 =	vadd.f32 v33, v28  }
0xa5: {  	v26 =	vsel vm0, v26, v27;
	vm0 =	vmmov vm1;
	v27 =	vadd.f32 v31, v32  }
0xa6: {  	v26 =	vsel vm0, v28, v26;
	vm0 =	vmmov vm2  }
0xa7: {  	v0 =	vsel vm0, v27, v26  }
0xa8: {  	s17 =	simm.s32 $0x3;
	v28 =	vld.idx.msk [tilespmem:v63+s15+$0x0], $0xffff;
	v27 =	vimm.s32 $0x0;
	[tilespmem:$0x1FF30] =	vst v0;
	vm0 =	vgt.f32 v30, v29  }
.LBB2_14:
0xa9: {  	p0 =	sne.s32 s17, $0x3F  }
0xaa: {  	v31 =	vor.u32 s17, v20;
	v29 =	vsel vm0, v30, v29;
	v27 =	vsel vm0, s14, v27;
	s14 =	smov.u32 s16;
	s16 =	smov.u32 s17;
	s17 =	sadd.s32 $0x1, s17  }
.Ltmp6:
0xab: {  	(pc) =	sbr.rel @p0 .LBB2_14-.Ltmp6, $2  }
0xac: {  	_ =	sdelay $0x2  }
0xad: {  	vm0 =	vgt.f32 v28, v29;
	v30 =	vmov v28;
	v28 =	vld.idx.msk [tilespmem:v31+s15+$0x0], $0xffff  }
0xae: {  	_ =	sdelay $0x1  }
0xaf: {  	v29 =	vsel vm0, v30, v29;
	v30 =	vmov s15;
	_ =	sdelay $0x1  }
0xb0: {  	v27 =	vsel vm0, s14, v27;
	vm0 =	vgt.f32 v28, v29  }
0xb1: {  	v27 =	vsel vm0, s16, v27  }
0xb2: {  	vm0 =	veq.s32 v27, s15  }
0xb3: {  	v28 =	vld.idx.msk [tilespmem:v30+s8+$0x0], $0xffff;
	v31 =	vsel vm0, $0x1, v17  }
0xb4: {  	v29 =	vmpcnt.ones.xlane vm0;
	(xrf0) =	vadd.scan.msk.s32 $0xffff, v31  }
0xb5: {  	s31 =	simm.s32 $0x1  }
0xb6: {  	v32 =	vmov s31;
	v29 =	vcvt.s32.f32 v29;
	_ =	sdelay $0x1  }
0xb7: {  	v33 =	vadd.f32 v29, v28;
	_ =	sdelay $0x1  }
0xb8: {  	[tilespmem:v30+s8+$0x0] =	vst.idx.msk $0x1, v33;
	v34, _, _ =	vpop (xrf0)  }
0xb9: {  	vm1 =	veq.s32 v27, s31;
	v30 =	vld.idx.msk [tilespmem:v32+s8+$0x0], $0xffff;
	v63 =	vsub.s32 v34, v31  }
0xba: {  	v31 =	vsel vm1, $0x1, v17;
	v34 =	vmpcnt.ones.xlane vm1;
	v33 =	vcvt.s32.f32 v63  }
0xbb: {  	s14 =	simm.s32 $0x2;
	s15 =	simm.s32 $0x3;
	vm0 =	vmmov vm0;
	v29 =	vimm.f32 $0.0e+00;
	(xrf0) =	vadd.scan.msk.s32 $0xffff, v31  }
.LBB2_16:
0xbc: {  	p0 =	sne.s32 s15, $0x3F;
	v35 =	vmov s14;
	v34 =	vcvt.s32.f32 v34;
	v0 =	vadd.f32 v33, v28;
	_ =	sdelay $0x1  }
0xbd: {  	v28 =	vmovc v30;
	v1 =	vadd.f32 v34, v30;
	v29 =	vsel vm0, v0, v29;
	vm0 =	vmmov vm1;
	_ =	sdelay $0x1  }
.Ltmp7:
0xbe: {  	[tilespmem:v32+s8+$0x0] =	vst.idx.msk $0x1, v1;
	v32 =	vmov v35;
	(pc) =	sbr.rel @p0 .LBB2_16-.Ltmp7, $4  }
0xbf: {  	v30 =	vld.idx.msk [tilespmem:v35+s8+$0x0], $0xffff;
	v33, _, _ =	vpop (xrf0)  }
0xc0: {  	vm1 =	veq.s32 v27, s14;
	s14 =	smov.u32 s15;
	v33 =	vsub.s32 v33, v31  }
0xc1: {  	v34 =	vmpcnt.ones.xlane vm1;
	v31 =	vsel vm1, $0x1, v17;
	v33 =	vcvt.s32.f32 v33  }
0xc2: {  	s15 =	sadd.s32 $0x1, s15;
	(xrf0) =	vadd.scan.msk.s32 $0xffff, v31  }
0xc3: {  	v35 =	vmov s14;
	v34 =	vcvt.s32.f32 v34;
	_ =	sdelay $0x1  }
0xc4: {  	v34 =	vadd.f32 v34, v30;
	_ =	sdelay $0x1  }
0xc5: {  	vm2 =	veq.s32 v27, s14;
	[tilespmem:v32+s8+$0x0] =	vst.idx.msk $0x1, v34  }
0xc6: {  	v58 =	vsel vm2, $0x1, v17;
	v36 =	vld.idx.msk [tilespmem:v35+s8+$0x0], $0xffff  }
0xc7: {  	v59 =	vmpcnt.ones.xlane vm2;
	(xrf0) =	vadd.scan.msk.s32 $0xffff, v58;
	_ =	sdelay $0x1  }
0xc8: {  	s14 =	simm.s32 $0x1;
	v37 =	vcvt.s32.f32 v59;
	v32 =	vor.u32 $0x1000, v14  }
0xc9: {  	v38 =	vor.u32 s14, v32  }
0xca: {  	v37 =	vadd.f32 v37, v36  }
0xcb: {  	v39, _, _ =	vpop (xrf0)  }
0xcc: {  	v60 =	vsub.s32 v39, v31;
	v61, _, _ =	vpop (xrf0);
	[tilespmem:v35+s8+$0x0] =	vst.idx.msk $0x1, v37  }
0xcd: {  	s16 =	simm.s32 $0x2;
	s15 =	simm.s32 $0x0;
	v35 =	vcvt.s32.f32 v60;
	v37 =	vsub.s32 v61, v58;
	v31 =	vld.idx.msk [tilespmem:v32+s3+$0x0], $0xffff  }
0xce: {  	v28 =	vadd.f32 v33, v28;
	v62 =	vor.u32 s16, v32;
	v34 =	vld.idx.msk [tilespmem:v38+s15+$0x0], $0xffff;
	v63 =	vcvt.s32.f32 v37  }
0xcf: {  	v30 =	vadd.f32 v35, v30  }
0xd0: {  	v28 =	vsel vm0, v28, v29;
	vm0 =	vmmov vm1;
	v29 =	vadd.f32 v63, v36  }
0xd1: {  	v28 =	vsel vm0, v30, v28;
	vm0 =	vmmov vm2  }
0xd2: {  	v0 =	vsel vm0, v29, v28  }
0xd3: {  	s17 =	simm.s32 $0x3;
	v30 =	vld.idx.msk [tilespmem:v62+s15+$0x0], $0xffff;
	v29 =	vimm.s32 $0x0;
	[tilespmem:$0x1FF20] =	vst v0;
	vm0 =	vgt.f32 v34, v31  }
.LBB2_18:
0xd4: {  	p0 =	sne.s32 s17, $0x3F  }
0xd5: {  	v33 =	vor.u32 s17, v32;
	v31 =	vsel vm0, v34, v31;
	v29 =	vsel vm0, s14, v29;
	s14 =	smov.u32 s16;
	s16 =	smov.u32 s17;
	s17 =	sadd.s32 $0x1, s17  }
.Ltmp8:
0xd6: {  	(pc) =	sbr.rel @p0 .LBB2_18-.Ltmp8, $2  }
0xd7: {  	_ =	sdelay $0x2  }
0xd8: {  	vm0 =	vgt.f32 v30, v31;
	v34 =	vmov v30;
	v30 =	vld.idx.msk [tilespmem:v33+s15+$0x0], $0xffff  }
0xd9: {  	_ =	sdelay $0x1  }
0xda: {  	v32 =	vmov s15  }
0xdb: {  	v31 =	vsel vm0, v34, v31  }
0xdc: {  	v29 =	vsel vm0, s14, v29;
	vm0 =	vgt.f32 v30, v31  }
0xdd: {  	v29 =	vsel vm0, s16, v29  }
0xde: {  	vm0 =	veq.s32 v29, s15  }
0xdf: {  	v30 =	vld.idx.msk [tilespmem:v32+s8+$0x0], $0xffff;
	v33 =	vsel vm0, $0x1, v17  }
0xe0: {  	v31 =	vmpcnt.ones.xlane vm0;
	(xrf0) =	vadd.scan.msk.s32 $0xffff, v33  }
0xe1: {  	s31 =	simm.s32 $0x1  }
0xe2: {  	v34 =	vmov s31;
	v31 =	vcvt.s32.f32 v31;
	_ =	sdelay $0x1  }
0xe3: {  	v35 =	vadd.f32 v31, v30;
	_ =	sdelay $0x1  }
0xe4: {  	[tilespmem:v32+s8+$0x0] =	vst.idx.msk $0x1, v35;
	v36, _, _ =	vpop (xrf0)  }
0xe5: {  	vm1 =	veq.s32 v29, s31;
	v32 =	vld.idx.msk [tilespmem:v34+s8+$0x0], $0xffff;
	v63 =	vsub.s32 v36, v33  }
0xe6: {  	v33 =	vsel vm1, $0x1, v17;
	v36 =	vmpcnt.ones.xlane vm1;
	v35 =	vcvt.s32.f32 v63  }
0xe7: {  	s14 =	simm.s32 $0x2;
	s15 =	simm.s32 $0x3;
	vm0 =	vmmov vm0;
	v31 =	vimm.f32 $0.0e+00;
	(xrf0) =	vadd.scan.msk.s32 $0xffff, v33  }
.LBB2_20:
0xe8: {  	p0 =	sne.s32 s15, $0x3F;
	v37 =	vmov s14;
	v36 =	vcvt.s32.f32 v36;
	v0 =	vadd.f32 v35, v30;
	_ =	sdelay $0x1  }
0xe9: {  	v30 =	vmovc v32;
	v1 =	vadd.f32 v36, v32;
	v31 =	vsel vm0, v0, v31;
	vm0 =	vmmov vm1;
	_ =	sdelay $0x1  }
.Ltmp9:
0xea: {  	[tilespmem:v34+s8+$0x0] =	vst.idx.msk $0x1, v1;
	v34 =	vmov v37;
	(pc) =	sbr.rel @p0 .LBB2_20-.Ltmp9, $4  }
0xeb: {  	v32 =	vld.idx.msk [tilespmem:v37+s8+$0x0], $0xffff;
	v35, _, _ =	vpop (xrf0)  }
0xec: {  	vm1 =	veq.s32 v29, s14;
	s14 =	smov.u32 s15;
	v35 =	vsub.s32 v35, v33  }
0xed: {  	v36 =	vmpcnt.ones.xlane vm1;
	v33 =	vsel vm1, $0x1, v17;
	v35 =	vcvt.s32.f32 v35  }
0xee: {  	s15 =	sadd.s32 $0x1, s15;
	(xrf0) =	vadd.scan.msk.s32 $0xffff, v33  }
0xef: {  	v37 =	vmov s14;
	v36 =	vcvt.s32.f32 v36;
	_ =	sdelay $0x1  }
0xf0: {  	v36 =	vadd.f32 v36, v32;
	_ =	sdelay $0x1  }
0xf1: {  	[tilespmem:v34+s8+$0x0] =	vst.idx.msk $0x1, v36  }
0xf2: {  	vm2 =	veq.s32 v29, s14;
	v38 =	vld.idx.msk [tilespmem:v37+s8+$0x0], $0xffff  }
0xf3: {  	v57 =	vsel vm2, $0x1, v17;
	v58 =	vmpcnt.ones.xlane vm2  }
0xf4: {  	(xrf0) =	vadd.scan.msk.s32 $0xffff, v57  }
0xf5: {  	s14 =	simm.s32 $0x1;
	v39 =	vcvt.s32.f32 v58;
	v34 =	vor.u32 $0x1400, v14  }
0xf6: {  	v40 =	vor.u32 s14, v34  }
0xf7: {  	v39 =	vadd.f32 v39, v38;
	_ =	sdelay $0x1  }
0xf8: {  	v41, _, _ =	vpop (xrf0);
	[tilespmem:v37+s8+$0x0] =	vst.idx.msk $0x1, v39  }
0xf9: {  	s16 =	simm.s32 $0x2;
	s15 =	simm.s32 $0x0;
	v59 =	vsub.s32 v41, v33;
	v60, _, _ =	vpop (xrf0);
	v33 =	vld.idx.msk [tilespmem:v34+s3+$0x0], $0xffff  }
0xfa: {  	v61 =	vor.u32 s16, v34;
	v37 =	vcvt.s32.f32 v59;
	v39 =	vsub.s32 v60, v57;
	v36 =	vld.idx.msk [tilespmem:v40+s15+$0x0], $0xffff  }
0xfb: {  	v30 =	vadd.f32 v35, v30;
	v62 =	vcvt.s32.f32 v39  }
0xfc: {  	v63 =	vadd.f32 v37, v32  }
0xfd: {  	v30 =	vsel vm0, v30, v31;
	vm0 =	vmmov vm1;
	v31 =	vadd.f32 v62, v38  }
0xfe: {  	v30 =	vsel vm0, v63, v30;
	vm0 =	vmmov vm2  }
0xff: {  	s17 =	simm.s32 $0x3;
	v32 =	vld.idx.msk [tilespmem:v61+s15+$0x0], $0xffff;
	v30 =	vsel vm0, v31, v30;
	v31 =	vimm.s32 $0x0;
	vm0 =	vgt.f32 v36, v33  }
.LBB2_22:
0x100: {  	p0 =	sne.s32 s17, $0x3F  }
0x101: {  	v35 =	vor.u32 s17, v34;
	v33 =	vsel vm0, v36, v33;
	v31 =	vsel vm0, s14, v31;
	s14 =	smov.u32 s16;
	s16 =	smov.u32 s17;
	s17 =	sadd.s32 $0x1, s17  }
.Ltmp10:
0x102: {  	(pc) =	sbr.rel @p0 .LBB2_22-.Ltmp10, $2  }
0x103: {  	_ =	sdelay $0x2  }
0x104: {  	vm0 =	vgt.f32 v32, v33;
	v36 =	vmov v32;
	v32 =	vld.idx.msk [tilespmem:v35+s15+$0x0], $0xffff  }
0x105: {  	_ =	sdelay $0x1  }
0x106: {  	v34 =	vmov s15  }
0x107: {  	v33 =	vsel vm0, v36, v33  }
0x108: {  	v31 =	vsel vm0, s14, v31;
	vm0 =	vgt.f32 v32, v33  }
0x109: {  	v31 =	vsel vm0, s16, v31  }
0x10a: {  	vm0 =	veq.s32 v31, s15  }
0x10b: {  	v32 =	vld.idx.msk [tilespmem:v34+s8+$0x0], $0xffff;
	v35 =	vsel vm0, $0x1, v17  }
0x10c: {  	v62 =	vmpcnt.ones.xlane vm0;
	(xrf0) =	vadd.scan.msk.s32 $0xffff, v35  }
0x10d: {  	s31 =	simm.s32 $0x1  }
0x10e: {  	v36 =	vmov s31;
	v33 =	vcvt.s32.f32 v62;
	_ =	sdelay $0x1  }
0x10f: {  	v37 =	vadd.f32 v33, v32;
	_ =	sdelay $0x1  }
0x110: {  	[tilespmem:v34+s8+$0x0] =	vst.idx.msk $0x1, v37;
	v38, _, _ =	vpop (xrf0)  }
0x111: {  	vm1 =	veq.s32 v31, s31;
	v34 =	vld.idx.msk [tilespmem:v36+s8+$0x0], $0xffff;
	v63 =	vsub.s32 v38, v35  }
0x112: {  	v35 =	vsel vm1, $0x1, v17;
	v38 =	vmpcnt.ones.xlane vm1;
	v37 =	vcvt.s32.f32 v63  }
0x113: {  	s14 =	simm.s32 $0x2;
	s15 =	simm.s32 $0x3;
	vm0 =	vmmov vm0;
	v33 =	vimm.f32 $0.0e+00;
	(xrf0) =	vadd.scan.msk.s32 $0xffff, v35  }
.LBB2_24:
0x114: {  	p0 =	sne.s32 s15, $0x3F;
	v39 =	vmov s14;
	v38 =	vcvt.s32.f32 v38;
	v0 =	vadd.f32 v37, v32;
	_ =	sdelay $0x1  }
0x115: {  	v32 =	vmovc v34;
	v1 =	vadd.f32 v38, v34;
	v33 =	vsel vm0, v0, v33;
	vm0 =	vmmov vm1;
	_ =	sdelay $0x1  }
.Ltmp11:
0x116: {  	[tilespmem:v36+s8+$0x0] =	vst.idx.msk $0x1, v1;
	v36 =	vmov v39;
	(pc) =	sbr.rel @p0 .LBB2_24-.Ltmp11, $4  }
0x117: {  	v34 =	vld.idx.msk [tilespmem:v39+s8+$0x0], $0xffff;
	v37, _, _ =	vpop (xrf0)  }
0x118: {  	vm1 =	veq.s32 v31, s14;
	s14 =	smov.u32 s15;
	v37 =	vsub.s32 v37, v35  }
0x119: {  	v38 =	vmpcnt.ones.xlane vm1;
	v35 =	vsel vm1, $0x1, v17;
	v37 =	vcvt.s32.f32 v37  }
0x11a: {  	s15 =	sadd.s32 $0x1, s15;
	(xrf0) =	vadd.scan.msk.s32 $0xffff, v35  }
0x11b: {  	v39 =	vmov s14;
	v38 =	vcvt.s32.f32 v38;
	_ =	sdelay $0x1  }
0x11c: {  	v38 =	vadd.f32 v38, v34;
	_ =	sdelay $0x1  }
0x11d: {  	[tilespmem:v36+s8+$0x0] =	vst.idx.msk $0x1, v38  }
0x11e: {  	vm2 =	veq.s32 v31, s14;
	v40 =	vld.idx.msk [tilespmem:v39+s8+$0x0], $0xffff  }
0x11f: {  	v56 =	vsel vm2, $0x1, v17;
	v57 =	vmpcnt.ones.xlane vm2  }
0x120: {  	(xrf0) =	vadd.scan.msk.s32 $0xffff, v56  }
0x121: {  	s14 =	simm.s32 $0x1;
	v41 =	vcvt.s32.f32 v57;
	v36 =	vor.u32 $0x1800, v14  }
0x122: {  	v42 =	vor.u32 s14, v36  }
0x123: {  	v41 =	vadd.f32 v41, v40;
	_ =	sdelay $0x1  }
0x124: {  	v43, _, _ =	vpop (xrf0);
	[tilespmem:v39+s8+$0x0] =	vst.idx.msk $0x1, v41  }
0x125: {  	s16 =	simm.s32 $0x2;
	s15 =	simm.s32 $0x0;
	v58 =	vsub.s32 v43, v35;
	v59, _, _ =	vpop (xrf0);
	v35 =	vld.idx.msk [tilespmem:v36+s3+$0x0], $0xffff  }
0x126: {  	v60 =	vor.u32 s16, v36;
	v39 =	vcvt.s32.f32 v58;
	v41 =	vsub.s32 v59, v56;
	v38 =	vld.idx.msk [tilespmem:v42+s15+$0x0], $0xffff  }
0x127: {  	v32 =	vadd.f32 v37, v32;
	v61 =	vcvt.s32.f32 v41  }
0x128: {  	v62 =	vadd.f32 v39, v34  }
0x129: {  	v32 =	vsel vm0, v32, v33;
	vm0 =	vmmov vm1;
	v63 =	vadd.f32 v61, v40  }
0x12a: {  	v32 =	vsel vm0, v62, v32;
	vm0 =	vmmov vm2  }
0x12b: {  	s17 =	simm.s32 $0x3;
	v33 =	vimm.s32 $0x0;
	v34 =	vld.idx.msk [tilespmem:v60+s15+$0x0], $0xffff;
	v32 =	vsel vm0, v63, v32;
	vm0 =	vgt.f32 v38, v35  }
.LBB2_26:
0x12c: {  	p0 =	sne.s32 s17, $0x3F  }
0x12d: {  	v37 =	vor.u32 s17, v36;
	v35 =	vsel vm0, v38, v35;
	v33 =	vsel vm0, s14, v33;
	s14 =	smov.u32 s16;
	s16 =	smov.u32 s17;
	s17 =	sadd.s32 $0x1, s17  }
.Ltmp12:
0x12e: {  	(pc) =	sbr.rel @p0 .LBB2_26-.Ltmp12, $2  }
0x12f: {  	_ =	sdelay $0x2  }
0x130: {  	vm0 =	vgt.f32 v34, v35;
	v38 =	vmov v34;
	v34 =	vld.idx.msk [tilespmem:v37+s15+$0x0], $0xffff  }
0x131: {  	_ =	sdelay $0x1  }
0x132: {  	v36 =	vmov s15  }
0x133: {  	v35 =	vsel vm0, v38, v35  }
0x134: {  	v33 =	vsel vm0, s14, v33;
	vm0 =	vgt.f32 v34, v35  }
0x135: {  	v33 =	vsel vm0, s16, v33  }
0x136: {  	vm0 =	veq.s32 v33, s15  }
0x137: {  	v34 =	vld.idx.msk [tilespmem:v36+s8+$0x0], $0xffff;
	v37 =	vsel vm0, $0x1, v17  }
0x138: {  	v62 =	vmpcnt.ones.xlane vm0;
	(xrf0) =	vadd.scan.msk.s32 $0xffff, v37  }
0x139: {  	s31 =	simm.s32 $0x1  }
0x13a: {  	v38 =	vmov s31;
	v35 =	vcvt.s32.f32 v62;
	_ =	sdelay $0x1  }
0x13b: {  	v39 =	vadd.f32 v35, v34;
	_ =	sdelay $0x1  }
0x13c: {  	[tilespmem:v36+s8+$0x0] =	vst.idx.msk $0x1, v39;
	v40, _, _ =	vpop (xrf0)  }
0x13d: {  	vm1 =	veq.s32 v33, s31;
	v36 =	vld.idx.msk [tilespmem:v38+s8+$0x0], $0xffff;
	v63 =	vsub.s32 v40, v37  }
0x13e: {  	v37 =	vsel vm1, $0x1, v17;
	v40 =	vmpcnt.ones.xlane vm1;
	v39 =	vcvt.s32.f32 v63  }
0x13f: {  	s14 =	simm.s32 $0x2;
	s15 =	simm.s32 $0x3;
	vm0 =	vmmov vm0;
	v35 =	vimm.f32 $0.0e+00;
	(xrf0) =	vadd.scan.msk.s32 $0xffff, v37  }
.LBB2_28:
0x140: {  	p0 =	sne.s32 s15, $0x3F;
	v41 =	vmov s14;
	v40 =	vcvt.s32.f32 v40;
	v0 =	vadd.f32 v39, v34;
	_ =	sdelay $0x1  }
0x141: {  	v34 =	vmovc v36;
	v1 =	vadd.f32 v40, v36;
	v35 =	vsel vm0, v0, v35;
	vm0 =	vmmov vm1;
	_ =	sdelay $0x1  }
.Ltmp13:
0x142: {  	[tilespmem:v38+s8+$0x0] =	vst.idx.msk $0x1, v1;
	v38 =	vmov v41;
	(pc) =	sbr.rel @p0 .LBB2_28-.Ltmp13, $4  }
0x143: {  	v36 =	vld.idx.msk [tilespmem:v41+s8+$0x0], $0xffff;
	v39, _, _ =	vpop (xrf0)  }
0x144: {  	vm1 =	veq.s32 v33, s14;
	s14 =	smov.u32 s15;
	v39 =	vsub.s32 v39, v37  }
0x145: {  	v40 =	vmpcnt.ones.xlane vm1;
	v37 =	vsel vm1, $0x1, v17;
	v39 =	vcvt.s32.f32 v39  }
0x146: {  	s15 =	sadd.s32 $0x1, s15;
	(xrf0) =	vadd.scan.msk.s32 $0xffff, v37  }
0x147: {  	v41 =	vmov s14;
	v40 =	vcvt.s32.f32 v40;
	_ =	sdelay $0x1  }
0x148: {  	v40 =	vadd.f32 v40, v36;
	_ =	sdelay $0x1  }
0x149: {  	[tilespmem:v38+s8+$0x0] =	vst.idx.msk $0x1, v40  }
0x14a: {  	vm2 =	veq.s32 v33, s14;
	v42 =	vld.idx.msk [tilespmem:v41+s8+$0x0], $0xffff  }
0x14b: {  	v56 =	vsel vm2, $0x1, v17;
	v57 =	vmpcnt.ones.xlane vm2  }
0x14c: {  	(xrf0) =	vadd.scan.msk.s32 $0xffff, v56  }
0x14d: {  	s14 =	simm.s32 $0x1;
	v43 =	vcvt.s32.f32 v57;
	v38 =	vor.u32 $0x1C00, v14  }
0x14e: {  	v44 =	vor.u32 s14, v38  }
0x14f: {  	v43 =	vadd.f32 v43, v42;
	_ =	sdelay $0x1  }
0x150: {  	v45, _, _ =	vpop (xrf0);
	[tilespmem:v41+s8+$0x0] =	vst.idx.msk $0x1, v43  }
0x151: {  	s16 =	simm.s32 $0x2;
	s15 =	simm.s32 $0x0;
	v58 =	vsub.s32 v45, v37;
	v59, _, _ =	vpop (xrf0);
	v37 =	vld.idx.msk [tilespmem:v38+s3+$0x0], $0xffff  }
0x152: {  	v60 =	vor.u32 s16, v38;
	v41 =	vcvt.s32.f32 v58;
	v43 =	vsub.s32 v59, v56;
	v40 =	vld.idx.msk [tilespmem:v44+s15+$0x0], $0xffff  }
0x153: {  	v34 =	vadd.f32 v39, v34;
	v61 =	vcvt.s32.f32 v43  }
0x154: {  	v62 =	vadd.f32 v41, v36  }
0x155: {  	v34 =	vsel vm0, v34, v35;
	vm0 =	vmmov vm1;
	v63 =	vadd.f32 v61, v42  }
0x156: {  	v34 =	vsel vm0, v62, v34;
	vm0 =	vmmov vm2  }
0x157: {  	s17 =	simm.s32 $0x3;
	v35 =	vimm.s32 $0x0;
	v36 =	vld.idx.msk [tilespmem:v60+s15+$0x0], $0xffff;
	v34 =	vsel vm0, v63, v34;
	vm0 =	vgt.f32 v40, v37  }
.LBB2_30:
0x158: {  	p0 =	sne.s32 s17, $0x3F  }
0x159: {  	v39 =	vor.u32 s17, v38;
	v37 =	vsel vm0, v40, v37;
	v35 =	vsel vm0, s14, v35;
	s14 =	smov.u32 s16;
	s16 =	smov.u32 s17;
	s17 =	sadd.s32 $0x1, s17  }
.Ltmp14:
0x15a: {  	(pc) =	sbr.rel @p0 .LBB2_30-.Ltmp14, $2  }
0x15b: {  	_ =	sdelay $0x2  }
0x15c: {  	vm0 =	vgt.f32 v36, v37;
	v40 =	vmov v36;
	v36 =	vld.idx.msk [tilespmem:v39+s15+$0x0], $0xffff  }
0x15d: {  	_ =	sdelay $0x1  }
0x15e: {  	v38 =	vmov s15  }
0x15f: {  	v37 =	vsel vm0, v40, v37  }
0x160: {  	v35 =	vsel vm0, s14, v35;
	vm0 =	vgt.f32 v36, v37  }
0x161: {  	v35 =	vsel vm0, s16, v35  }
0x162: {  	vm0 =	veq.s32 v35, s15  }
0x163: {  	v36 =	vld.idx.msk [tilespmem:v38+s8+$0x0], $0xffff;
	v39 =	vsel vm0, $0x1, v17  }
0x164: {  	v61 =	vmpcnt.ones.xlane vm0;
	(xrf0) =	vadd.scan.msk.s32 $0xffff, v39  }
0x165: {  	s31 =	simm.s32 $0x1  }
0x166: {  	v41 =	vmov s31;
	v37 =	vcvt.s32.f32 v61;
	_ =	sdelay $0x1  }
0x167: {  	v62 =	vadd.f32 v37, v36;
	_ =	sdelay $0x1  }
0x168: {  	[tilespmem:v38+s8+$0x0] =	vst.idx.msk $0x1, v62;
	v42, _, _ =	vpop (xrf0)  }
0x169: {  	vm1 =	veq.s32 v35, s31;
	v38 =	vld.idx.msk [tilespmem:v41+s8+$0x0], $0xffff;
	v63 =	vsub.s32 v42, v39  }
0x16a: {  	v39 =	vsel vm1, $0x1, v17;
	v42 =	vmpcnt.ones.xlane vm1;
	v40 =	vcvt.s32.f32 v63  }
0x16b: {  	s14 =	simm.s32 $0x2;
	s15 =	simm.s32 $0x3;
	vm0 =	vmmov vm0;
	v37 =	vimm.f32 $0.0e+00;
	(xrf0) =	vadd.scan.msk.s32 $0xffff, v39  }
.LBB2_32:
0x16c: {  	p0 =	sne.s32 s15, $0x3F;
	v43 =	vmov s14;
	v42 =	vcvt.s32.f32 v42;
	v0 =	vadd.f32 v40, v36;
	_ =	sdelay $0x1  }
0x16d: {  	v36 =	vmovc v38;
	v1 =	vadd.f32 v42, v38;
	v37 =	vsel vm0, v0, v37;
	vm0 =	vmmov vm1;
	_ =	sdelay $0x1  }
.Ltmp15:
0x16e: {  	[tilespmem:v41+s8+$0x0] =	vst.idx.msk $0x1, v1;
	v41 =	vmov v43;
	(pc) =	sbr.rel @p0 .LBB2_32-.Ltmp15, $4  }
0x16f: {  	v38 =	vld.idx.msk [tilespmem:v43+s8+$0x0], $0xffff;
	v40, _, _ =	vpop (xrf0)  }
0x170: {  	vm1 =	veq.s32 v35, s14;
	s14 =	smov.u32 s15;
	v40 =	vsub.s32 v40, v39  }
0x171: {  	v42 =	vmpcnt.ones.xlane vm1;
	v39 =	vsel vm1, $0x1, v17;
	v40 =	vcvt.s32.f32 v40  }
0x172: {  	s15 =	sadd.s32 $0x1, s15;
	(xrf0) =	vadd.scan.msk.s32 $0xffff, v39  }
0x173: {  	v43 =	vmov s14;
	v42 =	vcvt.s32.f32 v42;
	_ =	sdelay $0x1  }
0x174: {  	v42 =	vadd.f32 v42, v38;
	_ =	sdelay $0x1  }
0x175: {  	[tilespmem:v41+s8+$0x0] =	vst.idx.msk $0x1, v42  }
0x176: {  	vm2 =	veq.s32 v35, s14;
	v41 =	vld.idx.msk [tilespmem:v43+s8+$0x0], $0xffff  }
0x177: {  	v44 =	vmpcnt.ones.xlane vm2;
	v42 =	vsel vm2, $0x1, v17  }
0x178: {  	(xrf0) =	vadd.scan.msk.s32 $0xffff, v42  }
0x179: {  	v44 =	vcvt.s32.f32 v44;
	_ =	sdelay $0x1  }
0x17a: {  	v45 =	vadd.f32 v44, v41;
	_ =	sdelay $0x1  }
0x17b: {  	v44, _, _ =	vpop (xrf0);
	[tilespmem:v43+s8+$0x0] =	vst.idx.msk $0x1, v45  }
0x17c: {  	v43, _, _ =	vpop (xrf0);
	[spmem:s5] =	stream.linear.scatter [tilespmem:s8], [sflag:$0x1], $0x40, $0x38;
	[tilespmem:$0x25C0] =	vst v63  }
0x17d: {  	_ =	swait.ge [sflag:s9], $0x40  }
0x17e: {  	[sflag:s9] =	ssyncset.done $0x0  }
0x17f: {  	[sflag:s9] =	ssyncadd.s32 $0xFFFFFFC0  }
0x180: {  	[bflag:$0x0] =	sbarrier.arrive $0xFFFF  }
0x181: {  	[tilespmem:s10], [sflag:$0x1] =	stream.linear.gather [spmem:s1], $0x400, $0x38;
	[tilespmem:$0x25C0] =	vst v63  }
0x182: {  	_ =	swait.ge [sflag:s9], $0x400  }
0x183: {  	v1 =	vld [tilespmem:$0x1FF60]  }
0x184: {  	v2 =	vld [tilespmem:$0x1FF70]  }
0x185: {  	v3 =	vld [tilespmem:$0x1FF80]  }
0x186: {  	v4 =	vld [tilespmem:$0x1FF90]  }
0x187: {  	[sflag:s9] =	ssyncset.done $0x0;
	v8 =	vld [tilespmem:$0x1FFD0]  }
0x188: {  	v9 =	vld [tilespmem:$0x1FFE0];
	[sflag:s9] =	ssyncadd.s32 $0xFFFFFC00  }
0x189: {  	v48 =	vld [tilespmem:$0x21C0]  }
0x18a: {  	v49 =	vld [tilespmem:$0x2200]  }
0x18b: {  	v50 =	vld [tilespmem:$0x2240]  }
0x18c: {  	v51 =	vld [tilespmem:$0x2280]  }
0x18d: {  	v52 =	vld [tilespmem:$0x22C0]  }
0x18e: {  	v53 =	vld [tilespmem:$0x2300]  }
0x18f: {  	v54 =	vld [tilespmem:$0x2340]  }
0x190: {  	v55 =	vld [tilespmem:$0x2380]  }
0x191: {  	v56 =	vld [tilespmem:$0x23C0]  }
0x192: {  	v57 =	vld [tilespmem:$0x2400]  }
0x193: {  	v58 =	vld [tilespmem:$0x2440]  }
0x194: {  	v59 =	vld [tilespmem:$0x2480]  }
0x195: {  	v60 =	vld [tilespmem:$0x24C0]  }
0x196: {  	v47 =	vld [tilespmem:$0x2500]  }
0x197: {  	v46 =	vld [tilespmem:$0x2540]  }
0x198: {  	v45 =	vld [tilespmem:$0x2580]  }
0x199: {  	v61 =	vld [tilespmem:$0x21D0]  }
0x19a: {  	v62 =	vld [tilespmem:$0x2210]  }
0x19b: {  	v63 =	vld [tilespmem:$0x2250];
	v48 =	vmul.f32 v48, v1  }
0x19c: {  	v16 =	vld [tilespmem:$0x2290]  }
0x19d: {  	v22 =	vld [tilespmem:$0x22D0];
	v49 =	vmul.f32 v49, v2;
	v48 =	vadd.f32 $0.0e+00, v48  }
0x19e: {  	v24 =	vld [tilespmem:$0x2310]  }
0x19f: {  	v26 =	vld [tilespmem:$0x2350];
	v5 =	vmul.f32 v50, v3;
	v48 =	vadd.f32 v49, v48  }
0x1a0: {  	v28 =	vld [tilespmem:$0x2390]  }
0x1a1: {  	v61 =	vmul.f32 v61, v1;
	v48 =	vadd.f32 v5, v48;
	v5 =	vld [tilespmem:$0x1FFA0]  }
0x1a2: {  	v0 =	vld [tilespmem:$0x23D0]  }
0x1a3: {  	v62 =	vmul.f32 v62, v2;
	v50 =	vld [tilespmem:$0x2410];
	v61 =	vadd.f32 $0.0e+00, v61  }
0x1a4: {  	v6 =	vmul.f32 v51, v4;
	v51 =	vld [tilespmem:$0x2490]  }
0x1a5: {  	v61 =	vadd.f32 v62, v61;
	v62 =	vmul.f32 v63, v3;
	v63 =	vld [tilespmem:$0x2450]  }
0x1a6: {  	v48 =	vadd.f32 v6, v48;
	v6 =	vld [tilespmem:$0x1FFB0];
	v7 =	vmul.f32 v52, v5  }
0x1a7: {  	v16 =	vmul.f32 v16, v4;
	v61 =	vadd.f32 v62, v61;
	v62 =	vld [tilespmem:$0x24D0]  }
0x1a8: {  	v49 =	vadd.f32 v7, v48;
	v7 =	vld [tilespmem:$0x1FFC0]  }
0x1a9: {  	v16 =	vadd.f32 v16, v61;
	v61 =	vld [tilespmem:$0x2550]  }
0x1aa: {  	v52 =	vld [tilespmem:$0x2510];
	v22 =	vmul.f32 v22, v5  }
0x1ab: {  	v53 =	vmul.f32 v53, v6;
	v48 =	vld [tilespmem:$0x2590]  }
0x1ac: {  	v16 =	vadd.f32 v22, v16;
	v22 =	vmul.f32 v24, v6;
	v24 =	vld [tilespmem:$0x21E0]  }
0x1ad: {  	v49 =	vadd.f32 v53, v49;
	v53 =	vmul.f32 v54, v7;
	v54 =	vld [tilespmem:$0x21F0]  }
0x1ae: {  	v16 =	vadd.f32 v22, v16;
	v22 =	vmul.f32 v26, v7;
	v26 =	vld [tilespmem:$0x2220]  }
0x1af: {  	v49 =	vadd.f32 v53, v49;
	v53 =	vmul.f32 v55, v8;
	v55 =	vld [tilespmem:$0x2230]  }
0x1b0: {  	v16 =	vadd.f32 v22, v16;
	v22 =	vmul.f32 v28, v8;
	v28 =	vld [tilespmem:$0x2260]  }
0x1b1: {  	v49 =	vadd.f32 v53, v49;
	v53 =	vmul.f32 v56, v9;
	v56 =	vld [tilespmem:$0x2270]  }
0x1b2: {  	v24 =	vmul.f32 v24, v1;
	v54 =	vmul.f32 v54, v1;
	v1 =	vld [tilespmem:$0x1FFF0]  }
0x1b3: {  	v0 =	vmul.f32 v0, v9;
	v16 =	vadd.f32 v22, v16;
	v22 =	vld [tilespmem:$0x22A0]  }
0x1b4: {  	v24 =	vadd.f32 $0.0e+00, v24;
	v26 =	vmul.f32 v26, v2;
	v49 =	vadd.f32 v53, v49;
	v53 =	vld [tilespmem:$0x22B0]  }
0x1b5: {  	v0 =	vadd.f32 v0, v16;
	v16 =	vld [tilespmem:$0x22E0];
	v54 =	vadd.f32 $0.0e+00, v54;
	v55 =	vmul.f32 v55, v2  }
0x1b6: {  	v47 =	vmul.f32 v47, v13;
	v24 =	vadd.f32 v26, v24;
	v2 =	vmul.f32 v28, v3;
	v28 =	vld [tilespmem:$0x22F0]  }
0x1b7: {  	v54 =	vadd.f32 v55, v54;
	v55 =	vld [tilespmem:$0x2320];
	v56 =	vmul.f32 v56, v3;
	v50 =	vmul.f32 v50, v1  }
0x1b8: {  	v46 =	vmul.f32 v46, v15;
	v26 =	vld [tilespmem:$0x2330];
	v24 =	vadd.f32 v2, v24;
	v22 =	vmul.f32 v22, v4  }
0x1b9: {  	v53 =	vmul.f32 v53, v4;
	v0 =	vadd.f32 v50, v0;
	v50 =	vadd.f32 v56, v54;
	v54 =	vld [tilespmem:$0x2360]  }
0x1ba: {  	v51 =	vmul.f32 v51, v11;
	v22 =	vadd.f32 v22, v24;
	v16 =	vmul.f32 v16, v5;
	v24 =	vld [tilespmem:$0x2370]  }
0x1bb: {  	v3 =	vmul.f32 v63, v10;
	v63 =	vld [tilespmem:$0x23A0];
	v28 =	vmul.f32 v28, v5;
	v50 =	vadd.f32 v53, v50  }
0x1bc: {  	v57 =	vmul.f32 v57, v1;
	v4 =	vld [tilespmem:$0x23B0];
	v16 =	vadd.f32 v16, v22;
	v22 =	vmul.f32 v55, v6  }
0x1bd: {  	v2 =	vmul.f32 v58, v10;
	v5 =	vld [tilespmem:$0x23E0];
	v26 =	vmul.f32 v26, v6;
	v28 =	vadd.f32 v28, v50  }
0x1be: {  	v49 =	vadd.f32 v57, v49;
	v16 =	vadd.f32 v22, v16;
	v22 =	vmul.f32 v54, v7;
	v54 =	vld [tilespmem:$0x23F0]  }
0x1bf: {  	v52 =	vmul.f32 v52, v13;
	v24 =	vmul.f32 v24, v7;
	v26 =	vadd.f32 v26, v28;
	v28 =	vld [tilespmem:$0x2420]  }
0x1c0: {  	v49 =	vadd.f32 v2, v49;
	v53 =	vld [tilespmem:$0x2430];
	v16 =	vadd.f32 v22, v16;
	v22 =	vmul.f32 v63, v8  }
0x1c1: {  	v0 =	vadd.f32 v3, v0;
	v3 =	vmul.f32 v4, v8;
	v63 =	vld [tilespmem:$0x2460];
	v24 =	vadd.f32 v24, v26  }
0x1c2: {  	v6 =	vmul.f32 v59, v11;
	v16 =	vadd.f32 v22, v16;
	v22 =	vmul.f32 v5, v9;
	v5 =	vld [tilespmem:$0x2470]  }
0x1c3: {  	v55 =	vmul.f32 $0.0e+00, v48;
	v7 =	vld [tilespmem:$0x24A0];
	v24 =	vadd.f32 v3, v24;
	v54 =	vmul.f32 v54, v9  }
0x1c4: {  	v57 =	vld [tilespmem:$0x24B0];
	v49 =	vadd.f32 v6, v49;
	v16 =	vadd.f32 v22, v16;
	v22 =	vmul.f32 v28, v1  }
0x1c5: {  	v58 =	vld [tilespmem:$0x24E0];
	v0 =	vadd.f32 v51, v0;
	v53 =	vmul.f32 v53, v1;
	v24 =	vadd.f32 v54, v24  }
0x1c6: {  	v59 =	vld [tilespmem:$0x24F0];
	v4 =	vmul.f32 v60, v12;
	v16 =	vadd.f32 v22, v16;
	v22 =	vmul.f32 v63, v10  }
0x1c7: {  	v6 =	vmul.f32 v62, v12;
	v60 =	vld [tilespmem:$0x2520];
	v24 =	vadd.f32 v53, v24;
	v50 =	vmul.f32 v5, v10  }
0x1c8: {  	v62 =	vld [tilespmem:$0x2530];
	v49 =	vadd.f32 v4, v49;
	v16 =	vadd.f32 v22, v16;
	v22 =	vmul.f32 v7, v11  }
0x1c9: {  	v0 =	vadd.f32 v6, v0;
	v28 =	vmul.f32 v57, v11;
	v63 =	vld [tilespmem:$0x2560];
	v24 =	vadd.f32 v50, v24  }
0x1ca: {  	v4 =	vld [tilespmem:$0x2570];
	v47 =	vadd.f32 v47, v49;
	v16 =	vadd.f32 v22, v16;
	v22 =	vmul.f32 v58, v12  }
0x1cb: {  	v6 =	vld [tilespmem:$0x25A0];
	v0 =	vadd.f32 v52, v0;
	v26 =	vmul.f32 v59, v12;
	v24 =	vadd.f32 v28, v24  }
0x1cc: {  	v5 =	vmul.f32 v61, v15;
	v7 =	vld [tilespmem:$0x25B0];
	v16 =	vadd.f32 v22, v16;
	v22 =	vmul.f32 v60, v13  }
0x1cd: {  	v46 =	vadd.f32 v46, v47;
	v53 =	vmul.f32 v62, v13;
	v24 =	vadd.f32 v26, v24  }
0x1ce: {  	v0 =	vadd.f32 v5, v0;
	v54 =	vmul.f32 v63, v15;
	v16 =	vadd.f32 v22, v16  }
0x1cf: {  	v56 =	vmul.f32 v4, v15;
	v22 =	vmul.f32 $0.0e+00, v45;
	v24 =	vadd.f32 v53, v24  }
0x1d0: {  	v28 =	vmul.f32 $0.0e+00, v6;
	v0 =	vadd.f32 v55, v0;
	v16 =	vadd.f32 v54, v16  }
0x1d1: {  	v57 =	vmul.f32 $0.0e+00, v7;
	v22 =	vadd.f32 v22, v46;
	v24 =	vadd.f32 v56, v24  }
0x1d2: {  	[tilespmem:$0x2090] =	vst v0;
	v16 =	vadd.f32 v28, v16  }
0x1d3: {  	[tilespmem:$0x2080] =	vst v22;
	v58 =	vadd.f32 v57, v24  }
0x1d4: {  	[tilespmem:$0x20A0] =	vst v16  }
0x1d5: {  	v59 =	vld [tilespmem:$0x1FF50];
	[tilespmem:$0x20B0] =	vst v58  }
0x1d6: {  	v0 =	vld.idx.msk [tilespmem:v21+s11+$0x0], $0xffff;
	_ =	sdelay $0x4  }
0x1d7: {  	v0 =	vadd.f32 v0, v59  }
0x1d8: {  	v16 =	vcvt.s32.f32 v21  }
0x1d9: {  	vm3 =	vlt.f32 v0, $2.560000000e+02  }
0x1da: {  	v0 =	vnsel vm3, $0xBF800000, v16  }
0x1db: {  	v60 =	vld [tilespmem:$0x1FF40];
	[tilespmem:$0x2100] =	vst v0  }
0x1dc: {  	v0 =	vld.idx.msk [tilespmem:v23+s11+$0x0], $0xffff;
	_ =	sdelay $0x4  }
0x1dd: {  	v0 =	vadd.f32 v0, v60  }
0x1de: {  	v16 =	vcvt.s32.f32 v23  }
0x1df: {  	vm7 =	vlt.f32 v0, $2.560000000e+02  }
0x1e0: {  	v0 =	vnsel vm7, $0xBF800000, v16  }
0x1e1: {  	v61 =	vld [tilespmem:$0x1FF30];
	[tilespmem:$0x2110] =	vst v0  }
0x1e2: {  	v0 =	vld.idx.msk [tilespmem:v25+s11+$0x0], $0xffff;
	_ =	sdelay $0x4  }
0x1e3: {  	v0 =	vadd.f32 v0, v61  }
0x1e4: {  	v16 =	vcvt.s32.f32 v25  }
0x1e5: {  	vm8 =	vlt.f32 v0, $2.560000000e+02  }
0x1e6: {  	v0 =	vnsel vm8, $0xBF800000, v16  }
0x1e7: {  	v62 =	vld [tilespmem:$0x1FF20];
	[tilespmem:$0x2120] =	vst v0  }
0x1e8: {  	v0 =	vld.idx.msk [tilespmem:v27+s11+$0x0], $0xffff;
	_ =	sdelay $0x4  }
0x1e9: {  	v0 =	vadd.f32 v0, v62  }
0x1ea: {  	v16 =	vcvt.s32.f32 v27  }
0x1eb: {  	vm9 =	vlt.f32 v0, $2.560000000e+02  }
0x1ec: {  	v0 =	vnsel vm9, $0xBF800000, v16  }
0x1ed: {  	[tilespmem:$0x2130] =	vst v0  }
0x1ee: {  	v0 =	vld.idx.msk [tilespmem:v29+s11+$0x0], $0xffff;
	_ =	sdelay $0x4  }
0x1ef: {  	v0 =	vadd.f32 v0, v30  }
0x1f0: {  	v16 =	vcvt.s32.f32 v29  }
0x1f1: {  	vm10 =	vlt.f32 v0, $2.560000000e+02  }
0x1f2: {  	v0 =	vnsel vm10, $0xBF800000, v16  }
0x1f3: {  	[tilespmem:$0x2140] =	vst v0  }
0x1f4: {  	v0 =	vld.idx.msk [tilespmem:v31+s11+$0x0], $0xffff;
	_ =	sdelay $0x4  }
0x1f5: {  	v0 =	vadd.f32 v0, v32  }
0x1f6: {  	v16 =	vcvt.s32.f32 v31  }
0x1f7: {  	vm11 =	vlt.f32 v0, $2.560000000e+02  }
0x1f8: {  	v0 =	vnsel vm11, $0xBF800000, v16  }
0x1f9: {  	[tilespmem:$0x2150] =	vst v0  }
0x1fa: {  	v0 =	vld.idx.msk [tilespmem:v33+s11+$0x0], $0xffff;
	_ =	sdelay $0x4  }
0x1fb: {  	v0 =	vadd.f32 v0, v34  }
0x1fc: {  	v16 =	vcvt.s32.f32 v33  }
0x1fd: {  	vm12 =	vlt.f32 v0, $2.560000000e+02  }
0x1fe: {  	v0 =	vnsel vm12, $0xBF800000, v16;
	v16 =	vsub.s32 v44, v39  }
0x1ff: {  	v21 =	vsub.s32 v43, v42;
	v16 =	vcvt.s32.f32 v16;
	[tilespmem:$0x2160] =	vst v0  }
0x200: {  	v63 =	vadd.f32 v40, v36;
	v21 =	vcvt.s32.f32 v21;
	v22 =	vld.idx.msk [tilespmem:v35+s11+$0x0], $0xffff  }
0x201: {  	v16 =	vadd.f32 v16, v38  }
0x202: {  	vm13 =	vmmov vm1;
	v21 =	vadd.f32 v21, v41;
	v0 =	vsel vm0, v63, v37  }
0x203: {  	vm14 =	vmmov vm2;
	v0 =	vsel vm13, v16, v0  }
0x204: {  	v0 =	vsel vm14, v21, v0  }
0x205: {  	v0 =	vadd.f32 v22, v0  }
0x206: {  	v16 =	vcvt.s32.f32 v35  }
0x207: {  	s13 =	sadd.s32 $0x1, s13;
	vm15 =	vlt.f32 v0, $2.560000000e+02  }
0x208: {  	p0 =	sne.s32 s13, s7;
	v0 =	vnsel vm15, $0xBF800000, v16  }
.Ltmp16:
0x209: {  	[tilespmem:$0x2170] =	vst v0;
	(pc) =	sbr.rel @p0 .LBB2_1-.Ltmp16, $4  }
0x20a: {  	[hbm4b:s6+s3] =	stream.linear.scatter [tilespmem:s12], [sflag:$0x1], $0x80, $0x38;
	[tilespmem:$0x25C0] =	vst v63  }
0x20b: {  	_ =	swait.ge [sflag:s9], $0x80  }
0x20c: {  	[sflag:s9] =	ssyncset.done $0x0  }
0x20d: {  	[sflag:s9] =	ssyncadd.s32 $0xFFFFFF80  }
0x20e: {  	_ =	sfence.sel $0x180000  }
0x20f: {  	[bflag:$0x0] =	sbarrier.arrive $0xFFFF  }
0x210: {  	p0 =	sne.s32 s2, $0x0;
	_ =	strace $0x90000047  }
0x211: {  	s0 =	sadd.s32 @!p0 $0x100000, s0;
	[bflag:$0x2] =	sbarrier.arrive $0xFFFF  }
0x212: {  	[sflag:s0] =	ssyncadd.tile.s32 @!p0 $0x1;
	_ =	shalt  }
.Lfunc_end2:
_tile_overlayer_lowered:
.L_overlay_start_2:
0x213: {  	(tag) =	ssettag $0x2  }
0x214: {  	s0 =	rddreg [dreg:$0x0];
	s2 =	stileid.u32  }
0x215: {  	s1 =	rddreg [dreg:$0x1];
	p0 =	sne.s32 s2, $0x0  }
0x216: {  	s3 =	rddreg [dreg:$0x2];
	[bflag:$0x3] =	sbarrier.arrive $0xFFFF;
	s2 =	simm.s32 @!p0 $0x1C01  }
0x217: {  	[timem:s3], [sflag:s2] =	dma.local @!p0 [hbm:s0], s1  }
0x218: {  	s0 =	simm.s32 @!p0 $0x1  }
0x219: {  	_ =	swait.ge @!p0 [sflag:s0], s1  }
0x21a: {  	s1 =	ssub.s32 @!p0 $0x0, s1;
	[sflag:s0] =	ssyncset.done @!p0 $0x0  }
0x21b: {  	[sflag:s0] =	ssyncadd.s32 @!p0 s1  }
0x21c: {  	[bflag:$0x3] =	sbarrier.arrive $0xFFFF  }
0x21d: {  	_ =	shalt  }

</sc_bundles>
